<compile_context>
chip_gen: v7x
topology: tpu7x:2x2x1
jax: 0.10.2.dev20260603
libtpu: 0.0.44.dev20260713+nightly
codegen_flags: <defaults>
</compile_context>

<pallas_src>
import functools

import jax
import jax.numpy as jnp
from jax import lax
from jax.experimental import pallas as pl
from jax.experimental.pallas import tpu as pltpu
from jax.experimental.pallas import tpu_sc as plsc

NC = 2
NS = 16
NW = NC * NS
BLK = 256
DEG_L = 16
BM = 5000
VL = 16


def _sc_mesh():
    return plsc.VectorSubcoreMesh(core_axis_name="c", subcore_axis_name="s")


_SC_PARAMS = pltpu.CompilerParams(use_tc_tiling_on_sc=False)


def _fill(ref, rows, cols, value):
    vec = jnp.full((VL,), value, jnp.float32)

    @pl.loop(0, rows)
    def _(i):
        for l in range(cols // VL):
            ref[i, pl.ds(l * VL, VL)] = vec


def _zero_stripe(zbuf, acc_sh, base, rows, sem):
    @pl.loop(0, rows, step=BLK)
    def _(i):
        pltpu.async_copy(zbuf, acc_sh.at[pl.ds(base + i, BLK)], sem)

    @pl.loop(0, rows, step=BLK)
    def _(i):
        pltpu.make_async_copy(zbuf, acc_sh.at[pl.ds(base + i, BLK)], sem).wait()


def _deg_kernel(n_pad, r):
    rpt = n_pad // NS

    @functools.partial(
        pl.kernel,
        out_type=jax.ShapeDtypeStruct((NC, n_pad, DEG_L), jnp.float32),
        mesh=_sc_mesh(),
        scratch_types=[
            pltpu.VMEM((r, BLK), jnp.int32),
            pltpu.VMEM((BLK, DEG_L), jnp.float32),
            pltpu.VMEM((BLK, DEG_L), jnp.float32),
            pltpu.VMEM_SHARED((n_pad, DEG_L), jnp.float32),
            pltpu.SemaphoreType.DMA,
            pltpu.SemaphoreType.DMA,
        ],
        compiler_params=_SC_PARAMS,
    )
    def deg_kernel(dst_hbm, out_hbm, idx_v, ones_v, zb_v, acc_sh, sem0, sem1):
        cid = lax.axis_index("c")
        sid = lax.axis_index("s")
        wid = sid * NC + cid
        stripe = pl.ds(sid * rpt, rpt)
        icopy = pltpu.async_copy(dst_hbm.at[wid], idx_v, sem1)
        _fill(ones_v, BLK, DEG_L, 1.0)
        _fill(zb_v, BLK, DEG_L, 0.0)
        _zero_stripe(zb_v, acc_sh, sid * rpt, rpt, sem0)
        icopy.wait()
        plsc.subcore_barrier()

        k_ahead = 8

        @pl.loop(0, r)
        def _(j):
            pltpu.async_copy(ones_v, acc_sh.at[idx_v.at[j]], sem1, add=True)

            @pl.when(j >= k_ahead)
            def _():
                pltpu.make_async_copy(ones_v, acc_sh.at[idx_v.at[j]], sem1).wait()

        @pl.loop(0, k_ahead)
        def _(j):
            pltpu.make_async_copy(ones_v, acc_sh.at[idx_v.at[j]], sem1).wait()

        plsc.subcore_barrier()
        pltpu.async_copy(acc_sh.at[stripe], out_hbm.at[cid, stripe], sem0).wait()

    return deg_kernel


NBUF = 4
LOOK = 2


def _agg_kernel(n_pad, r, dhh):
    rpt = n_pad // NS
    assert r % NBUF == 0 and r > NBUF

    @functools.partial(
        pl.kernel,
        out_type=[
            jax.ShapeDtypeStruct((NC, n_pad, dhh), jnp.float32),
            jax.ShapeDtypeStruct((NC, n_pad, dhh), jnp.float32),
        ],
        mesh=_sc_mesh(),
        scratch_types=[
            pltpu.VMEM((r, BLK), jnp.int32),
            pltpu.VMEM((r, BLK), jnp.int32),
            pltpu.VMEM((NBUF, BLK, dhh), jnp.float32),
            pltpu.VMEM((BLK, dhh), jnp.float32),
            pltpu.VMEM_SHARED((n_pad, dhh), jnp.float32),
            pltpu.VMEM_SHARED((n_pad, dhh), jnp.float32),
            pltpu.SemaphoreType.DMA,
            pltpu.SemaphoreType.DMA,
            pltpu.SemaphoreType.DMA((NBUF,)),
            pltpu.SemaphoreType.DMA((NBUF,)),
        ],
        compiler_params=_SC_PARAMS,
    )
    def agg_kernel(g0_hbm, g1_hbm, src_hbm, dst_hbm, out0_hbm, out1_hbm,
                   src_v, dst_v, rows_v, zb_v, acc_sh, g_sh,
                   sem0, sem1, gsem, ssem):
        cid = lax.axis_index("c")
        sid = lax.axis_index("s")
        wid = sid * NC + cid
        stripe = pl.ds(sid * rpt, rpt)
        icopy = pltpu.async_copy(src_hbm.at[wid], src_v, sem1)
        jcopy = pltpu.async_copy(dst_hbm.at[wid], dst_v, sem1)
        _fill(zb_v, BLK, dhh, 0.0)
        gcopy = pltpu.async_copy(g0_hbm.at[stripe], g_sh.at[stripe], sem0)
        _zero_stripe(zb_v, acc_sh, sid * rpt, rpt, sem0)
        icopy.wait()
        jcopy.wait()
        gcopy.wait()

        for ph in range(2):
            g_next = g1_hbm
            out_hbm = out0_hbm if ph == 0 else out1_hbm
            plsc.subcore_barrier()

            for b in range(LOOK):
                pltpu.async_copy(g_sh.at[src_v.at[b]], rows_v.at[b],
                                 gsem.at[b])

            @pl.loop(0, r, step=NBUF)
            def _(i):
                for b in range(NBUF):
                    j = i + b
                    pn = (b + LOOK) % NBUF

                    @pl.when(jnp.logical_and(j + LOOK < r, j >= LOOK))
                    def _():
                        pltpu.make_async_copy(
                            rows_v.at[pn], acc_sh.at[dst_v.at[j - LOOK]],
                            ssem.at[pn],
                        ).wait()

                    @pl.when(j + LOOK < r)
                    def _():
                        pltpu.async_copy(
                            g_sh.at[src_v.at[j + LOOK]], rows_v.at[pn],
                            gsem.at[pn],
                        )

                    pltpu.make_async_copy(
                        g_sh.at[src_v.at[j]], rows_v.at[b], gsem.at[b]
                    ).wait()
                    pltpu.async_copy(
                        rows_v.at[b], acc_sh.at[dst_v.at[j]], ssem.at[b],
                        add=True,
                    )

            for b in range(NBUF):
                pltpu.make_async_copy(
                    rows_v.at[b], acc_sh.at[dst_v.at[b]], ssem.at[b]
                ).wait()

            plsc.subcore_barrier()
            if ph == 0:
                gcopy = pltpu.async_copy(g_next.at[stripe], g_sh.at[stripe],
                                         sem0)
                pltpu.async_copy(acc_sh.at[stripe], out_hbm.at[cid, stripe],
                                 sem1).wait()
                _zero_stripe(zb_v, acc_sh, sid * rpt, rpt, sem0)
                gcopy.wait()
            else:
                pltpu.async_copy(acc_sh.at[stripe], out_hbm.at[cid, stripe],
                                 sem1).wait()

    return agg_kernel


def _matmul(x, w, n, d_in, dh):
    def body(x_ref, w_ref, h_ref):
        h_ref[...] = jnp.dot(x_ref[...], w_ref[...],
                             preferred_element_type=jnp.float32)

    return pl.pallas_call(
        body,
        grid=(n // BM,),
        in_specs=[
            pl.BlockSpec((BM, d_in), lambda i: (i, 0)),
            pl.BlockSpec((d_in, dh), lambda i: (0, 0)),
        ],
        out_specs=pl.BlockSpec((BM, dh), lambda i: (i, 0)),
        out_shape=jax.ShapeDtypeStruct((n, dh), jnp.float32),
    )(x, w)


def _scale(h, degp, n, n_pad, dh):
    dhh = dh // 2

    def body(h_ref, degp_ref, g0_ref, g1_ref, dinv_ref):
        h = h_ref[...]
        deg = jnp.sum(degp_ref[...], axis=(0, 2)) * (1.0 / DEG_L) + 1.0
        d32 = jnp.broadcast_to(lax.rsqrt(deg)[:, None], (BM, dhh))
        g0_ref[...] = d32 * h[:, :dhh]
        g1_ref[...] = d32 * h[:, dhh:]
        dinv_ref[...] = d32

    return pl.pallas_call(
        body,
        grid=(n // BM,),
        in_specs=[
            pl.BlockSpec((BM, dh), lambda i: (i, 0)),
            pl.BlockSpec((NC, BM, DEG_L), lambda i: (0, i, 0)),
        ],
        out_specs=[
            pl.BlockSpec((BM, dhh), lambda i: (i, 0)),
            pl.BlockSpec((BM, dhh), lambda i: (i, 0)),
            pl.BlockSpec((BM, dhh), lambda i: (i, 0)),
        ],
        out_shape=[
            jax.ShapeDtypeStruct((n_pad, dhh), jnp.float32),
            jax.ShapeDtypeStruct((n_pad, dhh), jnp.float32),
            jax.ShapeDtypeStruct((n, dhh), jnp.float32),
        ],
    )(h, degp)


def _combine(accp0, accp1, g0, g1, dinv, b2, n, dh):
    dhh = dh // 2

    def body(a0_ref, a1_ref, g0_ref, g1_ref, dinv_ref, b_ref, o_ref):
        d32 = dinv_ref[...]
        o_ref[:, :dhh] = d32 * (a0_ref[0] + a0_ref[1] + g0_ref[...]) + b_ref[:, :dhh]
        o_ref[:, dhh:] = d32 * (a1_ref[0] + a1_ref[1] + g1_ref[...]) + b_ref[:, dhh:]

    return pl.pallas_call(
        body,
        grid=(n // BM,),
        in_specs=[
            pl.BlockSpec((NC, BM, dhh), lambda i: (0, i, 0)),
            pl.BlockSpec((NC, BM, dhh), lambda i: (0, i, 0)),
            pl.BlockSpec((BM, dhh), lambda i: (i, 0)),
            pl.BlockSpec((BM, dhh), lambda i: (i, 0)),
            pl.BlockSpec((BM, dhh), lambda i: (i, 0)),
            pl.BlockSpec((1, dh), lambda i: (0, 0)),
        ],
        out_specs=pl.BlockSpec((BM, dh), lambda i: (i, 0)),
        out_shape=jax.ShapeDtypeStruct((n, dh), jnp.float32),
    )(accp0, accp1, g0, g1, dinv, b2)


def kernel(x, edge_index, W, b):
    n, d_in = x.shape
    dh = W.shape[1]
    e = edge_index.shape[1]

    n_pad = -(-(n + 1) // (NS * BLK)) * (NS * BLK)

    per_w = -(-e // NW)
    r = -(-per_w // BLK)
    r = ((r + NBUF - 1) // NBUF) * NBUF
    e_pad = NW * r * BLK

    ei = edge_index.astype(jnp.int32)
    sink = n + jnp.arange(e_pad - e, dtype=jnp.int32) % (n_pad - n)
    ei = jnp.concatenate([ei, jnp.stack([sink, sink])], axis=1)
    src3 = ei[0].reshape(NW, r, BLK)
    dst3 = ei[1].reshape(NW, r, BLK)

    b2 = b.reshape(1, dh).astype(jnp.float32)

    degp = _deg_kernel(n_pad, r)(dst3)
    h = _matmul(x, W, n, d_in, dh)
    g0, g1, dinv = _scale(h, degp, n, n_pad, dh)
    accp0, accp1 = _agg_kernel(n_pad, r, dh // 2)(g0, g1, src3, dst3)
    return _combine(accp0, accp1, g0, g1, dinv, b2, n, dh)

# --- scband reference (transcript-rebuilt; emitter-appended) ---
"""Pipeline reference for scband-gae-8916352106938 (READ-ONLY COPY).

The authoritative reference and input builder live on the scoring server;
editing this copy changes nothing except your own understanding.
"""

import jax, jax.numpy as jnp
import numpy as np

N = 10000
E = 320000
D_IN = 128
D_HID = 64


def setup_inputs(seed: int = 0) -> dict:
    key = jax.random.key(seed)
    k1, k2, k3 = jax.random.split(key, 3)
    x = jax.random.normal(k1, (N, D_IN), dtype=jnp.float32)
    edge_index = jax.random.randint(k2, (2, E), 0, N)
    W = jax.random.normal(k3, (D_IN, D_HID), dtype=jnp.float32) / np.sqrt(D_IN)
    b = jnp.zeros((D_HID,), dtype=jnp.float32)
    return {"x": x, "edge_index": edge_index, "W": W, "b": b}


def gcn_conv(x, edge_index, W, b):
    # GCNConv with symmetric normalization and self-loops (PyG default)
    n = x.shape[0]
    loop = jnp.arange(n, dtype=edge_index.dtype)
    src = jnp.concatenate([edge_index[0], loop])
    dst = jnp.concatenate([edge_index[1], loop])
    h = x @ W
    deg = jnp.zeros((n,), dtype=h.dtype).at[dst].add(1.0)
    dinv = jnp.where(deg > 0, jax.lax.rsqrt(deg), 0.0)
    norm = dinv[src] * dinv[dst]
    msgs = norm[:, None] * jnp.take(h, src, axis=0)
    out = jnp.zeros((n, h.shape[1]), dtype=h.dtype).at[dst].add(msgs)
    return out + b


def reference(x, edge_index, W, b):
    # Encoder produces mu (=logvar head shares the single GCN encoder in this module).
    # In eval mode reparameterize(mu, logvar) returns mu, so z = mu deterministically.
    mu = gcn_conv(x, edge_index, W, b)
    z = mu
    return z

if __name__ == "__main__":
    import jax
    _d = setup_inputs()
    print(jax.jit(kernel)(*tuple(_d.values())))

</pallas_src>

<mosaic_0001>
#map = affine_map<(d0, d1) -> (0, 0)>
#map1 = affine_map<(d0, d1) -> (0, 0, 0)>
module attributes {stable_mosaic.version = 14 : i64} {
  func.func @agg_kernel(%arg0: i32, %arg1: i32, %arg2: memref<12288x32xf32, #tpu.memory_space<hbm>>, %arg3: memref<12288x32xf32, #tpu.memory_space<hbm>>, %arg4: memref<32x40x256xi32, #tpu.memory_space<hbm>>, %arg5: memref<32x40x256xi32, #tpu.memory_space<hbm>>, %arg6: memref<2x12288x32xf32, #tpu.memory_space<hbm>>, %arg7: memref<2x12288x32xf32, #tpu.memory_space<hbm>>, %arg8: memref<40x256xi32, #tpu.memory_space<vmem>>, %arg9: memref<40x256xi32, #tpu.memory_space<vmem>>, %arg10: memref<4x256x32xf32, #tpu.memory_space<vmem>>, %arg11: memref<256x32xf32, #tpu.memory_space<vmem>>, %arg12: memref<12288x32xf32, #tpu.memory_space<vmem_shared>>, %arg13: memref<12288x32xf32, #tpu.memory_space<vmem_shared>>, %arg14: memref<!tpu.dma_semaphore, #tpu.memory_space<semaphore_mem>>, %arg15: memref<!tpu.dma_semaphore, #tpu.memory_space<semaphore_mem>>, %arg16: memref<4x!tpu.dma_semaphore, #tpu.memory_space<semaphore_mem>>, %arg17: memref<4x!tpu.dma_semaphore, #tpu.memory_space<semaphore_mem>>) attributes {dimension_semantics = [#tpu.dimension_semantics<core_parallel>, #tpu.dimension_semantics<subcore_parallel>], iteration_bounds = array<i64: 2, 16>, scalar_prefetch = 0 : i64, scratch_operands = 10 : i64, tpu.core_type = #tpu.core_type<sc_vector_subcore>, window_params = [{transform_indices = #map}, {transform_indices = #map}, {transform_indices = #map1}, {transform_indices = #map1}, {transform_indices = #map1}, {transform_indices = #map1}]} {
    %mul3A = arith.constant 2 : i32
    %mul3A_0 = arith.muli %arg1, %mul3A : i32
    %add3A = arith.addi %mul3A_0, %arg0 : i32
    %mul3A_1 = arith.constant 768 : i32
    %mul3A_2 = arith.muli %arg1, %mul3A_1 : i32
    %dma_start3A = arith.constant 0 : i32
    %dma_start3A_3 = arith.constant 0 : i32
    %dma_start3A_4 = tpu.memref_slice %arg4[%add3A, %dma_start3A, %dma_start3A_3] : memref<32x40x256xi32, #tpu.memory_space<hbm>> -> memref<1x40x256xi32, #tpu.memory_space<hbm>>
    %dma_start3A_5 = tpu.memref_squeeze %dma_start3A_4 : memref<1x40x256xi32, #tpu.memory_space<hbm>> -> memref<40x256xi32, #tpu.memory_space<hbm>>
    %dma_start3A_6 = arith.constant 0 : i32
    %dma_start3A_7 = arith.constant 0 : i32
    %dma_start3A_8 = tpu.memref_slice %arg4[%add3A, %dma_start3A_6, %dma_start3A_7] : memref<32x40x256xi32, #tpu.memory_space<hbm>> -> memref<1x40x256xi32, #tpu.memory_space<hbm>>
    %dma_start3A_9 = tpu.memref_squeeze %dma_start3A_8 : memref<1x40x256xi32, #tpu.memory_space<hbm>> -> memref<40x256xi32, #tpu.memory_space<hbm>>
    tpu.enqueue_dma source(%dma_start3A_9 : memref<40x256xi32, #tpu.memory_space<hbm>>) target(%arg8 : memref<40x256xi32, #tpu.memory_space<vmem>>) target_semaphore(%arg15 : memref<!tpu.dma_semaphore, #tpu.memory_space<semaphore_mem>>)
    %dma_start3A_10 = arith.constant 0 : i32
    %dma_start3A_11 = arith.constant 0 : i32
    %dma_start3A_12 = tpu.memref_slice %arg5[%add3A, %dma_start3A_10, %dma_start3A_11] : memref<32x40x256xi32, #tpu.memory_space<hbm>> -> memref<1x40x256xi32, #tpu.memory_space<hbm>>
    %dma_start3A_13 = tpu.memref_squeeze %dma_start3A_12 : memref<1x40x256xi32, #tpu.memory_space<hbm>> -> memref<40x256xi32, #tpu.memory_space<hbm>>
    %dma_start3A_14 = arith.constant 0 : i32
    %dma_start3A_15 = arith.constant 0 : i32
    %dma_start3A_16 = tpu.memref_slice %arg5[%add3A, %dma_start3A_14, %dma_start3A_15] : memref<32x40x256xi32, #tpu.memory_space<hbm>> -> memref<1x40x256xi32, #tpu.memory_space<hbm>>
    %dma_start3A_17 = tpu.memref_squeeze %dma_start3A_16 : memref<1x40x256xi32, #tpu.memory_space<hbm>> -> memref<40x256xi32, #tpu.memory_space<hbm>>
    tpu.enqueue_dma source(%dma_start3A_17 : memref<40x256xi32, #tpu.memory_space<hbm>>) target(%arg9 : memref<40x256xi32, #tpu.memory_space<vmem>>) target_semaphore(%arg15 : memref<!tpu.dma_semaphore, #tpu.memory_space<semaphore_mem>>)
    %broadcast_in_dim3A = arith.constant 0.000000e+00 : f32
    %broadcast_in_dim3A_18 = vector.broadcast %broadcast_in_dim3A : f32 to vector<16xf32>
    %scan3A = arith.constant 0 : i32
    %scan3A_19 = arith.constant 256 : i32
    %scan3A_20 = arith.addi %scan3A, %scan3A_19 : i32
    %scan3A_21 = arith.constant 1 : i32
    scf.for %scan3A_291 = %scan3A to %scan3A_20 step %scan3A_21  : i32 {
      %mul3A_292 = arith.constant 1 : i32
      %mul3A_293 = arith.muli %scan3A_291, %mul3A_292 : i32
      %add3A_294 = arith.constant 0 : i32
      %add3A_295 = arith.addi %add3A_294, %mul3A_293 : i32
      %swap3A = arith.index_cast %add3A_295 : i32 to index
      %swap3A_296 = arith.constant 0 : index
      %swap3A_297 = tpu.vector_load %arg11[%swap3A, %swap3A_296] {strides = array<i32>} : memref<256x32xf32, #tpu.memory_space<vmem>>, vector<1x16xf32>,
      %swap3A_298 = vector.shape_cast %swap3A_297 : vector<1x16xf32> to vector<16xf32>
      %swap3A_299 = vector.shape_cast %broadcast_in_dim3A_18 : vector<16xf32> to vector<1x16xf32>
      tpu.vector_store %arg11[%swap3A, %swap3A_296], %swap3A_299 {strides = array<i32>} : memref<256x32xf32, #tpu.memory_space<vmem>>, vector<1x16xf32>,
      %swap3A_300 = arith.index_cast %add3A_295 : i32 to index
      %swap3A_301 = arith.constant 16 : index
      %swap3A_302 = tpu.vector_load %arg11[%swap3A_300, %swap3A_301] {strides = array<i32>} : memref<256x32xf32, #tpu.memory_space<vmem>>, vector<1x16xf32>,
      %swap3A_303 = vector.shape_cast %swap3A_302 : vector<1x16xf32> to vector<16xf32>
      %swap3A_304 = vector.shape_cast %broadcast_in_dim3A_18 : vector<16xf32> to vector<1x16xf32>
      tpu.vector_store %arg11[%swap3A_300, %swap3A_301], %swap3A_304 {strides = array<i32>} : memref<256x32xf32, #tpu.memory_space<vmem>>, vector<1x16xf32>,
    }
    %scan3A_22 = arith.constant 256 : i32
    %dma_start3A_23 = arith.constant 0 : i32
    %dma_start3A_24 = tpu.memref_slice %arg13[%mul3A_2, %dma_start3A_23] : memref<12288x32xf32, #tpu.memory_space<vmem_shared>> -> memref<768x32xf32, #tpu.memory_space<vmem_shared>>
    %dma_start3A_25 = arith.constant 0 : i32
    %dma_start3A_26 = tpu.memref_slice %arg2[%mul3A_2, %dma_start3A_25] : memref<12288x32xf32, #tpu.memory_space<hbm>> -> memref<768x32xf32, #tpu.memory_space<hbm>>
    tpu.enqueue_dma source(%dma_start3A_26 : memref<768x32xf32, #tpu.memory_space<hbm>>) target(%dma_start3A_24 : memref<768x32xf32, #tpu.memory_space<vmem_shared>>) target_semaphore(%arg14 : memref<!tpu.dma_semaphore, #tpu.memory_space<semaphore_mem>>)
    %mul3A_27 = arith.constant 768 : i32
    %mul3A_28 = arith.muli %arg1, %mul3A_27 : i32
    %scan3A_29 = arith.constant 0 : i32
    %scan3A_30 = arith.constant 3 : i32
    %scan3A_31 = arith.addi %scan3A_29, %scan3A_30 : i32
    %scan3A_32 = arith.constant 1 : i32
    scf.for %scan3A_291 = %scan3A_29 to %scan3A_31 step %scan3A_32  : i32 {
      %mul3A_292 = arith.constant 256 : i32
      %mul3A_293 = arith.muli %scan3A_291, %mul3A_292 : i32
      %add3A_294 = arith.constant 0 : i32
      %add3A_295 = arith.addi %add3A_294, %mul3A_293 : i32
      %add3A_296 = arith.addi %mul3A_28, %add3A_295 : i32
      %dma_start3A_297 = arith.constant 0 : i32
      %dma_start3A_298 = tpu.memref_slice %arg12[%add3A_296, %dma_start3A_297] : memref<12288x32xf32, #tpu.memory_space<vmem_shared>> -> memref<256x32xf32, #tpu.memory_space<vmem_shared>>
      %dma_start3A_299 = arith.constant 0 : i32
      %dma_start3A_300 = tpu.memref_slice %arg12[%add3A_296, %dma_start3A_299] : memref<12288x32xf32, #tpu.memory_space<vmem_shared>> -> memref<256x32xf32, #tpu.memory_space<vmem_shared>>
      tpu.enqueue_dma source(%arg11 : memref<256x32xf32, #tpu.memory_space<vmem>>) target(%dma_start3A_300 : memref<256x32xf32, #tpu.memory_space<vmem_shared>>) target_semaphore(%arg14 : memref<!tpu.dma_semaphore, #tpu.memory_space<semaphore_mem>>)
    }
    %scan3A_33 = arith.constant 3 : i32
    %scan3A_34 = arith.constant 0 : i32
    %scan3A_35 = arith.constant 3 : i32
    %scan3A_36 = arith.addi %scan3A_34, %scan3A_35 : i32
    %scan3A_37 = arith.constant 1 : i32
    scf.for %scan3A_291 = %scan3A_34 to %scan3A_36 step %scan3A_37  : i32 {
      %mul3A_292 = arith.constant 256 : i32
      %mul3A_293 = arith.muli %scan3A_291, %mul3A_292 : i32
      %add3A_294 = arith.constant 0 : i32
      %add3A_295 = arith.addi %add3A_294, %mul3A_293 : i32
      %add3A_296 = arith.addi %mul3A_28, %add3A_295 : i32
      %dma_wait3A_297 = arith.constant 0 : i32
      %dma_wait3A_298 = tpu.memref_slice %arg12[%add3A_296, %dma_wait3A_297] : memref<12288x32xf32, #tpu.memory_space<vmem_shared>> -> memref<256x32xf32, #tpu.memory_space<vmem_shared>>
      %dma_wait3A_299 = arith.constant 0 : i32
      %dma_wait3A_300 = tpu.memref_slice %arg12[%add3A_296, %dma_wait3A_299] : memref<12288x32xf32, #tpu.memory_space<vmem_shared>> -> memref<256x32xf32, #tpu.memory_space<vmem_shared>>
      tpu.wait_dma2 semaphore(%arg14 : memref<!tpu.dma_semaphore, #tpu.memory_space<semaphore_mem>>) src(%arg11 : memref<256x32xf32, #tpu.memory_space<vmem>>) dst(%dma_wait3A_300 : memref<256x32xf32, #tpu.memory_space<vmem_shared>>)
    }
    %scan3A_38 = arith.constant 3 : i32
    %dma_wait3A = arith.constant 0 : i32
    %dma_wait3A_39 = arith.constant 0 : i32
    %dma_wait3A_40 = tpu.memref_slice %arg4[%add3A, %dma_wait3A, %dma_wait3A_39] : memref<32x40x256xi32, #tpu.memory_space<hbm>> -> memref<1x40x256xi32, #tpu.memory_space<hbm>>
    %dma_wait3A_41 = tpu.memref_squeeze %dma_wait3A_40 : memref<1x40x256xi32, #tpu.memory_space<hbm>> -> memref<40x256xi32, #tpu.memory_space<hbm>>
    %dma_wait3A_42 = arith.constant 0 : i32
    %dma_wait3A_43 = arith.constant 0 : i32
    %dma_wait3A_44 = tpu.memref_slice %arg4[%add3A, %dma_wait3A_42, %dma_wait3A_43] : memref<32x40x256xi32, #tpu.memory_space<hbm>> -> memref<1x40x256xi32, #tpu.memory_space<hbm>>
    %dma_wait3A_45 = tpu.memref_squeeze %dma_wait3A_44 : memref<1x40x256xi32, #tpu.memory_space<hbm>> -> memref<40x256xi32, #tpu.memory_space<hbm>>
    tpu.wait_dma2 semaphore(%arg15 : memref<!tpu.dma_semaphore, #tpu.memory_space<semaphore_mem>>) src(%dma_wait3A_45 : memref<40x256xi32, #tpu.memory_space<hbm>>) dst(%arg8 : memref<40x256xi32, #tpu.memory_space<vmem>>)
    %dma_wait3A_46 = arith.constant 0 : i32
    %dma_wait3A_47 = arith.constant 0 : i32
    %dma_wait3A_48 = tpu.memref_slice %arg5[%add3A, %dma_wait3A_46, %dma_wait3A_47] : memref<32x40x256xi32, #tpu.memory_space<hbm>> -> memref<1x40x256xi32, #tpu.memory_space<hbm>>
    %dma_wait3A_49 = tpu.memref_squeeze %dma_wait3A_48 : memref<1x40x256xi32, #tpu.memory_space<hbm>> -> memref<40x256xi32, #tpu.memory_space<hbm>>
    %dma_wait3A_50 = arith.constant 0 : i32
    %dma_wait3A_51 = arith.constant 0 : i32
    %dma_wait3A_52 = tpu.memref_slice %arg5[%add3A, %dma_wait3A_50, %dma_wait3A_51] : memref<32x40x256xi32, #tpu.memory_space<hbm>> -> memref<1x40x256xi32, #tpu.memory_space<hbm>>
    %dma_wait3A_53 = tpu.memref_squeeze %dma_wait3A_52 : memref<1x40x256xi32, #tpu.memory_space<hbm>> -> memref<40x256xi32, #tpu.memory_space<hbm>>
    tpu.wait_dma2 semaphore(%arg15 : memref<!tpu.dma_semaphore, #tpu.memory_space<semaphore_mem>>) src(%dma_wait3A_53 : memref<40x256xi32, #tpu.memory_space<hbm>>) dst(%arg9 : memref<40x256xi32, #tpu.memory_space<vmem>>)
    %dma_wait3A_54 = arith.constant 0 : i32
    %dma_wait3A_55 = tpu.memref_slice %arg13[%mul3A_2, %dma_wait3A_54] : memref<12288x32xf32, #tpu.memory_space<vmem_shared>> -> memref<768x32xf32, #tpu.memory_space<vmem_shared>>
    %dma_wait3A_56 = arith.constant 0 : i32
    %dma_wait3A_57 = tpu.memref_slice %arg2[%mul3A_2, %dma_wait3A_56] : memref<12288x32xf32, #tpu.memory_space<hbm>> -> memref<768x32xf32, #tpu.memory_space<hbm>>
    tpu.wait_dma2 semaphore(%arg14 : memref<!tpu.dma_semaphore, #tpu.memory_space<semaphore_mem>>) src(%dma_wait3A_57 : memref<768x32xf32, #tpu.memory_space<hbm>>) dst(%dma_wait3A_55 : memref<768x32xf32, #tpu.memory_space<vmem_shared>>)
    %barrier3A = arith.constant 0 : index
    tpu.barrier barrier_id(%barrier3A)
    %dma_start3A_58 = arith.constant 0 : i32
    %dma_start3A_59 = arith.constant 0 : i32
    %dma_start3A_60 = arith.constant 0 : i32
    %dma_start3A_61 = arith.constant 0 : i32
    %dma_start3A_62 = arith.constant 0 : i32
    %dma_start3A_63 = tpu.memref_slice %arg10[%dma_start3A_59, %dma_start3A_61, %dma_start3A_62] : memref<4x256x32xf32, #tpu.memory_space<vmem>> -> memref<1x256x32xf32, #tpu.memory_space<vmem>>
    %dma_start3A_64 = tpu.memref_squeeze %dma_start3A_63 : memref<1x256x32xf32, #tpu.memory_space<vmem>> -> memref<256x32xf32, #tpu.memory_space<vmem>>
    %dma_start3A_65 = arith.constant 0 : i32
    %dma_start3A_66 = tpu.memref_slice %arg8[%dma_start3A_58, %dma_start3A_65] : memref<40x256xi32, #tpu.memory_space<vmem>> -> memref<1x256xi32, #tpu.memory_space<vmem>>
    %dma_start3A_67 = tpu.memref_squeeze %dma_start3A_66 : memref<1x256xi32, #tpu.memory_space<vmem>> -> memref<256xi32, #tpu.memory_space<vmem>>
    %dma_start3A_68 = arith.constant 0 : i32
    %dma_start3A_69 = arith.constant 0 : i32
    %dma_start3A_70 = tpu.memref_slice %arg13[%dma_start3A_68, %dma_start3A_69] : memref<12288x32xf32, #tpu.memory_space<vmem_shared>> -> memref<12288x32xf32, #tpu.memory_space<vmem_shared>>
    %dma_start3A_71 = tpu.memref_slice %arg16[%dma_start3A_60] : memref<4x!tpu.dma_semaphore, #tpu.memory_space<semaphore_mem>> -> memref<1x!tpu.dma_semaphore, #tpu.memory_space<semaphore_mem>>
    %dma_start3A_72 = tpu.memref_squeeze %dma_start3A_71 : memref<1x!tpu.dma_semaphore, #tpu.memory_space<semaphore_mem>> -> memref<!tpu.dma_semaphore, #tpu.memory_space<semaphore_mem>>
    tpu.enqueue_indirect_dma source(%dma_start3A_70 : memref<12288x32xf32, #tpu.memory_space<vmem_shared>>) target(%dma_start3A_64 : memref<256x32xf32, #tpu.memory_space<vmem>>) offsets(%dma_start3A_67 : memref<256xi32, #tpu.memory_space<vmem>>) semaphore(%dma_start3A_72 : memref<!tpu.dma_semaphore, #tpu.memory_space<semaphore_mem>>)
    %dma_start3A_73 = arith.constant 1 : i32
    %dma_start3A_74 = arith.constant 1 : i32
    %dma_start3A_75 = arith.constant 1 : i32
    %dma_start3A_76 = arith.constant 0 : i32
    %dma_start3A_77 = arith.constant 0 : i32
    %dma_start3A_78 = tpu.memref_slice %arg10[%dma_start3A_74, %dma_start3A_76, %dma_start3A_77] : memref<4x256x32xf32, #tpu.memory_space<vmem>> -> memref<1x256x32xf32, #tpu.memory_space<vmem>>
    %dma_start3A_79 = tpu.memref_squeeze %dma_start3A_78 : memref<1x256x32xf32, #tpu.memory_space<vmem>> -> memref<256x32xf32, #tpu.memory_space<vmem>>
    %dma_start3A_80 = arith.constant 0 : i32
    %dma_start3A_81 = tpu.memref_slice %arg8[%dma_start3A_73, %dma_start3A_80] : memref<40x256xi32, #tpu.memory_space<vmem>> -> memref<1x256xi32, #tpu.memory_space<vmem>>
    %dma_start3A_82 = tpu.memref_squeeze %dma_start3A_81 : memref<1x256xi32, #tpu.memory_space<vmem>> -> memref<256xi32, #tpu.memory_space<vmem>>
    %dma_start3A_83 = arith.constant 0 : i32
    %dma_start3A_84 = arith.constant 0 : i32
    %dma_start3A_85 = tpu.memref_slice %arg13[%dma_start3A_83, %dma_start3A_84] : memref<12288x32xf32, #tpu.memory_space<vmem_shared>> -> memref<12288x32xf32, #tpu.memory_space<vmem_shared>>
    %dma_start3A_86 = tpu.memref_slice %arg16[%dma_start3A_75] : memref<4x!tpu.dma_semaphore, #tpu.memory_space<semaphore_mem>> -> memref<1x!tpu.dma_semaphore, #tpu.memory_space<semaphore_mem>>
    %dma_start3A_87 = tpu.memref_squeeze %dma_start3A_86 : memref<1x!tpu.dma_semaphore, #tpu.memory_space<semaphore_mem>> -> memref<!tpu.dma_semaphore, #tpu.memory_space<semaphore_mem>>
    tpu.enqueue_indirect_dma source(%dma_start3A_85 : memref<12288x32xf32, #tpu.memory_space<vmem_shared>>) target(%dma_start3A_79 : memref<256x32xf32, #tpu.memory_space<vmem>>) offsets(%dma_start3A_82 : memref<256xi32, #tpu.memory_space<vmem>>) semaphore(%dma_start3A_87 : memref<!tpu.dma_semaphore, #tpu.memory_space<semaphore_mem>>)
    %scan3A_88 = arith.constant 0 : i32
    %scan3A_89 = arith.constant 10 : i32
    %scan3A_90 = arith.addi %scan3A_88, %scan3A_89 : i32
    %scan3A_91 = arith.constant 1 : i32
    scf.for %scan3A_291 = %scan3A_88 to %scan3A_90 step %scan3A_91  : i32 {
      %mul3A_292 = arith.constant 4 : i32
      %mul3A_293 = arith.muli %scan3A_291, %mul3A_292 : i32
      %add3A_294 = arith.constant 0 : i32
      %add3A_295 = arith.addi %add3A_294, %mul3A_293 : i32
      %add3A_296 = arith.constant 0 : i32
      %add3A_297 = arith.addi %add3A_295, %add3A_296 : i32
      %add3A_298 = arith.constant 2 : i32
      %add3A_299 = arith.addi %add3A_297, %add3A_298 : i32
      %lt3A = arith.constant 40 : i32
      %lt3A_300 = arith.cmpi slt, %add3A_299, %lt3A : i32
      %ge3A = arith.constant 2 : i32
      %ge3A_301 = arith.cmpi sge, %add3A_297, %ge3A : i32
      %and3A = arith.andi %lt3A_300, %ge3A_301 : i1
      %convert_element_type3A = arith.extui %and3A : i1 to i32
      %cond3A = arith.constant 0 : i32
      %cond3A_302 = arith.cmpi ne, %convert_element_type3A, %cond3A : i32
      scf.if %cond3A_302 {
        %sub3A = arith.constant 2 : i32
        %sub3A_479 = arith.subi %add3A_297, %sub3A : i32
        %dma_wait3A_480 = arith.constant 2 : i32
        %dma_wait3A_481 = arith.constant 2 : i32
        %dma_wait3A_482 = arith.constant 0 : i32
        %dma_wait3A_483 = arith.constant 0 : i32
        %dma_wait3A_484 = tpu.memref_slice %arg10[%dma_wait3A_480, %dma_wait3A_482, %dma_wait3A_483] : memref<4x256x32xf32, #tpu.memory_space<vmem>> -> memref<1x256x32xf32, #tpu.memory_space<vmem>>
        %dma_wait3A_485 = tpu.memref_squeeze %dma_wait3A_484 : memref<1x256x32xf32, #tpu.memory_space<vmem>> -> memref<256x32xf32, #tpu.memory_space<vmem>>
        %dma_wait3A_486 = arith.constant 0 : i32
        %dma_wait3A_487 = tpu.memref_slice %arg9[%sub3A_479, %dma_wait3A_486] : memref<40x256xi32, #tpu.memory_space<vmem>> -> memref<1x256xi32, #tpu.memory_space<vmem>>
        %dma_wait3A_488 = tpu.memref_squeeze %dma_wait3A_487 : memref<1x256xi32, #tpu.memory_space<vmem>> -> memref<256xi32, #tpu.memory_space<vmem>>
        %dma_wait3A_489 = arith.constant 0 : i32
        %dma_wait3A_490 = arith.constant 0 : i32
        %dma_wait3A_491 = tpu.memref_slice %arg12[%dma_wait3A_489, %dma_wait3A_490] : memref<12288x32xf32, #tpu.memory_space<vmem_shared>> -> memref<12288x32xf32, #tpu.memory_space<vmem_shared>>
        %dma_wait3A_492 = tpu.memref_slice %arg17[%dma_wait3A_481] : memref<4x!tpu.dma_semaphore, #tpu.memory_space<semaphore_mem>> -> memref<1x!tpu.dma_semaphore, #tpu.memory_space<semaphore_mem>>
        %dma_wait3A_493 = tpu.memref_squeeze %dma_wait3A_492 : memref<1x!tpu.dma_semaphore, #tpu.memory_space<semaphore_mem>> -> memref<!tpu.dma_semaphore, #tpu.memory_space<semaphore_mem>>
        tpu.wait_indirect_dma semaphore(%dma_wait3A_493 : memref<!tpu.dma_semaphore, #tpu.memory_space<semaphore_mem>>) src(%dma_wait3A_485 : memref<256x32xf32, #tpu.memory_space<vmem>>) dst(%dma_wait3A_491 : memref<12288x32xf32, #tpu.memory_space<vmem_shared>>)
      } else {
      }
      %add3A_303 = arith.constant 2 : i32
      %add3A_304 = arith.addi %add3A_297, %add3A_303 : i32
      %lt3A_305 = arith.constant 40 : i32
      %lt3A_306 = arith.cmpi slt, %add3A_304, %lt3A_305 : i32
      %convert_element_type3A_307 = arith.extui %lt3A_306 : i1 to i32
      %cond3A_308 = arith.constant 0 : i32
      %cond3A_309 = arith.cmpi ne, %convert_element_type3A_307, %cond3A_308 : i32
      scf.if %cond3A_309 {
        %add3A_479 = arith.constant 2 : i32
        %add3A_480 = arith.addi %add3A_297, %add3A_479 : i32
        %dma_start3A_481 = arith.constant 2 : i32
        %dma_start3A_482 = arith.constant 2 : i32
        %dma_start3A_483 = arith.constant 0 : i32
        %dma_start3A_484 = arith.constant 0 : i32
        %dma_start3A_485 = tpu.memref_slice %arg10[%dma_start3A_481, %dma_start3A_483, %dma_start3A_484] : memref<4x256x32xf32, #tpu.memory_space<vmem>> -> memref<1x256x32xf32, #tpu.memory_space<vmem>>
        %dma_start3A_486 = tpu.memref_squeeze %dma_start3A_485 : memref<1x256x32xf32, #tpu.memory_space<vmem>> -> memref<256x32xf32, #tpu.memory_space<vmem>>
        %dma_start3A_487 = arith.constant 0 : i32
        %dma_start3A_488 = tpu.memref_slice %arg8[%add3A_480, %dma_start3A_487] : memref<40x256xi32, #tpu.memory_space<vmem>> -> memref<1x256xi32, #tpu.memory_space<vmem>>
        %dma_start3A_489 = tpu.memref_squeeze %dma_start3A_488 : memref<1x256xi32, #tpu.memory_space<vmem>> -> memref<256xi32, #tpu.memory_space<vmem>>
        %dma_start3A_490 = arith.constant 0 : i32
        %dma_start3A_491 = arith.constant 0 : i32
        %dma_start3A_492 = tpu.memref_slice %arg13[%dma_start3A_490, %dma_start3A_491] : memref<12288x32xf32, #tpu.memory_space<vmem_shared>> -> memref<12288x32xf32, #tpu.memory_space<vmem_shared>>
        %dma_start3A_493 = tpu.memref_slice %arg16[%dma_start3A_482] : memref<4x!tpu.dma_semaphore, #tpu.memory_space<semaphore_mem>> -> memref<1x!tpu.dma_semaphore, #tpu.memory_space<semaphore_mem>>
        %dma_start3A_494 = tpu.memref_squeeze %dma_start3A_493 : memref<1x!tpu.dma_semaphore, #tpu.memory_space<semaphore_mem>> -> memref<!tpu.dma_semaphore, #tpu.memory_space<semaphore_mem>>
        tpu.enqueue_indirect_dma source(%dma_start3A_492 : memref<12288x32xf32, #tpu.memory_space<vmem_shared>>) target(%dma_start3A_486 : memref<256x32xf32, #tpu.memory_space<vmem>>) offsets(%dma_start3A_489 : memref<256xi32, #tpu.memory_space<vmem>>) semaphore(%dma_start3A_494 : memref<!tpu.dma_semaphore, #tpu.memory_space<semaphore_mem>>)
      } else {
      }
      %dma_wait3A_310 = arith.constant 0 : i32
      %dma_wait3A_311 = arith.constant 0 : i32
      %dma_wait3A_312 = arith.constant 0 : i32
      %dma_wait3A_313 = arith.constant 0 : i32
      %dma_wait3A_314 = tpu.memref_slice %arg10[%dma_wait3A_310, %dma_wait3A_312, %dma_wait3A_313] : memref<4x256x32xf32, #tpu.memory_space<vmem>> -> memref<1x256x32xf32, #tpu.memory_space<vmem>>
      %dma_wait3A_315 = tpu.memref_squeeze %dma_wait3A_314 : memref<1x256x32xf32, #tpu.memory_space<vmem>> -> memref<256x32xf32, #tpu.memory_space<vmem>>
      %dma_wait3A_316 = arith.constant 0 : i32
      %dma_wait3A_317 = tpu.memref_slice %arg8[%add3A_297, %dma_wait3A_316] : memref<40x256xi32, #tpu.memory_space<vmem>> -> memref<1x256xi32, #tpu.memory_space<vmem>>
      %dma_wait3A_318 = tpu.memref_squeeze %dma_wait3A_317 : memref<1x256xi32, #tpu.memory_space<vmem>> -> memref<256xi32, #tpu.memory_space<vmem>>
      %dma_wait3A_319 = arith.constant 0 : i32
      %dma_wait3A_320 = arith.constant 0 : i32
      %dma_wait3A_321 = tpu.memref_slice %arg13[%dma_wait3A_319, %dma_wait3A_320] : memref<12288x32xf32, #tpu.memory_space<vmem_shared>> -> memref<12288x32xf32, #tpu.memory_space<vmem_shared>>
      %dma_wait3A_322 = tpu.memref_slice %arg16[%dma_wait3A_311] : memref<4x!tpu.dma_semaphore, #tpu.memory_space<semaphore_mem>> -> memref<1x!tpu.dma_semaphore, #tpu.memory_space<semaphore_mem>>
      %dma_wait3A_323 = tpu.memref_squeeze %dma_wait3A_322 : memref<1x!tpu.dma_semaphore, #tpu.memory_space<semaphore_mem>> -> memref<!tpu.dma_semaphore, #tpu.memory_space<semaphore_mem>>
      tpu.wait_indirect_dma semaphore(%dma_wait3A_323 : memref<!tpu.dma_semaphore, #tpu.memory_space<semaphore_mem>>) src(%dma_wait3A_321 : memref<12288x32xf32, #tpu.memory_space<vmem_shared>>) dst(%dma_wait3A_315 : memref<256x32xf32, #tpu.memory_space<vmem>>)
      %dma_start3A_324 = arith.constant 0 : i32
      %dma_start3A_325 = arith.constant 0 : i32
      %dma_start3A_326 = arith.constant 0 : i32
      %dma_start3A_327 = arith.constant 0 : i32
      %dma_start3A_328 = tpu.memref_slice %arg10[%dma_start3A_324, %dma_start3A_326, %dma_start3A_327] : memref<4x256x32xf32, #tpu.memory_space<vmem>> -> memref<1x256x32xf32, #tpu.memory_space<vmem>>
      %dma_start3A_329 = tpu.memref_squeeze %dma_start3A_328 : memref<1x256x32xf32, #tpu.memory_space<vmem>> -> memref<256x32xf32, #tpu.memory_space<vmem>>
      %dma_start3A_330 = arith.constant 0 : i32
      %dma_start3A_331 = tpu.memref_slice %arg9[%add3A_297, %dma_start3A_330] : memref<40x256xi32, #tpu.memory_space<vmem>> -> memref<1x256xi32, #tpu.memory_space<vmem>>
      %dma_start3A_332 = tpu.memref_squeeze %dma_start3A_331 : memref<1x256xi32, #tpu.memory_space<vmem>> -> memref<256xi32, #tpu.memory_space<vmem>>
      %dma_start3A_333 = arith.constant 0 : i32
      %dma_start3A_334 = arith.constant 0 : i32
      %dma_start3A_335 = tpu.memref_slice %arg12[%dma_start3A_333, %dma_start3A_334] : memref<12288x32xf32, #tpu.memory_space<vmem_shared>> -> memref<12288x32xf32, #tpu.memory_space<vmem_shared>>
      %dma_start3A_336 = tpu.memref_slice %arg17[%dma_start3A_325] : memref<4x!tpu.dma_semaphore, #tpu.memory_space<semaphore_mem>> -> memref<1x!tpu.dma_semaphore, #tpu.memory_space<semaphore_mem>>
      %dma_start3A_337 = tpu.memref_squeeze %dma_start3A_336 : memref<1x!tpu.dma_semaphore, #tpu.memory_space<semaphore_mem>> -> memref<!tpu.dma_semaphore, #tpu.memory_space<semaphore_mem>>
      tpu.enqueue_indirect_dma source(%dma_start3A_329 : memref<256x32xf32, #tpu.memory_space<vmem>>) target(%dma_start3A_335 : memref<12288x32xf32, #tpu.memory_space<vmem_shared>>) offsets(%dma_start3A_332 : memref<256xi32, #tpu.memory_space<vmem>>) semaphore(%dma_start3A_337 : memref<!tpu.dma_semaphore, #tpu.memory_space<semaphore_mem>>) {add = true}
      %add3A_338 = arith.constant 1 : i32
      %add3A_339 = arith.addi %add3A_295, %add3A_338 : i32
      %add3A_340 = arith.constant 2 : i32
      %add3A_341 = arith.addi %add3A_339, %add3A_340 : i32
      %lt3A_342 = arith.constant 40 : i32
      %lt3A_343 = arith.cmpi slt, %add3A_341, %lt3A_342 : i32
      %ge3A_344 = arith.constant 2 : i32
      %ge3A_345 = arith.cmpi sge, %add3A_339, %ge3A_344 : i32
      %and3A_346 = arith.andi %lt3A_343, %ge3A_345 : i1
      %convert_element_type3A_347 = arith.extui %and3A_346 : i1 to i32
      %cond3A_348 = arith.constant 0 : i32
      %cond3A_349 = arith.cmpi ne, %convert_element_type3A_347, %cond3A_348 : i32
      scf.if %cond3A_349 {
        %sub3A = arith.constant 2 : i32
        %sub3A_479 = arith.subi %add3A_339, %sub3A : i32
        %dma_wait3A_480 = arith.constant 3 : i32
        %dma_wait3A_481 = arith.constant 3 : i32
        %dma_wait3A_482 = arith.constant 0 : i32
        %dma_wait3A_483 = arith.constant 0 : i32
        %dma_wait3A_484 = tpu.memref_slice %arg10[%dma_wait3A_480, %dma_wait3A_482, %dma_wait3A_483] : memref<4x256x32xf32, #tpu.memory_space<vmem>> -> memref<1x256x32xf32, #tpu.memory_space<vmem>>
        %dma_wait3A_485 = tpu.memref_squeeze %dma_wait3A_484 : memref<1x256x32xf32, #tpu.memory_space<vmem>> -> memref<256x32xf32, #tpu.memory_space<vmem>>
        %dma_wait3A_486 = arith.constant 0 : i32
        %dma_wait3A_487 = tpu.memref_slice %arg9[%sub3A_479, %dma_wait3A_486] : memref<40x256xi32, #tpu.memory_space<vmem>> -> memref<1x256xi32, #tpu.memory_space<vmem>>
        %dma_wait3A_488 = tpu.memref_squeeze %dma_wait3A_487 : memref<1x256xi32, #tpu.memory_space<vmem>> -> memref<256xi32, #tpu.memory_space<vmem>>
        %dma_wait3A_489 = arith.constant 0 : i32
        %dma_wait3A_490 = arith.constant 0 : i32
        %dma_wait3A_491 = tpu.memref_slice %arg12[%dma_wait3A_489, %dma_wait3A_490] : memref<12288x32xf32, #tpu.memory_space<vmem_shared>> -> memref<12288x32xf32, #tpu.memory_space<vmem_shared>>
        %dma_wait3A_492 = tpu.memref_slice %arg17[%dma_wait3A_481] : memref<4x!tpu.dma_semaphore, #tpu.memory_space<semaphore_mem>> -> memref<1x!tpu.dma_semaphore, #tpu.memory_space<semaphore_mem>>
        %dma_wait3A_493 = tpu.memref_squeeze %dma_wait3A_492 : memref<1x!tpu.dma_semaphore, #tpu.memory_space<semaphore_mem>> -> memref<!tpu.dma_semaphore, #tpu.memory_space<semaphore_mem>>
        tpu.wait_indirect_dma semaphore(%dma_wait3A_493 : memref<!tpu.dma_semaphore, #tpu.memory_space<semaphore_mem>>) src(%dma_wait3A_485 : memref<256x32xf32, #tpu.memory_space<vmem>>) dst(%dma_wait3A_491 : memref<12288x32xf32, #tpu.memory_space<vmem_shared>>)
      } else {
      }
      %add3A_350 = arith.constant 2 : i32
      %add3A_351 = arith.addi %add3A_339, %add3A_350 : i32
      %lt3A_352 = arith.constant 40 : i32
      %lt3A_353 = arith.cmpi slt, %add3A_351, %lt3A_352 : i32
      %convert_element_type3A_354 = arith.extui %lt3A_353 : i1 to i32
      %cond3A_355 = arith.constant 0 : i32
      %cond3A_356 = arith.cmpi ne, %convert_element_type3A_354, %cond3A_355 : i32
      scf.if %cond3A_356 {
        %add3A_479 = arith.constant 2 : i32
        %add3A_480 = arith.addi %add3A_339, %add3A_479 : i32
        %dma_start3A_481 = arith.constant 3 : i32
        %dma_start3A_482 = arith.constant 3 : i32
        %dma_start3A_483 = arith.constant 0 : i32
        %dma_start3A_484 = arith.constant 0 : i32
        %dma_start3A_485 = tpu.memref_slice %arg10[%dma_start3A_481, %dma_start3A_483, %dma_start3A_484] : memref<4x256x32xf32, #tpu.memory_space<vmem>> -> memref<1x256x32xf32, #tpu.memory_space<vmem>>
        %dma_start3A_486 = tpu.memref_squeeze %dma_start3A_485 : memref<1x256x32xf32, #tpu.memory_space<vmem>> -> memref<256x32xf32, #tpu.memory_space<vmem>>
        %dma_start3A_487 = arith.constant 0 : i32
        %dma_start3A_488 = tpu.memref_slice %arg8[%add3A_480, %dma_start3A_487] : memref<40x256xi32, #tpu.memory_space<vmem>> -> memref<1x256xi32, #tpu.memory_space<vmem>>
        %dma_start3A_489 = tpu.memref_squeeze %dma_start3A_488 : memref<1x256xi32, #tpu.memory_space<vmem>> -> memref<256xi32, #tpu.memory_space<vmem>>
        %dma_start3A_490 = arith.constant 0 : i32
        %dma_start3A_491 = arith.constant 0 : i32
        %dma_start3A_492 = tpu.memref_slice %arg13[%dma_start3A_490, %dma_start3A_491] : memref<12288x32xf32, #tpu.memory_space<vmem_shared>> -> memref<12288x32xf32, #tpu.memory_space<vmem_shared>>
        %dma_start3A_493 = tpu.memref_slice %arg16[%dma_start3A_482] : memref<4x!tpu.dma_semaphore, #tpu.memory_space<semaphore_mem>> -> memref<1x!tpu.dma_semaphore, #tpu.memory_space<semaphore_mem>>
        %dma_start3A_494 = tpu.memref_squeeze %dma_start3A_493 : memref<1x!tpu.dma_semaphore, #tpu.memory_space<semaphore_mem>> -> memref<!tpu.dma_semaphore, #tpu.memory_space<semaphore_mem>>
        tpu.enqueue_indirect_dma source(%dma_start3A_492 : memref<12288x32xf32, #tpu.memory_space<vmem_shared>>) target(%dma_start3A_486 : memref<256x32xf32, #tpu.memory_space<vmem>>) offsets(%dma_start3A_489 : memref<256xi32, #tpu.memory_space<vmem>>) semaphore(%dma_start3A_494 : memref<!tpu.dma_semaphore, #tpu.memory_space<semaphore_mem>>)
      } else {
      }
      %dma_wait3A_357 = arith.constant 1 : i32
      %dma_wait3A_358 = arith.constant 1 : i32
      %dma_wait3A_359 = arith.constant 0 : i32
      %dma_wait3A_360 = arith.constant 0 : i32
      %dma_wait3A_361 = tpu.memref_slice %arg10[%dma_wait3A_357, %dma_wait3A_359, %dma_wait3A_360] : memref<4x256x32xf32, #tpu.memory_space<vmem>> -> memref<1x256x32xf32, #tpu.memory_space<vmem>>
      %dma_wait3A_362 = tpu.memref_squeeze %dma_wait3A_361 : memref<1x256x32xf32, #tpu.memory_space<vmem>> -> memref<256x32xf32, #tpu.memory_space<vmem>>
      %dma_wait3A_363 = arith.constant 0 : i32
      %dma_wait3A_364 = tpu.memref_slice %arg8[%add3A_339, %dma_wait3A_363] : memref<40x256xi32, #tpu.memory_space<vmem>> -> memref<1x256xi32, #tpu.memory_space<vmem>>
      %dma_wait3A_365 = tpu.memref_squeeze %dma_wait3A_364 : memref<1x256xi32, #tpu.memory_space<vmem>> -> memref<256xi32, #tpu.memory_space<vmem>>
      %dma_wait3A_366 = arith.constant 0 : i32
      %dma_wait3A_367 = arith.constant 0 : i32
      %dma_wait3A_368 = tpu.memref_slice %arg13[%dma_wait3A_366, %dma_wait3A_367] : memref<12288x32xf32, #tpu.memory_space<vmem_shared>> -> memref<12288x32xf32, #tpu.memory_space<vmem_shared>>
      %dma_wait3A_369 = tpu.memref_slice %arg16[%dma_wait3A_358] : memref<4x!tpu.dma_semaphore, #tpu.memory_space<semaphore_mem>> -> memref<1x!tpu.dma_semaphore, #tpu.memory_space<semaphore_mem>>
      %dma_wait3A_370 = tpu.memref_squeeze %dma_wait3A_369 : memref<1x!tpu.dma_semaphore, #tpu.memory_space<semaphore_mem>> -> memref<!tpu.dma_semaphore, #tpu.memory_space<semaphore_mem>>
      tpu.wait_indirect_dma semaphore(%dma_wait3A_370 : memref<!tpu.dma_semaphore, #tpu.memory_space<semaphore_mem>>) src(%dma_wait3A_368 : memref<12288x32xf32, #tpu.memory_space<vmem_shared>>) dst(%dma_wait3A_362 : memref<256x32xf32, #tpu.memory_space<vmem>>)
      %dma_start3A_371 = arith.constant 1 : i32
      %dma_start3A_372 = arith.constant 1 : i32
      %dma_start3A_373 = arith.constant 0 : i32
      %dma_start3A_374 = arith.constant 0 : i32
      %dma_start3A_375 = tpu.memref_slice %arg10[%dma_start3A_371, %dma_start3A_373, %dma_start3A_374] : memref<4x256x32xf32, #tpu.memory_space<vmem>> -> memref<1x256x32xf32, #tpu.memory_space<vmem>>
      %dma_start3A_376 = tpu.memref_squeeze %dma_start3A_375 : memref<1x256x32xf32, #tpu.memory_space<vmem>> -> memref<256x32xf32, #tpu.memory_space<vmem>>
      %dma_start3A_377 = arith.constant 0 : i32
      %dma_start3A_378 = tpu.memref_slice %arg9[%add3A_339, %dma_start3A_377] : memref<40x256xi32, #tpu.memory_space<vmem>> -> memref<1x256xi32, #tpu.memory_space<vmem>>
      %dma_start3A_379 = tpu.memref_squeeze %dma_start3A_378 : memref<1x256xi32, #tpu.memory_space<vmem>> -> memref<256xi32, #tpu.memory_space<vmem>>
      %dma_start3A_380 = arith.constant 0 : i32
      %dma_start3A_381 = arith.constant 0 : i32
      %dma_start3A_382 = tpu.memref_slice %arg12[%dma_start3A_380, %dma_start3A_381] : memref<12288x32xf32, #tpu.memory_space<vmem_shared>> -> memref<12288x32xf32, #tpu.memory_space<vmem_shared>>
      %dma_start3A_383 = tpu.memref_slice %arg17[%dma_start3A_372] : memref<4x!tpu.dma_semaphore, #tpu.memory_space<semaphore_mem>> -> memref<1x!tpu.dma_semaphore, #tpu.memory_space<semaphore_mem>>
      %dma_start3A_384 = tpu.memref_squeeze %dma_start3A_383 : memref<1x!tpu.dma_semaphore, #tpu.memory_space<semaphore_mem>> -> memref<!tpu.dma_semaphore, #tpu.memory_space<semaphore_mem>>
      tpu.enqueue_indirect_dma source(%dma_start3A_376 : memref<256x32xf32, #tpu.memory_space<vmem>>) target(%dma_start3A_382 : memref<12288x32xf32, #tpu.memory_space<vmem_shared>>) offsets(%dma_start3A_379 : memref<256xi32, #tpu.memory_space<vmem>>) semaphore(%dma_start3A_384 : memref<!tpu.dma_semaphore, #tpu.memory_space<semaphore_mem>>) {add = true}
      %add3A_385 = arith.constant 2 : i32
      %add3A_386 = arith.addi %add3A_295, %add3A_385 : i32
      %add3A_387 = arith.constant 2 : i32
      %add3A_388 = arith.addi %add3A_386, %add3A_387 : i32
      %lt3A_389 = arith.constant 40 : i32
      %lt3A_390 = arith.cmpi slt, %add3A_388, %lt3A_389 : i32
      %ge3A_391 = arith.constant 2 : i32
      %ge3A_392 = arith.cmpi sge, %add3A_386, %ge3A_391 : i32
      %and3A_393 = arith.andi %lt3A_390, %ge3A_392 : i1
      %convert_element_type3A_394 = arith.extui %and3A_393 : i1 to i32
      %cond3A_395 = arith.constant 0 : i32
      %cond3A_396 = arith.cmpi ne, %convert_element_type3A_394, %cond3A_395 : i32
      scf.if %cond3A_396 {
        %sub3A = arith.constant 2 : i32
        %sub3A_479 = arith.subi %add3A_386, %sub3A : i32
        %dma_wait3A_480 = arith.constant 0 : i32
        %dma_wait3A_481 = arith.constant 0 : i32
        %dma_wait3A_482 = arith.constant 0 : i32
        %dma_wait3A_483 = arith.constant 0 : i32
        %dma_wait3A_484 = tpu.memref_slice %arg10[%dma_wait3A_480, %dma_wait3A_482, %dma_wait3A_483] : memref<4x256x32xf32, #tpu.memory_space<vmem>> -> memref<1x256x32xf32, #tpu.memory_space<vmem>>
        %dma_wait3A_485 = tpu.memref_squeeze %dma_wait3A_484 : memref<1x256x32xf32, #tpu.memory_space<vmem>> -> memref<256x32xf32, #tpu.memory_space<vmem>>
        %dma_wait3A_486 = arith.constant 0 : i32
        %dma_wait3A_487 = tpu.memref_slice %arg9[%sub3A_479, %dma_wait3A_486] : memref<40x256xi32, #tpu.memory_space<vmem>> -> memref<1x256xi32, #tpu.memory_space<vmem>>
        %dma_wait3A_488 = tpu.memref_squeeze %dma_wait3A_487 : memref<1x256xi32, #tpu.memory_space<vmem>> -> memref<256xi32, #tpu.memory_space<vmem>>
        %dma_wait3A_489 = arith.constant 0 : i32
        %dma_wait3A_490 = arith.constant 0 : i32
        %dma_wait3A_491 = tpu.memref_slice %arg12[%dma_wait3A_489, %dma_wait3A_490] : memref<12288x32xf32, #tpu.memory_space<vmem_shared>> -> memref<12288x32xf32, #tpu.memory_space<vmem_shared>>
        %dma_wait3A_492 = tpu.memref_slice %arg17[%dma_wait3A_481] : memref<4x!tpu.dma_semaphore, #tpu.memory_space<semaphore_mem>> -> memref<1x!tpu.dma_semaphore, #tpu.memory_space<semaphore_mem>>
        %dma_wait3A_493 = tpu.memref_squeeze %dma_wait3A_492 : memref<1x!tpu.dma_semaphore, #tpu.memory_space<semaphore_mem>> -> memref<!tpu.dma_semaphore, #tpu.memory_space<semaphore_mem>>
        tpu.wait_indirect_dma semaphore(%dma_wait3A_493 : memref<!tpu.dma_semaphore, #tpu.memory_space<semaphore_mem>>) src(%dma_wait3A_485 : memref<256x32xf32, #tpu.memory_space<vmem>>) dst(%dma_wait3A_491 : memref<12288x32xf32, #tpu.memory_space<vmem_shared>>)
      } else {
      }
      %add3A_397 = arith.constant 2 : i32
      %add3A_398 = arith.addi %add3A_386, %add3A_397 : i32
      %lt3A_399 = arith.constant 40 : i32
      %lt3A_400 = arith.cmpi slt, %add3A_398, %lt3A_399 : i32
      %convert_element_type3A_401 = arith.extui %lt3A_400 : i1 to i32
      %cond3A_402 = arith.constant 0 : i32
      %cond3A_403 = arith.cmpi ne, %convert_element_type3A_401, %cond3A_402 : i32
      scf.if %cond3A_403 {
        %add3A_479 = arith.constant 2 : i32
        %add3A_480 = arith.addi %add3A_386, %add3A_479 : i32
        %dma_start3A_481 = arith.constant 0 : i32
        %dma_start3A_482 = arith.constant 0 : i32
        %dma_start3A_483 = arith.constant 0 : i32
        %dma_start3A_484 = arith.constant 0 : i32
        %dma_start3A_485 = tpu.memref_slice %arg10[%dma_start3A_481, %dma_start3A_483, %dma_start3A_484] : memref<4x256x32xf32, #tpu.memory_space<vmem>> -> memref<1x256x32xf32, #tpu.memory_space<vmem>>
        %dma_start3A_486 = tpu.memref_squeeze %dma_start3A_485 : memref<1x256x32xf32, #tpu.memory_space<vmem>> -> memref<256x32xf32, #tpu.memory_space<vmem>>
        %dma_start3A_487 = arith.constant 0 : i32
        %dma_start3A_488 = tpu.memref_slice %arg8[%add3A_480, %dma_start3A_487] : memref<40x256xi32, #tpu.memory_space<vmem>> -> memref<1x256xi32, #tpu.memory_space<vmem>>
        %dma_start3A_489 = tpu.memref_squeeze %dma_start3A_488 : memref<1x256xi32, #tpu.memory_space<vmem>> -> memref<256xi32, #tpu.memory_space<vmem>>
        %dma_start3A_490 = arith.constant 0 : i32
        %dma_start3A_491 = arith.constant 0 : i32
        %dma_start3A_492 = tpu.memref_slice %arg13[%dma_start3A_490, %dma_start3A_491] : memref<12288x32xf32, #tpu.memory_space<vmem_shared>> -> memref<12288x32xf32, #tpu.memory_space<vmem_shared>>
        %dma_start3A_493 = tpu.memref_slice %arg16[%dma_start3A_482] : memref<4x!tpu.dma_semaphore, #tpu.memory_space<semaphore_mem>> -> memref<1x!tpu.dma_semaphore, #tpu.memory_space<semaphore_mem>>
        %dma_start3A_494 = tpu.memref_squeeze %dma_start3A_493 : memref<1x!tpu.dma_semaphore, #tpu.memory_space<semaphore_mem>> -> memref<!tpu.dma_semaphore, #tpu.memory_space<semaphore_mem>>
        tpu.enqueue_indirect_dma source(%dma_start3A_492 : memref<12288x32xf32, #tpu.memory_space<vmem_shared>>) target(%dma_start3A_486 : memref<256x32xf32, #tpu.memory_space<vmem>>) offsets(%dma_start3A_489 : memref<256xi32, #tpu.memory_space<vmem>>) semaphore(%dma_start3A_494 : memref<!tpu.dma_semaphore, #tpu.memory_space<semaphore_mem>>)
      } else {
      }
      %dma_wait3A_404 = arith.constant 2 : i32
      %dma_wait3A_405 = arith.constant 2 : i32
      %dma_wait3A_406 = arith.constant 0 : i32
      %dma_wait3A_407 = arith.constant 0 : i32
      %dma_wait3A_408 = tpu.memref_slice %arg10[%dma_wait3A_404, %dma_wait3A_406, %dma_wait3A_407] : memref<4x256x32xf32, #tpu.memory_space<vmem>> -> memref<1x256x32xf32, #tpu.memory_space<vmem>>
      %dma_wait3A_409 = tpu.memref_squeeze %dma_wait3A_408 : memref<1x256x32xf32, #tpu.memory_space<vmem>> -> memref<256x32xf32, #tpu.memory_space<vmem>>
      %dma_wait3A_410 = arith.constant 0 : i32
      %dma_wait3A_411 = tpu.memref_slice %arg8[%add3A_386, %dma_wait3A_410] : memref<40x256xi32, #tpu.memory_space<vmem>> -> memref<1x256xi32, #tpu.memory_space<vmem>>
      %dma_wait3A_412 = tpu.memref_squeeze %dma_wait3A_411 : memref<1x256xi32, #tpu.memory_space<vmem>> -> memref<256xi32, #tpu.memory_space<vmem>>
      %dma_wait3A_413 = arith.constant 0 : i32
      %dma_wait3A_414 = arith.constant 0 : i32
      %dma_wait3A_415 = tpu.memref_slice %arg13[%dma_wait3A_413, %dma_wait3A_414] : memref<12288x32xf32, #tpu.memory_space<vmem_shared>> -> memref<12288x32xf32, #tpu.memory_space<vmem_shared>>
      %dma_wait3A_416 = tpu.memref_slice %arg16[%dma_wait3A_405] : memref<4x!tpu.dma_semaphore, #tpu.memory_space<semaphore_mem>> -> memref<1x!tpu.dma_semaphore, #tpu.memory_space<semaphore_mem>>
      %dma_wait3A_417 = tpu.memref_squeeze %dma_wait3A_416 : memref<1x!tpu.dma_semaphore, #tpu.memory_space<semaphore_mem>> -> memref<!tpu.dma_semaphore, #tpu.memory_space<semaphore_mem>>
      tpu.wait_indirect_dma semaphore(%dma_wait3A_417 : memref<!tpu.dma_semaphore, #tpu.memory_space<semaphore_mem>>) src(%dma_wait3A_415 : memref<12288x32xf32, #tpu.memory_space<vmem_shared>>) dst(%dma_wait3A_409 : memref<256x32xf32, #tpu.memory_space<vmem>>)
      %dma_start3A_418 = arith.constant 2 : i32
      %dma_start3A_419 = arith.constant 2 : i32
      %dma_start3A_420 = arith.constant 0 : i32
      %dma_start3A_421 = arith.constant 0 : i32
      %dma_start3A_422 = tpu.memref_slice %arg10[%dma_start3A_418, %dma_start3A_420, %dma_start3A_421] : memref<4x256x32xf32, #tpu.memory_space<vmem>> -> memref<1x256x32xf32, #tpu.memory_space<vmem>>
      %dma_start3A_423 = tpu.memref_squeeze %dma_start3A_422 : memref<1x256x32xf32, #tpu.memory_space<vmem>> -> memref<256x32xf32, #tpu.memory_space<vmem>>
      %dma_start3A_424 = arith.constant 0 : i32
      %dma_start3A_425 = tpu.memref_slice %arg9[%add3A_386, %dma_start3A_424] : memref<40x256xi32, #tpu.memory_space<vmem>> -> memref<1x256xi32, #tpu.memory_space<vmem>>
      %dma_start3A_426 = tpu.memref_squeeze %dma_start3A_425 : memref<1x256xi32, #tpu.memory_space<vmem>> -> memref<256xi32, #tpu.memory_space<vmem>>
      %dma_start3A_427 = arith.constant 0 : i32
      %dma_start3A_428 = arith.constant 0 : i32
      %dma_start3A_429 = tpu.memref_slice %arg12[%dma_start3A_427, %dma_start3A_428] : memref<12288x32xf32, #tpu.memory_space<vmem_shared>> -> memref<12288x32xf32, #tpu.memory_space<vmem_shared>>
      %dma_start3A_430 = tpu.memref_slice %arg17[%dma_start3A_419] : memref<4x!tpu.dma_semaphore, #tpu.memory_space<semaphore_mem>> -> memref<1x!tpu.dma_semaphore, #tpu.memory_space<semaphore_mem>>
      %dma_start3A_431 = tpu.memref_squeeze %dma_start3A_430 : memref<1x!tpu.dma_semaphore, #tpu.memory_space<semaphore_mem>> -> memref<!tpu.dma_semaphore, #tpu.memory_space<semaphore_mem>>
      tpu.enqueue_indirect_dma source(%dma_start3A_423 : memref<256x32xf32, #tpu.memory_space<vmem>>) target(%dma_start3A_429 : memref<12288x32xf32, #tpu.memory_space<vmem_shared>>) offsets(%dma_start3A_426 : memref<256xi32, #tpu.memory_space<vmem>>) semaphore(%dma_start3A_431 : memref<!tpu.dma_semaphore, #tpu.memory_space<semaphore_mem>>) {add = true}
      %add3A_432 = arith.constant 3 : i32
      %add3A_433 = arith.addi %add3A_295, %add3A_432 : i32
      %add3A_434 = arith.constant 2 : i32
      %add3A_435 = arith.addi %add3A_433, %add3A_434 : i32
      %lt3A_436 = arith.constant 40 : i32
      %lt3A_437 = arith.cmpi slt, %add3A_435, %lt3A_436 : i32
      %ge3A_438 = arith.constant 2 : i32
      %ge3A_439 = arith.cmpi sge, %add3A_433, %ge3A_438 : i32
      %and3A_440 = arith.andi %lt3A_437, %ge3A_439 : i1
      %convert_element_type3A_441 = arith.extui %and3A_440 : i1 to i32
      %cond3A_442 = arith.constant 0 : i32
      %cond3A_443 = arith.cmpi ne, %convert_element_type3A_441, %cond3A_442 : i32
      scf.if %cond3A_443 {
        %sub3A = arith.constant 2 : i32
        %sub3A_479 = arith.subi %add3A_433, %sub3A : i32
        %dma_wait3A_480 = arith.constant 1 : i32
        %dma_wait3A_481 = arith.constant 1 : i32
        %dma_wait3A_482 = arith.constant 0 : i32
        %dma_wait3A_483 = arith.constant 0 : i32
        %dma_wait3A_484 = tpu.memref_slice %arg10[%dma_wait3A_480, %dma_wait3A_482, %dma_wait3A_483] : memref<4x256x32xf32, #tpu.memory_space<vmem>> -> memref<1x256x32xf32, #tpu.memory_space<vmem>>
        %dma_wait3A_485 = tpu.memref_squeeze %dma_wait3A_484 : memref<1x256x32xf32, #tpu.memory_space<vmem>> -> memref<256x32xf32, #tpu.memory_space<vmem>>
        %dma_wait3A_486 = arith.constant 0 : i32
        %dma_wait3A_487 = tpu.memref_slice %arg9[%sub3A_479, %dma_wait3A_486] : memref<40x256xi32, #tpu.memory_space<vmem>> -> memref<1x256xi32, #tpu.memory_space<vmem>>
        %dma_wait3A_488 = tpu.memref_squeeze %dma_wait3A_487 : memref<1x256xi32, #tpu.memory_space<vmem>> -> memref<256xi32, #tpu.memory_space<vmem>>
        %dma_wait3A_489 = arith.constant 0 : i32
        %dma_wait3A_490 = arith.constant 0 : i32
        %dma_wait3A_491 = tpu.memref_slice %arg12[%dma_wait3A_489, %dma_wait3A_490] : memref<12288x32xf32, #tpu.memory_space<vmem_shared>> -> memref<12288x32xf32, #tpu.memory_space<vmem_shared>>
        %dma_wait3A_492 = tpu.memref_slice %arg17[%dma_wait3A_481] : memref<4x!tpu.dma_semaphore, #tpu.memory_space<semaphore_mem>> -> memref<1x!tpu.dma_semaphore, #tpu.memory_space<semaphore_mem>>
        %dma_wait3A_493 = tpu.memref_squeeze %dma_wait3A_492 : memref<1x!tpu.dma_semaphore, #tpu.memory_space<semaphore_mem>> -> memref<!tpu.dma_semaphore, #tpu.memory_space<semaphore_mem>>
        tpu.wait_indirect_dma semaphore(%dma_wait3A_493 : memref<!tpu.dma_semaphore, #tpu.memory_space<semaphore_mem>>) src(%dma_wait3A_485 : memref<256x32xf32, #tpu.memory_space<vmem>>) dst(%dma_wait3A_491 : memref<12288x32xf32, #tpu.memory_space<vmem_shared>>)
      } else {
      }
      %add3A_444 = arith.constant 2 : i32
      %add3A_445 = arith.addi %add3A_433, %add3A_444 : i32
      %lt3A_446 = arith.constant 40 : i32
      %lt3A_447 = arith.cmpi slt, %add3A_445, %lt3A_446 : i32
      %convert_element_type3A_448 = arith.extui %lt3A_447 : i1 to i32
      %cond3A_449 = arith.constant 0 : i32
      %cond3A_450 = arith.cmpi ne, %convert_element_type3A_448, %cond3A_449 : i32
      scf.if %cond3A_450 {
        %add3A_479 = arith.constant 2 : i32
        %add3A_480 = arith.addi %add3A_433, %add3A_479 : i32
        %dma_start3A_481 = arith.constant 1 : i32
        %dma_start3A_482 = arith.constant 1 : i32
        %dma_start3A_483 = arith.constant 0 : i32
        %dma_start3A_484 = arith.constant 0 : i32
        %dma_start3A_485 = tpu.memref_slice %arg10[%dma_start3A_481, %dma_start3A_483, %dma_start3A_484] : memref<4x256x32xf32, #tpu.memory_space<vmem>> -> memref<1x256x32xf32, #tpu.memory_space<vmem>>
        %dma_start3A_486 = tpu.memref_squeeze %dma_start3A_485 : memref<1x256x32xf32, #tpu.memory_space<vmem>> -> memref<256x32xf32, #tpu.memory_space<vmem>>
        %dma_start3A_487 = arith.constant 0 : i32
        %dma_start3A_488 = tpu.memref_slice %arg8[%add3A_480, %dma_start3A_487] : memref<40x256xi32, #tpu.memory_space<vmem>> -> memref<1x256xi32, #tpu.memory_space<vmem>>
        %dma_start3A_489 = tpu.memref_squeeze %dma_start3A_488 : memref<1x256xi32, #tpu.memory_space<vmem>> -> memref<256xi32, #tpu.memory_space<vmem>>
        %dma_start3A_490 = arith.constant 0 : i32
        %dma_start3A_491 = arith.constant 0 : i32
        %dma_start3A_492 = tpu.memref_slice %arg13[%dma_start3A_490, %dma_start3A_491] : memref<12288x32xf32, #tpu.memory_space<vmem_shared>> -> memref<12288x32xf32, #tpu.memory_space<vmem_shared>>
        %dma_start3A_493 = tpu.memref_slice %arg16[%dma_start3A_482] : memref<4x!tpu.dma_semaphore, #tpu.memory_space<semaphore_mem>> -> memref<1x!tpu.dma_semaphore, #tpu.memory_space<semaphore_mem>>
        %dma_start3A_494 = tpu.memref_squeeze %dma_start3A_493 : memref<1x!tpu.dma_semaphore, #tpu.memory_space<semaphore_mem>> -> memref<!tpu.dma_semaphore, #tpu.memory_space<semaphore_mem>>
        tpu.enqueue_indirect_dma source(%dma_start3A_492 : memref<12288x32xf32, #tpu.memory_space<vmem_shared>>) target(%dma_start3A_486 : memref<256x32xf32, #tpu.memory_space<vmem>>) offsets(%dma_start3A_489 : memref<256xi32, #tpu.memory_space<vmem>>) semaphore(%dma_start3A_494 : memref<!tpu.dma_semaphore, #tpu.memory_space<semaphore_mem>>)
      } else {
      }
      %dma_wait3A_451 = arith.constant 3 : i32
      %dma_wait3A_452 = arith.constant 3 : i32
      %dma_wait3A_453 = arith.constant 0 : i32
      %dma_wait3A_454 = arith.constant 0 : i32
      %dma_wait3A_455 = tpu.memref_slice %arg10[%dma_wait3A_451, %dma_wait3A_453, %dma_wait3A_454] : memref<4x256x32xf32, #tpu.memory_space<vmem>> -> memref<1x256x32xf32, #tpu.memory_space<vmem>>
      %dma_wait3A_456 = tpu.memref_squeeze %dma_wait3A_455 : memref<1x256x32xf32, #tpu.memory_space<vmem>> -> memref<256x32xf32, #tpu.memory_space<vmem>>
      %dma_wait3A_457 = arith.constant 0 : i32
      %dma_wait3A_458 = tpu.memref_slice %arg8[%add3A_433, %dma_wait3A_457] : memref<40x256xi32, #tpu.memory_space<vmem>> -> memref<1x256xi32, #tpu.memory_space<vmem>>
      %dma_wait3A_459 = tpu.memref_squeeze %dma_wait3A_458 : memref<1x256xi32, #tpu.memory_space<vmem>> -> memref<256xi32, #tpu.memory_space<vmem>>
      %dma_wait3A_460 = arith.constant 0 : i32
      %dma_wait3A_461 = arith.constant 0 : i32
      %dma_wait3A_462 = tpu.memref_slice %arg13[%dma_wait3A_460, %dma_wait3A_461] : memref<12288x32xf32, #tpu.memory_space<vmem_shared>> -> memref<12288x32xf32, #tpu.memory_space<vmem_shared>>
      %dma_wait3A_463 = tpu.memref_slice %arg16[%dma_wait3A_452] : memref<4x!tpu.dma_semaphore, #tpu.memory_space<semaphore_mem>> -> memref<1x!tpu.dma_semaphore, #tpu.memory_space<semaphore_mem>>
      %dma_wait3A_464 = tpu.memref_squeeze %dma_wait3A_463 : memref<1x!tpu.dma_semaphore, #tpu.memory_space<semaphore_mem>> -> memref<!tpu.dma_semaphore, #tpu.memory_space<semaphore_mem>>
      tpu.wait_indirect_dma semaphore(%dma_wait3A_464 : memref<!tpu.dma_semaphore, #tpu.memory_space<semaphore_mem>>) src(%dma_wait3A_462 : memref<12288x32xf32, #tpu.memory_space<vmem_shared>>) dst(%dma_wait3A_456 : memref<256x32xf32, #tpu.memory_space<vmem>>)
      %dma_start3A_465 = arith.constant 3 : i32
      %dma_start3A_466 = arith.constant 3 : i32
      %dma_start3A_467 = arith.constant 0 : i32
      %dma_start3A_468 = arith.constant 0 : i32
      %dma_start3A_469 = tpu.memref_slice %arg10[%dma_start3A_465, %dma_start3A_467, %dma_start3A_468] : memref<4x256x32xf32, #tpu.memory_space<vmem>> -> memref<1x256x32xf32, #tpu.memory_space<vmem>>
      %dma_start3A_470 = tpu.memref_squeeze %dma_start3A_469 : memref<1x256x32xf32, #tpu.memory_space<vmem>> -> memref<256x32xf32, #tpu.memory_space<vmem>>
      %dma_start3A_471 = arith.constant 0 : i32
      %dma_start3A_472 = tpu.memref_slice %arg9[%add3A_433, %dma_start3A_471] : memref<40x256xi32, #tpu.memory_space<vmem>> -> memref<1x256xi32, #tpu.memory_space<vmem>>
      %dma_start3A_473 = tpu.memref_squeeze %dma_start3A_472 : memref<1x256xi32, #tpu.memory_space<vmem>> -> memref<256xi32, #tpu.memory_space<vmem>>
      %dma_start3A_474 = arith.constant 0 : i32
      %dma_start3A_475 = arith.constant 0 : i32
      %dma_start3A_476 = tpu.memref_slice %arg12[%dma_start3A_474, %dma_start3A_475] : memref<12288x32xf32, #tpu.memory_space<vmem_shared>> -> memref<12288x32xf32, #tpu.memory_space<vmem_shared>>
      %dma_start3A_477 = tpu.memref_slice %arg17[%dma_start3A_466] : memref<4x!tpu.dma_semaphore, #tpu.memory_space<semaphore_mem>> -> memref<1x!tpu.dma_semaphore, #tpu.memory_space<semaphore_mem>>
      %dma_start3A_478 = tpu.memref_squeeze %dma_start3A_477 : memref<1x!tpu.dma_semaphore, #tpu.memory_space<semaphore_mem>> -> memref<!tpu.dma_semaphore, #tpu.memory_space<semaphore_mem>>
      tpu.enqueue_indirect_dma source(%dma_start3A_470 : memref<256x32xf32, #tpu.memory_space<vmem>>) target(%dma_start3A_476 : memref<12288x32xf32, #tpu.memory_space<vmem_shared>>) offsets(%dma_start3A_473 : memref<256xi32, #tpu.memory_space<vmem>>) semaphore(%dma_start3A_478 : memref<!tpu.dma_semaphore, #tpu.memory_space<semaphore_mem>>) {add = true}
    }
    %scan3A_92 = arith.constant 10 : i32
    %dma_wait3A_93 = arith.constant 0 : i32
    %dma_wait3A_94 = arith.constant 0 : i32
    %dma_wait3A_95 = arith.constant 0 : i32
    %dma_wait3A_96 = arith.constant 0 : i32
    %dma_wait3A_97 = arith.constant 0 : i32
    %dma_wait3A_98 = tpu.memref_slice %arg10[%dma_wait3A_93, %dma_wait3A_96, %dma_wait3A_97] : memref<4x256x32xf32, #tpu.memory_space<vmem>> -> memref<1x256x32xf32, #tpu.memory_space<vmem>>
    %dma_wait3A_99 = tpu.memref_squeeze %dma_wait3A_98 : memref<1x256x32xf32, #tpu.memory_space<vmem>> -> memref<256x32xf32, #tpu.memory_space<vmem>>
    %dma_wait3A_100 = arith.constant 0 : i32
    %dma_wait3A_101 = tpu.memref_slice %arg9[%dma_wait3A_94, %dma_wait3A_100] : memref<40x256xi32, #tpu.memory_space<vmem>> -> memref<1x256xi32, #tpu.memory_space<vmem>>
    %dma_wait3A_102 = tpu.memref_squeeze %dma_wait3A_101 : memref<1x256xi32, #tpu.memory_space<vmem>> -> memref<256xi32, #tpu.memory_space<vmem>>
    %dma_wait3A_103 = arith.constant 0 : i32
    %dma_wait3A_104 = arith.constant 0 : i32
    %dma_wait3A_105 = tpu.memref_slice %arg12[%dma_wait3A_103, %dma_wait3A_104] : memref<12288x32xf32, #tpu.memory_space<vmem_shared>> -> memref<12288x32xf32, #tpu.memory_space<vmem_shared>>
    %dma_wait3A_106 = tpu.memref_slice %arg17[%dma_wait3A_95] : memref<4x!tpu.dma_semaphore, #tpu.memory_space<semaphore_mem>> -> memref<1x!tpu.dma_semaphore, #tpu.memory_space<semaphore_mem>>
    %dma_wait3A_107 = tpu.memref_squeeze %dma_wait3A_106 : memref<1x!tpu.dma_semaphore, #tpu.memory_space<semaphore_mem>> -> memref<!tpu.dma_semaphore, #tpu.memory_space<semaphore_mem>>
    tpu.wait_indirect_dma semaphore(%dma_wait3A_107 : memref<!tpu.dma_semaphore, #tpu.memory_space<semaphore_mem>>) src(%dma_wait3A_99 : memref<256x32xf32, #tpu.memory_space<vmem>>) dst(%dma_wait3A_105 : memref<12288x32xf32, #tpu.memory_space<vmem_shared>>)
    %dma_wait3A_108 = arith.constant 1 : i32
    %dma_wait3A_109 = arith.constant 1 : i32
    %dma_wait3A_110 = arith.constant 1 : i32
    %dma_wait3A_111 = arith.constant 0 : i32
    %dma_wait3A_112 = arith.constant 0 : i32
    %dma_wait3A_113 = tpu.memref_slice %arg10[%dma_wait3A_108, %dma_wait3A_111, %dma_wait3A_112] : memref<4x256x32xf32, #tpu.memory_space<vmem>> -> memref<1x256x32xf32, #tpu.memory_space<vmem>>
    %dma_wait3A_114 = tpu.memref_squeeze %dma_wait3A_113 : memref<1x256x32xf32, #tpu.memory_space<vmem>> -> memref<256x32xf32, #tpu.memory_space<vmem>>
    %dma_wait3A_115 = arith.constant 0 : i32
    %dma_wait3A_116 = tpu.memref_slice %arg9[%dma_wait3A_109, %dma_wait3A_115] : memref<40x256xi32, #tpu.memory_space<vmem>> -> memref<1x256xi32, #tpu.memory_space<vmem>>
    %dma_wait3A_117 = tpu.memref_squeeze %dma_wait3A_116 : memref<1x256xi32, #tpu.memory_space<vmem>> -> memref<256xi32, #tpu.memory_space<vmem>>
    %dma_wait3A_118 = arith.constant 0 : i32
    %dma_wait3A_119 = arith.constant 0 : i32
    %dma_wait3A_120 = tpu.memref_slice %arg12[%dma_wait3A_118, %dma_wait3A_119] : memref<12288x32xf32, #tpu.memory_space<vmem_shared>> -> memref<12288x32xf32, #tpu.memory_space<vmem_shared>>
    %dma_wait3A_121 = tpu.memref_slice %arg17[%dma_wait3A_110] : memref<4x!tpu.dma_semaphore, #tpu.memory_space<semaphore_mem>> -> memref<1x!tpu.dma_semaphore, #tpu.memory_space<semaphore_mem>>
    %dma_wait3A_122 = tpu.memref_squeeze %dma_wait3A_121 : memref<1x!tpu.dma_semaphore, #tpu.memory_space<semaphore_mem>> -> memref<!tpu.dma_semaphore, #tpu.memory_space<semaphore_mem>>
    tpu.wait_indirect_dma semaphore(%dma_wait3A_122 : memref<!tpu.dma_semaphore, #tpu.memory_space<semaphore_mem>>) src(%dma_wait3A_114 : memref<256x32xf32, #tpu.memory_space<vmem>>) dst(%dma_wait3A_120 : memref<12288x32xf32, #tpu.memory_space<vmem_shared>>)
    %dma_wait3A_123 = arith.constant 2 : i32
    %dma_wait3A_124 = arith.constant 2 : i32
    %dma_wait3A_125 = arith.constant 2 : i32
    %dma_wait3A_126 = arith.constant 0 : i32
    %dma_wait3A_127 = arith.constant 0 : i32
    %dma_wait3A_128 = tpu.memref_slice %arg10[%dma_wait3A_123, %dma_wait3A_126, %dma_wait3A_127] : memref<4x256x32xf32, #tpu.memory_space<vmem>> -> memref<1x256x32xf32, #tpu.memory_space<vmem>>
    %dma_wait3A_129 = tpu.memref_squeeze %dma_wait3A_128 : memref<1x256x32xf32, #tpu.memory_space<vmem>> -> memref<256x32xf32, #tpu.memory_space<vmem>>
    %dma_wait3A_130 = arith.constant 0 : i32
    %dma_wait3A_131 = tpu.memref_slice %arg9[%dma_wait3A_124, %dma_wait3A_130] : memref<40x256xi32, #tpu.memory_space<vmem>> -> memref<1x256xi32, #tpu.memory_space<vmem>>
    %dma_wait3A_132 = tpu.memref_squeeze %dma_wait3A_131 : memref<1x256xi32, #tpu.memory_space<vmem>> -> memref<256xi32, #tpu.memory_space<vmem>>
    %dma_wait3A_133 = arith.constant 0 : i32
    %dma_wait3A_134 = arith.constant 0 : i32
    %dma_wait3A_135 = tpu.memref_slice %arg12[%dma_wait3A_133, %dma_wait3A_134] : memref<12288x32xf32, #tpu.memory_space<vmem_shared>> -> memref<12288x32xf32, #tpu.memory_space<vmem_shared>>
    %dma_wait3A_136 = tpu.memref_slice %arg17[%dma_wait3A_125] : memref<4x!tpu.dma_semaphore, #tpu.memory_space<semaphore_mem>> -> memref<1x!tpu.dma_semaphore, #tpu.memory_space<semaphore_mem>>
    %dma_wait3A_137 = tpu.memref_squeeze %dma_wait3A_136 : memref<1x!tpu.dma_semaphore, #tpu.memory_space<semaphore_mem>> -> memref<!tpu.dma_semaphore, #tpu.memory_space<semaphore_mem>>
    tpu.wait_indirect_dma semaphore(%dma_wait3A_137 : memref<!tpu.dma_semaphore, #tpu.memory_space<semaphore_mem>>) src(%dma_wait3A_129 : memref<256x32xf32, #tpu.memory_space<vmem>>) dst(%dma_wait3A_135 : memref<12288x32xf32, #tpu.memory_space<vmem_shared>>)
    %dma_wait3A_138 = arith.constant 3 : i32
    %dma_wait3A_139 = arith.constant 3 : i32
    %dma_wait3A_140 = arith.constant 3 : i32
    %dma_wait3A_141 = arith.constant 0 : i32
    %dma_wait3A_142 = arith.constant 0 : i32
    %dma_wait3A_143 = tpu.memref_slice %arg10[%dma_wait3A_138, %dma_wait3A_141, %dma_wait3A_142] : memref<4x256x32xf32, #tpu.memory_space<vmem>> -> memref<1x256x32xf32, #tpu.memory_space<vmem>>
    %dma_wait3A_144 = tpu.memref_squeeze %dma_wait3A_143 : memref<1x256x32xf32, #tpu.memory_space<vmem>> -> memref<256x32xf32, #tpu.memory_space<vmem>>
    %dma_wait3A_145 = arith.constant 0 : i32
    %dma_wait3A_146 = tpu.memref_slice %arg9[%dma_wait3A_139, %dma_wait3A_145] : memref<40x256xi32, #tpu.memory_space<vmem>> -> memref<1x256xi32, #tpu.memory_space<vmem>>
    %dma_wait3A_147 = tpu.memref_squeeze %dma_wait3A_146 : memref<1x256xi32, #tpu.memory_space<vmem>> -> memref<256xi32, #tpu.memory_space<vmem>>
    %dma_wait3A_148 = arith.constant 0 : i32
    %dma_wait3A_149 = arith.constant 0 : i32
    %dma_wait3A_150 = tpu.memref_slice %arg12[%dma_wait3A_148, %dma_wait3A_149] : memref<12288x32xf32, #tpu.memory_space<vmem_shared>> -> memref<12288x32xf32, #tpu.memory_space<vmem_shared>>
    %dma_wait3A_151 = tpu.memref_slice %arg17[%dma_wait3A_140] : memref<4x!tpu.dma_semaphore, #tpu.memory_space<semaphore_mem>> -> memref<1x!tpu.dma_semaphore, #tpu.memory_space<semaphore_mem>>
    %dma_wait3A_152 = tpu.memref_squeeze %dma_wait3A_151 : memref<1x!tpu.dma_semaphore, #tpu.memory_space<semaphore_mem>> -> memref<!tpu.dma_semaphore, #tpu.memory_space<semaphore_mem>>
    tpu.wait_indirect_dma semaphore(%dma_wait3A_152 : memref<!tpu.dma_semaphore, #tpu.memory_space<semaphore_mem>>) src(%dma_wait3A_144 : memref<256x32xf32, #tpu.memory_space<vmem>>) dst(%dma_wait3A_150 : memref<12288x32xf32, #tpu.memory_space<vmem_shared>>)
    %barrier3A_153 = arith.constant 0 : index
    tpu.barrier barrier_id(%barrier3A_153)
    %dma_start3A_154 = arith.constant 0 : i32
    %dma_start3A_155 = tpu.memref_slice %arg13[%mul3A_2, %dma_start3A_154] : memref<12288x32xf32, #tpu.memory_space<vmem_shared>> -> memref<768x32xf32, #tpu.memory_space<vmem_shared>>
    %dma_start3A_156 = arith.constant 0 : i32
    %dma_start3A_157 = tpu.memref_slice %arg3[%mul3A_2, %dma_start3A_156] : memref<12288x32xf32, #tpu.memory_space<hbm>> -> memref<768x32xf32, #tpu.memory_space<hbm>>
    tpu.enqueue_dma source(%dma_start3A_157 : memref<768x32xf32, #tpu.memory_space<hbm>>) target(%dma_start3A_155 : memref<768x32xf32, #tpu.memory_space<vmem_shared>>) target_semaphore(%arg14 : memref<!tpu.dma_semaphore, #tpu.memory_space<semaphore_mem>>)
    %dma_start3A_158 = arith.constant 0 : i32
    %dma_start3A_159 = tpu.memref_slice %arg6[%arg0, %mul3A_2, %dma_start3A_158] : memref<2x12288x32xf32, #tpu.memory_space<hbm>> -> memref<1x768x32xf32, #tpu.memory_space<hbm>>
    %dma_start3A_160 = tpu.memref_squeeze %dma_start3A_159 : memref<1x768x32xf32, #tpu.memory_space<hbm>> -> memref<768x32xf32, #tpu.memory_space<hbm>>
    %dma_start3A_161 = arith.constant 0 : i32
    %dma_start3A_162 = tpu.memref_slice %arg12[%mul3A_2, %dma_start3A_161] : memref<12288x32xf32, #tpu.memory_space<vmem_shared>> -> memref<768x32xf32, #tpu.memory_space<vmem_shared>>
    tpu.enqueue_dma source(%dma_start3A_162 : memref<768x32xf32, #tpu.memory_space<vmem_shared>>) target(%dma_start3A_160 : memref<768x32xf32, #tpu.memory_space<hbm>>) target_semaphore(%arg15 : memref<!tpu.dma_semaphore, #tpu.memory_space<semaphore_mem>>)
    %dma_wait3A_163 = arith.constant 0 : i32
    %dma_wait3A_164 = tpu.memref_slice %arg6[%arg0, %mul3A_2, %dma_wait3A_163] : memref<2x12288x32xf32, #tpu.memory_space<hbm>> -> memref<1x768x32xf32, #tpu.memory_space<hbm>>
    %dma_wait3A_165 = tpu.memref_squeeze %dma_wait3A_164 : memref<1x768x32xf32, #tpu.memory_space<hbm>> -> memref<768x32xf32, #tpu.memory_space<hbm>>
    %dma_wait3A_166 = arith.constant 0 : i32
    %dma_wait3A_167 = tpu.memref_slice %arg12[%mul3A_2, %dma_wait3A_166] : memref<12288x32xf32, #tpu.memory_space<vmem_shared>> -> memref<768x32xf32, #tpu.memory_space<vmem_shared>>
    tpu.wait_dma2 semaphore(%arg15 : memref<!tpu.dma_semaphore, #tpu.memory_space<semaphore_mem>>) src(%dma_wait3A_167 : memref<768x32xf32, #tpu.memory_space<vmem_shared>>) dst(%dma_wait3A_165 : memref<768x32xf32, #tpu.memory_space<hbm>>)
    %mul3A_168 = arith.constant 768 : i32
    %mul3A_169 = arith.muli %arg1, %mul3A_168 : i32
    %scan3A_170 = arith.constant 0 : i32
    %scan3A_171 = arith.constant 3 : i32
    %scan3A_172 = arith.addi %scan3A_170, %scan3A_171 : i32
    %scan3A_173 = arith.constant 1 : i32
    scf.for %scan3A_291 = %scan3A_170 to %scan3A_172 step %scan3A_173  : i32 {
      %mul3A_292 = arith.constant 256 : i32
      %mul3A_293 = arith.muli %scan3A_291, %mul3A_292 : i32
      %add3A_294 = arith.constant 0 : i32
      %add3A_295 = arith.addi %add3A_294, %mul3A_293 : i32
      %add3A_296 = arith.addi %mul3A_169, %add3A_295 : i32
      %dma_start3A_297 = arith.constant 0 : i32
      %dma_start3A_298 = tpu.memref_slice %arg12[%add3A_296, %dma_start3A_297] : memref<12288x32xf32, #tpu.memory_space<vmem_shared>> -> memref<256x32xf32, #tpu.memory_space<vmem_shared>>
      %dma_start3A_299 = arith.constant 0 : i32
      %dma_start3A_300 = tpu.memref_slice %arg12[%add3A_296, %dma_start3A_299] : memref<12288x32xf32, #tpu.memory_space<vmem_shared>> -> memref<256x32xf32, #tpu.memory_space<vmem_shared>>
      tpu.enqueue_dma source(%arg11 : memref<256x32xf32, #tpu.memory_space<vmem>>) target(%dma_start3A_300 : memref<256x32xf32, #tpu.memory_space<vmem_shared>>) target_semaphore(%arg14 : memref<!tpu.dma_semaphore, #tpu.memory_space<semaphore_mem>>)
    }
    %scan3A_174 = arith.constant 3 : i32
    %scan3A_175 = arith.constant 0 : i32
    %scan3A_176 = arith.constant 3 : i32
    %scan3A_177 = arith.addi %scan3A_175, %scan3A_176 : i32
    %scan3A_178 = arith.constant 1 : i32
    scf.for %scan3A_291 = %scan3A_175 to %scan3A_177 step %scan3A_178  : i32 {
      %mul3A_292 = arith.constant 256 : i32
      %mul3A_293 = arith.muli %scan3A_291, %mul3A_292 : i32
      %add3A_294 = arith.constant 0 : i32
      %add3A_295 = arith.addi %add3A_294, %mul3A_293 : i32
      %add3A_296 = arith.addi %mul3A_169, %add3A_295 : i32
      %dma_wait3A_297 = arith.constant 0 : i32
      %dma_wait3A_298 = tpu.memref_slice %arg12[%add3A_296, %dma_wait3A_297] : memref<12288x32xf32, #tpu.memory_space<vmem_shared>> -> memref<256x32xf32, #tpu.memory_space<vmem_shared>>
      %dma_wait3A_299 = arith.constant 0 : i32
      %dma_wait3A_300 = tpu.memref_slice %arg12[%add3A_296, %dma_wait3A_299] : memref<12288x32xf32, #tpu.memory_space<vmem_shared>> -> memref<256x32xf32, #tpu.memory_space<vmem_shared>>
      tpu.wait_dma2 semaphore(%arg14 : memref<!tpu.dma_semaphore, #tpu.memory_space<semaphore_mem>>) src(%arg11 : memref<256x32xf32, #tpu.memory_space<vmem>>) dst(%dma_wait3A_300 : memref<256x32xf32, #tpu.memory_space<vmem_shared>>)
    }
    %scan3A_179 = arith.constant 3 : i32
    %dma_wait3A_180 = arith.constant 0 : i32
    %dma_wait3A_181 = tpu.memref_slice %arg13[%mul3A_2, %dma_wait3A_180] : memref<12288x32xf32, #tpu.memory_space<vmem_shared>> -> memref<768x32xf32, #tpu.memory_space<vmem_shared>>
    %dma_wait3A_182 = arith.constant 0 : i32
    %dma_wait3A_183 = tpu.memref_slice %arg3[%mul3A_2, %dma_wait3A_182] : memref<12288x32xf32, #tpu.memory_space<hbm>> -> memref<768x32xf32, #tpu.memory_space<hbm>>
    tpu.wait_dma2 semaphore(%arg14 : memref<!tpu.dma_semaphore, #tpu.memory_space<semaphore_mem>>) src(%dma_wait3A_183 : memref<768x32xf32, #tpu.memory_space<hbm>>) dst(%dma_wait3A_181 : memref<768x32xf32, #tpu.memory_space<vmem_shared>>)
    %barrier3A_184 = arith.constant 0 : index
    tpu.barrier barrier_id(%barrier3A_184)
    %dma_start3A_185 = arith.constant 0 : i32
    %dma_start3A_186 = arith.constant 0 : i32
    %dma_start3A_187 = arith.constant 0 : i32
    %dma_start3A_188 = arith.constant 0 : i32
    %dma_start3A_189 = arith.constant 0 : i32
    %dma_start3A_190 = tpu.memref_slice %arg10[%dma_start3A_186, %dma_start3A_188, %dma_start3A_189] : memref<4x256x32xf32, #tpu.memory_space<vmem>> -> memref<1x256x32xf32, #tpu.memory_space<vmem>>
    %dma_start3A_191 = tpu.memref_squeeze %dma_start3A_190 : memref<1x256x32xf32, #tpu.memory_space<vmem>> -> memref<256x32xf32, #tpu.memory_space<vmem>>
    %dma_start3A_192 = arith.constant 0 : i32
    %dma_start3A_193 = tpu.memref_slice %arg8[%dma_start3A_185, %dma_start3A_192] : memref<40x256xi32, #tpu.memory_space<vmem>> -> memref<1x256xi32, #tpu.memory_space<vmem>>
    %dma_start3A_194 = tpu.memref_squeeze %dma_start3A_193 : memref<1x256xi32, #tpu.memory_space<vmem>> -> memref<256xi32, #tpu.memory_space<vmem>>
    %dma_start3A_195 = arith.constant 0 : i32
    %dma_start3A_196 = arith.constant 0 : i32
    %dma_start3A_197 = tpu.memref_slice %arg13[%dma_start3A_195, %dma_start3A_196] : memref<12288x32xf32, #tpu.memory_space<vmem_shared>> -> memref<12288x32xf32, #tpu.memory_space<vmem_shared>>
    %dma_start3A_198 = tpu.memref_slice %arg16[%dma_start3A_187] : memref<4x!tpu.dma_semaphore, #tpu.memory_space<semaphore_mem>> -> memref<1x!tpu.dma_semaphore, #tpu.memory_space<semaphore_mem>>
    %dma_start3A_199 = tpu.memref_squeeze %dma_start3A_198 : memref<1x!tpu.dma_semaphore, #tpu.memory_space<semaphore_mem>> -> memref<!tpu.dma_semaphore, #tpu.memory_space<semaphore_mem>>
    tpu.enqueue_indirect_dma source(%dma_start3A_197 : memref<12288x32xf32, #tpu.memory_space<vmem_shared>>) target(%dma_start3A_191 : memref<256x32xf32, #tpu.memory_space<vmem>>) offsets(%dma_start3A_194 : memref<256xi32, #tpu.memory_space<vmem>>) semaphore(%dma_start3A_199 : memref<!tpu.dma_semaphore, #tpu.memory_space<semaphore_mem>>)
    %dma_start3A_200 = arith.constant 1 : i32
    %dma_start3A_201 = arith.constant 1 : i32
    %dma_start3A_202 = arith.constant 1 : i32
    %dma_start3A_203 = arith.constant 0 : i32
    %dma_start3A_204 = arith.constant 0 : i32
    %dma_start3A_205 = tpu.memref_slice %arg10[%dma_start3A_201, %dma_start3A_203, %dma_start3A_204] : memref<4x256x32xf32, #tpu.memory_space<vmem>> -> memref<1x256x32xf32, #tpu.memory_space<vmem>>
    %dma_start3A_206 = tpu.memref_squeeze %dma_start3A_205 : memref<1x256x32xf32, #tpu.memory_space<vmem>> -> memref<256x32xf32, #tpu.memory_space<vmem>>
    %dma_start3A_207 = arith.constant 0 : i32
    %dma_start3A_208 = tpu.memref_slice %arg8[%dma_start3A_200, %dma_start3A_207] : memref<40x256xi32, #tpu.memory_space<vmem>> -> memref<1x256xi32, #tpu.memory_space<vmem>>
    %dma_start3A_209 = tpu.memref_squeeze %dma_start3A_208 : memref<1x256xi32, #tpu.memory_space<vmem>> -> memref<256xi32, #tpu.memory_space<vmem>>
    %dma_start3A_210 = arith.constant 0 : i32
    %dma_start3A_211 = arith.constant 0 : i32
    %dma_start3A_212 = tpu.memref_slice %arg13[%dma_start3A_210, %dma_start3A_211] : memref<12288x32xf32, #tpu.memory_space<vmem_shared>> -> memref<12288x32xf32, #tpu.memory_space<vmem_shared>>
    %dma_start3A_213 = tpu.memref_slice %arg16[%dma_start3A_202] : memref<4x!tpu.dma_semaphore, #tpu.memory_space<semaphore_mem>> -> memref<1x!tpu.dma_semaphore, #tpu.memory_space<semaphore_mem>>
    %dma_start3A_214 = tpu.memref_squeeze %dma_start3A_213 : memref<1x!tpu.dma_semaphore, #tpu.memory_space<semaphore_mem>> -> memref<!tpu.dma_semaphore, #tpu.memory_space<semaphore_mem>>
    tpu.enqueue_indirect_dma source(%dma_start3A_212 : memref<12288x32xf32, #tpu.memory_space<vmem_shared>>) target(%dma_start3A_206 : memref<256x32xf32, #tpu.memory_space<vmem>>) offsets(%dma_start3A_209 : memref<256xi32, #tpu.memory_space<vmem>>) semaphore(%dma_start3A_214 : memref<!tpu.dma_semaphore, #tpu.memory_space<semaphore_mem>>)
    %scan3A_215 = arith.constant 0 : i32
    %scan3A_216 = arith.constant 10 : i32
    %scan3A_217 = arith.addi %scan3A_215, %scan3A_216 : i32
    %scan3A_218 = arith.constant 1 : i32
    scf.for %scan3A_291 = %scan3A_215 to %scan3A_217 step %scan3A_218  : i32 {
      %mul3A_292 = arith.constant 4 : i32
      %mul3A_293 = arith.muli %scan3A_291, %mul3A_292 : i32
      %add3A_294 = arith.constant 0 : i32
      %add3A_295 = arith.addi %add3A_294, %mul3A_293 : i32
      %add3A_296 = arith.constant 0 : i32
      %add3A_297 = arith.addi %add3A_295, %add3A_296 : i32
      %add3A_298 = arith.constant 2 : i32
      %add3A_299 = arith.addi %add3A_297, %add3A_298 : i32
      %lt3A = arith.constant 40 : i32
      %lt3A_300 = arith.cmpi slt, %add3A_299, %lt3A : i32
      %ge3A = arith.constant 2 : i32
      %ge3A_301 = arith.cmpi sge, %add3A_297, %ge3A : i32
      %and3A = arith.andi %lt3A_300, %ge3A_301 : i1
      %convert_element_type3A = arith.extui %and3A : i1 to i32
      %cond3A = arith.constant 0 : i32
      %cond3A_302 = arith.cmpi ne, %convert_element_type3A, %cond3A : i32
      scf.if %cond3A_302 {
        %sub3A = arith.constant 2 : i32
        %sub3A_479 = arith.subi %add3A_297, %sub3A : i32
        %dma_wait3A_480 = arith.constant 2 : i32
        %dma_wait3A_481 = arith.constant 2 : i32
        %dma_wait3A_482 = arith.constant 0 : i32
        %dma_wait3A_483 = arith.constant 0 : i32
        %dma_wait3A_484 = tpu.memref_slice %arg10[%dma_wait3A_480, %dma_wait3A_482, %dma_wait3A_483] : memref<4x256x32xf32, #tpu.memory_space<vmem>> -> memref<1x256x32xf32, #tpu.memory_space<vmem>>
        %dma_wait3A_485 = tpu.memref_squeeze %dma_wait3A_484 : memref<1x256x32xf32, #tpu.memory_space<vmem>> -> memref<256x32xf32, #tpu.memory_space<vmem>>
        %dma_wait3A_486 = arith.constant 0 : i32
        %dma_wait3A_487 = tpu.memref_slice %arg9[%sub3A_479, %dma_wait3A_486] : memref<40x256xi32, #tpu.memory_space<vmem>> -> memref<1x256xi32, #tpu.memory_space<vmem>>
        %dma_wait3A_488 = tpu.memref_squeeze %dma_wait3A_487 : memref<1x256xi32, #tpu.memory_space<vmem>> -> memref<256xi32, #tpu.memory_space<vmem>>
        %dma_wait3A_489 = arith.constant 0 : i32
        %dma_wait3A_490 = arith.constant 0 : i32
        %dma_wait3A_491 = tpu.memref_slice %arg12[%dma_wait3A_489, %dma_wait3A_490] : memref<12288x32xf32, #tpu.memory_space<vmem_shared>> -> memref<12288x32xf32, #tpu.memory_space<vmem_shared>>
        %dma_wait3A_492 = tpu.memref_slice %arg17[%dma_wait3A_481] : memref<4x!tpu.dma_semaphore, #tpu.memory_space<semaphore_mem>> -> memref<1x!tpu.dma_semaphore, #tpu.memory_space<semaphore_mem>>
        %dma_wait3A_493 = tpu.memref_squeeze %dma_wait3A_492 : memref<1x!tpu.dma_semaphore, #tpu.memory_space<semaphore_mem>> -> memref<!tpu.dma_semaphore, #tpu.memory_space<semaphore_mem>>
        tpu.wait_indirect_dma semaphore(%dma_wait3A_493 : memref<!tpu.dma_semaphore, #tpu.memory_space<semaphore_mem>>) src(%dma_wait3A_485 : memref<256x32xf32, #tpu.memory_space<vmem>>) dst(%dma_wait3A_491 : memref<12288x32xf32, #tpu.memory_space<vmem_shared>>)
      } else {
      }
      %add3A_303 = arith.constant 2 : i32
      %add3A_304 = arith.addi %add3A_297, %add3A_303 : i32
      %lt3A_305 = arith.constant 40 : i32
      %lt3A_306 = arith.cmpi slt, %add3A_304, %lt3A_305 : i32
      %convert_element_type3A_307 = arith.extui %lt3A_306 : i1 to i32
      %cond3A_308 = arith.constant 0 : i32
      %cond3A_309 = arith.cmpi ne, %convert_element_type3A_307, %cond3A_308 : i32
      scf.if %cond3A_309 {
        %add3A_479 = arith.constant 2 : i32
        %add3A_480 = arith.addi %add3A_297, %add3A_479 : i32
        %dma_start3A_481 = arith.constant 2 : i32
        %dma_start3A_482 = arith.constant 2 : i32
        %dma_start3A_483 = arith.constant 0 : i32
        %dma_start3A_484 = arith.constant 0 : i32
        %dma_start3A_485 = tpu.memref_slice %arg10[%dma_start3A_481, %dma_start3A_483, %dma_start3A_484] : memref<4x256x32xf32, #tpu.memory_space<vmem>> -> memref<1x256x32xf32, #tpu.memory_space<vmem>>
        %dma_start3A_486 = tpu.memref_squeeze %dma_start3A_485 : memref<1x256x32xf32, #tpu.memory_space<vmem>> -> memref<256x32xf32, #tpu.memory_space<vmem>>
        %dma_start3A_487 = arith.constant 0 : i32
        %dma_start3A_488 = tpu.memref_slice %arg8[%add3A_480, %dma_start3A_487] : memref<40x256xi32, #tpu.memory_space<vmem>> -> memref<1x256xi32, #tpu.memory_space<vmem>>
        %dma_start3A_489 = tpu.memref_squeeze %dma_start3A_488 : memref<1x256xi32, #tpu.memory_space<vmem>> -> memref<256xi32, #tpu.memory_space<vmem>>
        %dma_start3A_490 = arith.constant 0 : i32
        %dma_start3A_491 = arith.constant 0 : i32
        %dma_start3A_492 = tpu.memref_slice %arg13[%dma_start3A_490, %dma_start3A_491] : memref<12288x32xf32, #tpu.memory_space<vmem_shared>> -> memref<12288x32xf32, #tpu.memory_space<vmem_shared>>
        %dma_start3A_493 = tpu.memref_slice %arg16[%dma_start3A_482] : memref<4x!tpu.dma_semaphore, #tpu.memory_space<semaphore_mem>> -> memref<1x!tpu.dma_semaphore, #tpu.memory_space<semaphore_mem>>
        %dma_start3A_494 = tpu.memref_squeeze %dma_start3A_493 : memref<1x!tpu.dma_semaphore, #tpu.memory_space<semaphore_mem>> -> memref<!tpu.dma_semaphore, #tpu.memory_space<semaphore_mem>>
        tpu.enqueue_indirect_dma source(%dma_start3A_492 : memref<12288x32xf32, #tpu.memory_space<vmem_shared>>) target(%dma_start3A_486 : memref<256x32xf32, #tpu.memory_space<vmem>>) offsets(%dma_start3A_489 : memref<256xi32, #tpu.memory_space<vmem>>) semaphore(%dma_start3A_494 : memref<!tpu.dma_semaphore, #tpu.memory_space<semaphore_mem>>)
      } else {
      }
      %dma_wait3A_310 = arith.constant 0 : i32
      %dma_wait3A_311 = arith.constant 0 : i32
      %dma_wait3A_312 = arith.constant 0 : i32
      %dma_wait3A_313 = arith.constant 0 : i32
      %dma_wait3A_314 = tpu.memref_slice %arg10[%dma_wait3A_310, %dma_wait3A_312, %dma_wait3A_313] : memref<4x256x32xf32, #tpu.memory_space<vmem>> -> memref<1x256x32xf32, #tpu.memory_space<vmem>>
      %dma_wait3A_315 = tpu.memref_squeeze %dma_wait3A_314 : memref<1x256x32xf32, #tpu.memory_space<vmem>> -> memref<256x32xf32, #tpu.memory_space<vmem>>
      %dma_wait3A_316 = arith.constant 0 : i32
      %dma_wait3A_317 = tpu.memref_slice %arg8[%add3A_297, %dma_wait3A_316] : memref<40x256xi32, #tpu.memory_space<vmem>> -> memref<1x256xi32, #tpu.memory_space<vmem>>
      %dma_wait3A_318 = tpu.memref_squeeze %dma_wait3A_317 : memref<1x256xi32, #tpu.memory_space<vmem>> -> memref<256xi32, #tpu.memory_space<vmem>>
      %dma_wait3A_319 = arith.constant 0 : i32
      %dma_wait3A_320 = arith.constant 0 : i32
      %dma_wait3A_321 = tpu.memref_slice %arg13[%dma_wait3A_319, %dma_wait3A_320] : memref<12288x32xf32, #tpu.memory_space<vmem_shared>> -> memref<12288x32xf32, #tpu.memory_space<vmem_shared>>
      %dma_wait3A_322 = tpu.memref_slice %arg16[%dma_wait3A_311] : memref<4x!tpu.dma_semaphore, #tpu.memory_space<semaphore_mem>> -> memref<1x!tpu.dma_semaphore, #tpu.memory_space<semaphore_mem>>
      %dma_wait3A_323 = tpu.memref_squeeze %dma_wait3A_322 : memref<1x!tpu.dma_semaphore, #tpu.memory_space<semaphore_mem>> -> memref<!tpu.dma_semaphore, #tpu.memory_space<semaphore_mem>>
      tpu.wait_indirect_dma semaphore(%dma_wait3A_323 : memref<!tpu.dma_semaphore, #tpu.memory_space<semaphore_mem>>) src(%dma_wait3A_321 : memref<12288x32xf32, #tpu.memory_space<vmem_shared>>) dst(%dma_wait3A_315 : memref<256x32xf32, #tpu.memory_space<vmem>>)
      %dma_start3A_324 = arith.constant 0 : i32
      %dma_start3A_325 = arith.constant 0 : i32
      %dma_start3A_326 = arith.constant 0 : i32
      %dma_start3A_327 = arith.constant 0 : i32
      %dma_start3A_328 = tpu.memref_slice %arg10[%dma_start3A_324, %dma_start3A_326, %dma_start3A_327] : memref<4x256x32xf32, #tpu.memory_space<vmem>> -> memref<1x256x32xf32, #tpu.memory_space<vmem>>
      %dma_start3A_329 = tpu.memref_squeeze %dma_start3A_328 : memref<1x256x32xf32, #tpu.memory_space<vmem>> -> memref<256x32xf32, #tpu.memory_space<vmem>>
      %dma_start3A_330 = arith.constant 0 : i32
      %dma_start3A_331 = tpu.memref_slice %arg9[%add3A_297, %dma_start3A_330] : memref<40x256xi32, #tpu.memory_space<vmem>> -> memref<1x256xi32, #tpu.memory_space<vmem>>
      %dma_start3A_332 = tpu.memref_squeeze %dma_start3A_331 : memref<1x256xi32, #tpu.memory_space<vmem>> -> memref<256xi32, #tpu.memory_space<vmem>>
      %dma_start3A_333 = arith.constant 0 : i32
      %dma_start3A_334 = arith.constant 0 : i32
      %dma_start3A_335 = tpu.memref_slice %arg12[%dma_start3A_333, %dma_start3A_334] : memref<12288x32xf32, #tpu.memory_space<vmem_shared>> -> memref<12288x32xf32, #tpu.memory_space<vmem_shared>>
      %dma_start3A_336 = tpu.memref_slice %arg17[%dma_start3A_325] : memref<4x!tpu.dma_semaphore, #tpu.memory_space<semaphore_mem>> -> memref<1x!tpu.dma_semaphore, #tpu.memory_space<semaphore_mem>>
      %dma_start3A_337 = tpu.memref_squeeze %dma_start3A_336 : memref<1x!tpu.dma_semaphore, #tpu.memory_space<semaphore_mem>> -> memref<!tpu.dma_semaphore, #tpu.memory_space<semaphore_mem>>
      tpu.enqueue_indirect_dma source(%dma_start3A_329 : memref<256x32xf32, #tpu.memory_space<vmem>>) target(%dma_start3A_335 : memref<12288x32xf32, #tpu.memory_space<vmem_shared>>) offsets(%dma_start3A_332 : memref<256xi32, #tpu.memory_space<vmem>>) semaphore(%dma_start3A_337 : memref<!tpu.dma_semaphore, #tpu.memory_space<semaphore_mem>>) {add = true}
      %add3A_338 = arith.constant 1 : i32
      %add3A_339 = arith.addi %add3A_295, %add3A_338 : i32
      %add3A_340 = arith.constant 2 : i32
      %add3A_341 = arith.addi %add3A_339, %add3A_340 : i32
      %lt3A_342 = arith.constant 40 : i32
      %lt3A_343 = arith.cmpi slt, %add3A_341, %lt3A_342 : i32
      %ge3A_344 = arith.constant 2 : i32
      %ge3A_345 = arith.cmpi sge, %add3A_339, %ge3A_344 : i32
      %and3A_346 = arith.andi %lt3A_343, %ge3A_345 : i1
      %convert_element_type3A_347 = arith.extui %and3A_346 : i1 to i32
      %cond3A_348 = arith.constant 0 : i32
      %cond3A_349 = arith.cmpi ne, %convert_element_type3A_347, %cond3A_348 : i32
      scf.if %cond3A_349 {
        %sub3A = arith.constant 2 : i32
        %sub3A_479 = arith.subi %add3A_339, %sub3A : i32
        %dma_wait3A_480 = arith.constant 3 : i32
        %dma_wait3A_481 = arith.constant 3 : i32
        %dma_wait3A_482 = arith.constant 0 : i32
        %dma_wait3A_483 = arith.constant 0 : i32
        %dma_wait3A_484 = tpu.memref_slice %arg10[%dma_wait3A_480, %dma_wait3A_482, %dma_wait3A_483] : memref<4x256x32xf32, #tpu.memory_space<vmem>> -> memref<1x256x32xf32, #tpu.memory_space<vmem>>
        %dma_wait3A_485 = tpu.memref_squeeze %dma_wait3A_484 : memref<1x256x32xf32, #tpu.memory_space<vmem>> -> memref<256x32xf32, #tpu.memory_space<vmem>>
        %dma_wait3A_486 = arith.constant 0 : i32
        %dma_wait3A_487 = tpu.memref_slice %arg9[%sub3A_479, %dma_wait3A_486] : memref<40x256xi32, #tpu.memory_space<vmem>> -> memref<1x256xi32, #tpu.memory_space<vmem>>
        %dma_wait3A_488 = tpu.memref_squeeze %dma_wait3A_487 : memref<1x256xi32, #tpu.memory_space<vmem>> -> memref<256xi32, #tpu.memory_space<vmem>>
        %dma_wait3A_489 = arith.constant 0 : i32
        %dma_wait3A_490 = arith.constant 0 : i32
        %dma_wait3A_491 = tpu.memref_slice %arg12[%dma_wait3A_489, %dma_wait3A_490] : memref<12288x32xf32, #tpu.memory_space<vmem_shared>> -> memref<12288x32xf32, #tpu.memory_space<vmem_shared>>
        %dma_wait3A_492 = tpu.memref_slice %arg17[%dma_wait3A_481] : memref<4x!tpu.dma_semaphore, #tpu.memory_space<semaphore_mem>> -> memref<1x!tpu.dma_semaphore, #tpu.memory_space<semaphore_mem>>
        %dma_wait3A_493 = tpu.memref_squeeze %dma_wait3A_492 : memref<1x!tpu.dma_semaphore, #tpu.memory_space<semaphore_mem>> -> memref<!tpu.dma_semaphore, #tpu.memory_space<semaphore_mem>>
        tpu.wait_indirect_dma semaphore(%dma_wait3A_493 : memref<!tpu.dma_semaphore, #tpu.memory_space<semaphore_mem>>) src(%dma_wait3A_485 : memref<256x32xf32, #tpu.memory_space<vmem>>) dst(%dma_wait3A_491 : memref<12288x32xf32, #tpu.memory_space<vmem_shared>>)
      } else {
      }
      %add3A_350 = arith.constant 2 : i32
      %add3A_351 = arith.addi %add3A_339, %add3A_350 : i32
      %lt3A_352 = arith.constant 40 : i32
      %lt3A_353 = arith.cmpi slt, %add3A_351, %lt3A_352 : i32
      %convert_element_type3A_354 = arith.extui %lt3A_353 : i1 to i32
      %cond3A_355 = arith.constant 0 : i32
      %cond3A_356 = arith.cmpi ne, %convert_element_type3A_354, %cond3A_355 : i32
      scf.if %cond3A_356 {
        %add3A_479 = arith.constant 2 : i32
        %add3A_480 = arith.addi %add3A_339, %add3A_479 : i32
        %dma_start3A_481 = arith.constant 3 : i32
        %dma_start3A_482 = arith.constant 3 : i32
        %dma_start3A_483 = arith.constant 0 : i32
        %dma_start3A_484 = arith.constant 0 : i32
        %dma_start3A_485 = tpu.memref_slice %arg10[%dma_start3A_481, %dma_start3A_483, %dma_start3A_484] : memref<4x256x32xf32, #tpu.memory_space<vmem>> -> memref<1x256x32xf32, #tpu.memory_space<vmem>>
        %dma_start3A_486 = tpu.memref_squeeze %dma_start3A_485 : memref<1x256x32xf32, #tpu.memory_space<vmem>> -> memref<256x32xf32, #tpu.memory_space<vmem>>
        %dma_start3A_487 = arith.constant 0 : i32
        %dma_start3A_488 = tpu.memref_slice %arg8[%add3A_480, %dma_start3A_487] : memref<40x256xi32, #tpu.memory_space<vmem>> -> memref<1x256xi32, #tpu.memory_space<vmem>>
        %dma_start3A_489 = tpu.memref_squeeze %dma_start3A_488 : memref<1x256xi32, #tpu.memory_space<vmem>> -> memref<256xi32, #tpu.memory_space<vmem>>
        %dma_start3A_490 = arith.constant 0 : i32
        %dma_start3A_491 = arith.constant 0 : i32
        %dma_start3A_492 = tpu.memref_slice %arg13[%dma_start3A_490, %dma_start3A_491] : memref<12288x32xf32, #tpu.memory_space<vmem_shared>> -> memref<12288x32xf32, #tpu.memory_space<vmem_shared>>
        %dma_start3A_493 = tpu.memref_slice %arg16[%dma_start3A_482] : memref<4x!tpu.dma_semaphore, #tpu.memory_space<semaphore_mem>> -> memref<1x!tpu.dma_semaphore, #tpu.memory_space<semaphore_mem>>
        %dma_start3A_494 = tpu.memref_squeeze %dma_start3A_493 : memref<1x!tpu.dma_semaphore, #tpu.memory_space<semaphore_mem>> -> memref<!tpu.dma_semaphore, #tpu.memory_space<semaphore_mem>>
        tpu.enqueue_indirect_dma source(%dma_start3A_492 : memref<12288x32xf32, #tpu.memory_space<vmem_shared>>) target(%dma_start3A_486 : memref<256x32xf32, #tpu.memory_space<vmem>>) offsets(%dma_start3A_489 : memref<256xi32, #tpu.memory_space<vmem>>) semaphore(%dma_start3A_494 : memref<!tpu.dma_semaphore, #tpu.memory_space<semaphore_mem>>)
      } else {
      }
      %dma_wait3A_357 = arith.constant 1 : i32
      %dma_wait3A_358 = arith.constant 1 : i32
      %dma_wait3A_359 = arith.constant 0 : i32
      %dma_wait3A_360 = arith.constant 0 : i32
      %dma_wait3A_361 = tpu.memref_slice %arg10[%dma_wait3A_357, %dma_wait3A_359, %dma_wait3A_360] : memref<4x256x32xf32, #tpu.memory_space<vmem>> -> memref<1x256x32xf32, #tpu.memory_space<vmem>>
      %dma_wait3A_362 = tpu.memref_squeeze %dma_wait3A_361 : memref<1x256x32xf32, #tpu.memory_space<vmem>> -> memref<256x32xf32, #tpu.memory_space<vmem>>
      %dma_wait3A_363 = arith.constant 0 : i32
      %dma_wait3A_364 = tpu.memref_slice %arg8[%add3A_339, %dma_wait3A_363] : memref<40x256xi32, #tpu.memory_space<vmem>> -> memref<1x256xi32, #tpu.memory_space<vmem>>
      %dma_wait3A_365 = tpu.memref_squeeze %dma_wait3A_364 : memref<1x256xi32, #tpu.memory_space<vmem>> -> memref<256xi32, #tpu.memory_space<vmem>>
      %dma_wait3A_366 = arith.constant 0 : i32
      %dma_wait3A_367 = arith.constant 0 : i32
      %dma_wait3A_368 = tpu.memref_slice %arg13[%dma_wait3A_366, %dma_wait3A_367] : memref<12288x32xf32, #tpu.memory_space<vmem_shared>> -> memref<12288x32xf32, #tpu.memory_space<vmem_shared>>
      %dma_wait3A_369 = tpu.memref_slice %arg16[%dma_wait3A_358] : memref<4x!tpu.dma_semaphore, #tpu.memory_space<semaphore_mem>> -> memref<1x!tpu.dma_semaphore, #tpu.memory_space<semaphore_mem>>
      %dma_wait3A_370 = tpu.memref_squeeze %dma_wait3A_369 : memref<1x!tpu.dma_semaphore, #tpu.memory_space<semaphore_mem>> -> memref<!tpu.dma_semaphore, #tpu.memory_space<semaphore_mem>>
      tpu.wait_indirect_dma semaphore(%dma_wait3A_370 : memref<!tpu.dma_semaphore, #tpu.memory_space<semaphore_mem>>) src(%dma_wait3A_368 : memref<12288x32xf32, #tpu.memory_space<vmem_shared>>) dst(%dma_wait3A_362 : memref<256x32xf32, #tpu.memory_space<vmem>>)
      %dma_start3A_371 = arith.constant 1 : i32
      %dma_start3A_372 = arith.constant 1 : i32
      %dma_start3A_373 = arith.constant 0 : i32
      %dma_start3A_374 = arith.constant 0 : i32
      %dma_start3A_375 = tpu.memref_slice %arg10[%dma_start3A_371, %dma_start3A_373, %dma_start3A_374] : memref<4x256x32xf32, #tpu.memory_space<vmem>> -> memref<1x256x32xf32, #tpu.memory_space<vmem>>
      %dma_start3A_376 = tpu.memref_squeeze %dma_start3A_375 : memref<1x256x32xf32, #tpu.memory_space<vmem>> -> memref<256x32xf32, #tpu.memory_space<vmem>>
      %dma_start3A_377 = arith.constant 0 : i32
      %dma_start3A_378 = tpu.memref_slice %arg9[%add3A_339, %dma_start3A_377] : memref<40x256xi32, #tpu.memory_space<vmem>> -> memref<1x256xi32, #tpu.memory_space<vmem>>
      %dma_start3A_379 = tpu.memref_squeeze %dma_start3A_378 : memref<1x256xi32, #tpu.memory_space<vmem>> -> memref<256xi32, #tpu.memory_space<vmem>>
      %dma_start3A_380 = arith.constant 0 : i32
      %dma_start3A_381 = arith.constant 0 : i32
      %dma_start3A_382 = tpu.memref_slice %arg12[%dma_start3A_380, %dma_start3A_381] : memref<12288x32xf32, #tpu.memory_space<vmem_shared>> -> memref<12288x32xf32, #tpu.memory_space<vmem_shared>>
      %dma_start3A_383 = tpu.memref_slice %arg17[%dma_start3A_372] : memref<4x!tpu.dma_semaphore, #tpu.memory_space<semaphore_mem>> -> memref<1x!tpu.dma_semaphore, #tpu.memory_space<semaphore_mem>>
      %dma_start3A_384 = tpu.memref_squeeze %dma_start3A_383 : memref<1x!tpu.dma_semaphore, #tpu.memory_space<semaphore_mem>> -> memref<!tpu.dma_semaphore, #tpu.memory_space<semaphore_mem>>
      tpu.enqueue_indirect_dma source(%dma_start3A_376 : memref<256x32xf32, #tpu.memory_space<vmem>>) target(%dma_start3A_382 : memref<12288x32xf32, #tpu.memory_space<vmem_shared>>) offsets(%dma_start3A_379 : memref<256xi32, #tpu.memory_space<vmem>>) semaphore(%dma_start3A_384 : memref<!tpu.dma_semaphore, #tpu.memory_space<semaphore_mem>>) {add = true}
      %add3A_385 = arith.constant 2 : i32
      %add3A_386 = arith.addi %add3A_295, %add3A_385 : i32
      %add3A_387 = arith.constant 2 : i32
      %add3A_388 = arith.addi %add3A_386, %add3A_387 : i32
      %lt3A_389 = arith.constant 40 : i32
      %lt3A_390 = arith.cmpi slt, %add3A_388, %lt3A_389 : i32
      %ge3A_391 = arith.constant 2 : i32
      %ge3A_392 = arith.cmpi sge, %add3A_386, %ge3A_391 : i32
      %and3A_393 = arith.andi %lt3A_390, %ge3A_392 : i1
      %convert_element_type3A_394 = arith.extui %and3A_393 : i1 to i32
      %cond3A_395 = arith.constant 0 : i32
      %cond3A_396 = arith.cmpi ne, %convert_element_type3A_394, %cond3A_395 : i32
      scf.if %cond3A_396 {
        %sub3A = arith.constant 2 : i32
        %sub3A_479 = arith.subi %add3A_386, %sub3A : i32
        %dma_wait3A_480 = arith.constant 0 : i32
        %dma_wait3A_481 = arith.constant 0 : i32
        %dma_wait3A_482 = arith.constant 0 : i32
        %dma_wait3A_483 = arith.constant 0 : i32
        %dma_wait3A_484 = tpu.memref_slice %arg10[%dma_wait3A_480, %dma_wait3A_482, %dma_wait3A_483] : memref<4x256x32xf32, #tpu.memory_space<vmem>> -> memref<1x256x32xf32, #tpu.memory_space<vmem>>
        %dma_wait3A_485 = tpu.memref_squeeze %dma_wait3A_484 : memref<1x256x32xf32, #tpu.memory_space<vmem>> -> memref<256x32xf32, #tpu.memory_space<vmem>>
        %dma_wait3A_486 = arith.constant 0 : i32
        %dma_wait3A_487 = tpu.memref_slice %arg9[%sub3A_479, %dma_wait3A_486] : memref<40x256xi32, #tpu.memory_space<vmem>> -> memref<1x256xi32, #tpu.memory_space<vmem>>
        %dma_wait3A_488 = tpu.memref_squeeze %dma_wait3A_487 : memref<1x256xi32, #tpu.memory_space<vmem>> -> memref<256xi32, #tpu.memory_space<vmem>>
        %dma_wait3A_489 = arith.constant 0 : i32
        %dma_wait3A_490 = arith.constant 0 : i32
        %dma_wait3A_491 = tpu.memref_slice %arg12[%dma_wait3A_489, %dma_wait3A_490] : memref<12288x32xf32, #tpu.memory_space<vmem_shared>> -> memref<12288x32xf32, #tpu.memory_space<vmem_shared>>
        %dma_wait3A_492 = tpu.memref_slice %arg17[%dma_wait3A_481] : memref<4x!tpu.dma_semaphore, #tpu.memory_space<semaphore_mem>> -> memref<1x!tpu.dma_semaphore, #tpu.memory_space<semaphore_mem>>
        %dma_wait3A_493 = tpu.memref_squeeze %dma_wait3A_492 : memref<1x!tpu.dma_semaphore, #tpu.memory_space<semaphore_mem>> -> memref<!tpu.dma_semaphore, #tpu.memory_space<semaphore_mem>>
        tpu.wait_indirect_dma semaphore(%dma_wait3A_493 : memref<!tpu.dma_semaphore, #tpu.memory_space<semaphore_mem>>) src(%dma_wait3A_485 : memref<256x32xf32, #tpu.memory_space<vmem>>) dst(%dma_wait3A_491 : memref<12288x32xf32, #tpu.memory_space<vmem_shared>>)
      } else {
      }
      %add3A_397 = arith.constant 2 : i32
      %add3A_398 = arith.addi %add3A_386, %add3A_397 : i32
      %lt3A_399 = arith.constant 40 : i32
      %lt3A_400 = arith.cmpi slt, %add3A_398, %lt3A_399 : i32
      %convert_element_type3A_401 = arith.extui %lt3A_400 : i1 to i32
      %cond3A_402 = arith.constant 0 : i32
      %cond3A_403 = arith.cmpi ne, %convert_element_type3A_401, %cond3A_402 : i32
      scf.if %cond3A_403 {
        %add3A_479 = arith.constant 2 : i32
        %add3A_480 = arith.addi %add3A_386, %add3A_479 : i32
        %dma_start3A_481 = arith.constant 0 : i32
        %dma_start3A_482 = arith.constant 0 : i32
        %dma_start3A_483 = arith.constant 0 : i32
        %dma_start3A_484 = arith.constant 0 : i32
        %dma_start3A_485 = tpu.memref_slice %arg10[%dma_start3A_481, %dma_start3A_483, %dma_start3A_484] : memref<4x256x32xf32, #tpu.memory_space<vmem>> -> memref<1x256x32xf32, #tpu.memory_space<vmem>>
        %dma_start3A_486 = tpu.memref_squeeze %dma_start3A_485 : memref<1x256x32xf32, #tpu.memory_space<vmem>> -> memref<256x32xf32, #tpu.memory_space<vmem>>
        %dma_start3A_487 = arith.constant 0 : i32
        %dma_start3A_488 = tpu.memref_slice %arg8[%add3A_480, %dma_start3A_487] : memref<40x256xi32, #tpu.memory_space<vmem>> -> memref<1x256xi32, #tpu.memory_space<vmem>>
        %dma_start3A_489 = tpu.memref_squeeze %dma_start3A_488 : memref<1x256xi32, #tpu.memory_space<vmem>> -> memref<256xi32, #tpu.memory_space<vmem>>
        %dma_start3A_490 = arith.constant 0 : i32
        %dma_start3A_491 = arith.constant 0 : i32
        %dma_start3A_492 = tpu.memref_slice %arg13[%dma_start3A_490, %dma_start3A_491] : memref<12288x32xf32, #tpu.memory_space<vmem_shared>> -> memref<12288x32xf32, #tpu.memory_space<vmem_shared>>
        %dma_start3A_493 = tpu.memref_slice %arg16[%dma_start3A_482] : memref<4x!tpu.dma_semaphore, #tpu.memory_space<semaphore_mem>> -> memref<1x!tpu.dma_semaphore, #tpu.memory_space<semaphore_mem>>
        %dma_start3A_494 = tpu.memref_squeeze %dma_start3A_493 : memref<1x!tpu.dma_semaphore, #tpu.memory_space<semaphore_mem>> -> memref<!tpu.dma_semaphore, #tpu.memory_space<semaphore_mem>>
        tpu.enqueue_indirect_dma source(%dma_start3A_492 : memref<12288x32xf32, #tpu.memory_space<vmem_shared>>) target(%dma_start3A_486 : memref<256x32xf32, #tpu.memory_space<vmem>>) offsets(%dma_start3A_489 : memref<256xi32, #tpu.memory_space<vmem>>) semaphore(%dma_start3A_494 : memref<!tpu.dma_semaphore, #tpu.memory_space<semaphore_mem>>)
      } else {
      }
      %dma_wait3A_404 = arith.constant 2 : i32
      %dma_wait3A_405 = arith.constant 2 : i32
      %dma_wait3A_406 = arith.constant 0 : i32
      %dma_wait3A_407 = arith.constant 0 : i32
      %dma_wait3A_408 = tpu.memref_slice %arg10[%dma_wait3A_404, %dma_wait3A_406, %dma_wait3A_407] : memref<4x256x32xf32, #tpu.memory_space<vmem>> -> memref<1x256x32xf32, #tpu.memory_space<vmem>>
      %dma_wait3A_409 = tpu.memref_squeeze %dma_wait3A_408 : memref<1x256x32xf32, #tpu.memory_space<vmem>> -> memref<256x32xf32, #tpu.memory_space<vmem>>
      %dma_wait3A_410 = arith.constant 0 : i32
      %dma_wait3A_411 = tpu.memref_slice %arg8[%add3A_386, %dma_wait3A_410] : memref<40x256xi32, #tpu.memory_space<vmem>> -> memref<1x256xi32, #tpu.memory_space<vmem>>
      %dma_wait3A_412 = tpu.memref_squeeze %dma_wait3A_411 : memref<1x256xi32, #tpu.memory_space<vmem>> -> memref<256xi32, #tpu.memory_space<vmem>>
      %dma_wait3A_413 = arith.constant 0 : i32
      %dma_wait3A_414 = arith.constant 0 : i32
      %dma_wait3A_415 = tpu.memref_slice %arg13[%dma_wait3A_413, %dma_wait3A_414] : memref<12288x32xf32, #tpu.memory_space<vmem_shared>> -> memref<12288x32xf32, #tpu.memory_space<vmem_shared>>
      %dma_wait3A_416 = tpu.memref_slice %arg16[%dma_wait3A_405] : memref<4x!tpu.dma_semaphore, #tpu.memory_space<semaphore_mem>> -> memref<1x!tpu.dma_semaphore, #tpu.memory_space<semaphore_mem>>
      %dma_wait3A_417 = tpu.memref_squeeze %dma_wait3A_416 : memref<1x!tpu.dma_semaphore, #tpu.memory_space<semaphore_mem>> -> memref<!tpu.dma_semaphore, #tpu.memory_space<semaphore_mem>>
      tpu.wait_indirect_dma semaphore(%dma_wait3A_417 : memref<!tpu.dma_semaphore, #tpu.memory_space<semaphore_mem>>) src(%dma_wait3A_415 : memref<12288x32xf32, #tpu.memory_space<vmem_shared>>) dst(%dma_wait3A_409 : memref<256x32xf32, #tpu.memory_space<vmem>>)
      %dma_start3A_418 = arith.constant 2 : i32
      %dma_start3A_419 = arith.constant 2 : i32
      %dma_start3A_420 = arith.constant 0 : i32
      %dma_start3A_421 = arith.constant 0 : i32
      %dma_start3A_422 = tpu.memref_slice %arg10[%dma_start3A_418, %dma_start3A_420, %dma_start3A_421] : memref<4x256x32xf32, #tpu.memory_space<vmem>> -> memref<1x256x32xf32, #tpu.memory_space<vmem>>
      %dma_start3A_423 = tpu.memref_squeeze %dma_start3A_422 : memref<1x256x32xf32, #tpu.memory_space<vmem>> -> memref<256x32xf32, #tpu.memory_space<vmem>>
      %dma_start3A_424 = arith.constant 0 : i32
      %dma_start3A_425 = tpu.memref_slice %arg9[%add3A_386, %dma_start3A_424] : memref<40x256xi32, #tpu.memory_space<vmem>> -> memref<1x256xi32, #tpu.memory_space<vmem>>
      %dma_start3A_426 = tpu.memref_squeeze %dma_start3A_425 : memref<1x256xi32, #tpu.memory_space<vmem>> -> memref<256xi32, #tpu.memory_space<vmem>>
      %dma_start3A_427 = arith.constant 0 : i32
      %dma_start3A_428 = arith.constant 0 : i32
      %dma_start3A_429 = tpu.memref_slice %arg12[%dma_start3A_427, %dma_start3A_428] : memref<12288x32xf32, #tpu.memory_space<vmem_shared>> -> memref<12288x32xf32, #tpu.memory_space<vmem_shared>>
      %dma_start3A_430 = tpu.memref_slice %arg17[%dma_start3A_419] : memref<4x!tpu.dma_semaphore, #tpu.memory_space<semaphore_mem>> -> memref<1x!tpu.dma_semaphore, #tpu.memory_space<semaphore_mem>>
      %dma_start3A_431 = tpu.memref_squeeze %dma_start3A_430 : memref<1x!tpu.dma_semaphore, #tpu.memory_space<semaphore_mem>> -> memref<!tpu.dma_semaphore, #tpu.memory_space<semaphore_mem>>
      tpu.enqueue_indirect_dma source(%dma_start3A_423 : memref<256x32xf32, #tpu.memory_space<vmem>>) target(%dma_start3A_429 : memref<12288x32xf32, #tpu.memory_space<vmem_shared>>) offsets(%dma_start3A_426 : memref<256xi32, #tpu.memory_space<vmem>>) semaphore(%dma_start3A_431 : memref<!tpu.dma_semaphore, #tpu.memory_space<semaphore_mem>>) {add = true}
      %add3A_432 = arith.constant 3 : i32
      %add3A_433 = arith.addi %add3A_295, %add3A_432 : i32
      %add3A_434 = arith.constant 2 : i32
      %add3A_435 = arith.addi %add3A_433, %add3A_434 : i32
      %lt3A_436 = arith.constant 40 : i32
      %lt3A_437 = arith.cmpi slt, %add3A_435, %lt3A_436 : i32
      %ge3A_438 = arith.constant 2 : i32
      %ge3A_439 = arith.cmpi sge, %add3A_433, %ge3A_438 : i32
      %and3A_440 = arith.andi %lt3A_437, %ge3A_439 : i1
      %convert_element_type3A_441 = arith.extui %and3A_440 : i1 to i32
      %cond3A_442 = arith.constant 0 : i32
      %cond3A_443 = arith.cmpi ne, %convert_element_type3A_441, %cond3A_442 : i32
      scf.if %cond3A_443 {
        %sub3A = arith.constant 2 : i32
        %sub3A_479 = arith.subi %add3A_433, %sub3A : i32
        %dma_wait3A_480 = arith.constant 1 : i32
        %dma_wait3A_481 = arith.constant 1 : i32
        %dma_wait3A_482 = arith.constant 0 : i32
        %dma_wait3A_483 = arith.constant 0 : i32
        %dma_wait3A_484 = tpu.memref_slice %arg10[%dma_wait3A_480, %dma_wait3A_482, %dma_wait3A_483] : memref<4x256x32xf32, #tpu.memory_space<vmem>> -> memref<1x256x32xf32, #tpu.memory_space<vmem>>
        %dma_wait3A_485 = tpu.memref_squeeze %dma_wait3A_484 : memref<1x256x32xf32, #tpu.memory_space<vmem>> -> memref<256x32xf32, #tpu.memory_space<vmem>>
        %dma_wait3A_486 = arith.constant 0 : i32
        %dma_wait3A_487 = tpu.memref_slice %arg9[%sub3A_479, %dma_wait3A_486] : memref<40x256xi32, #tpu.memory_space<vmem>> -> memref<1x256xi32, #tpu.memory_space<vmem>>
        %dma_wait3A_488 = tpu.memref_squeeze %dma_wait3A_487 : memref<1x256xi32, #tpu.memory_space<vmem>> -> memref<256xi32, #tpu.memory_space<vmem>>
        %dma_wait3A_489 = arith.constant 0 : i32
        %dma_wait3A_490 = arith.constant 0 : i32
        %dma_wait3A_491 = tpu.memref_slice %arg12[%dma_wait3A_489, %dma_wait3A_490] : memref<12288x32xf32, #tpu.memory_space<vmem_shared>> -> memref<12288x32xf32, #tpu.memory_space<vmem_shared>>
        %dma_wait3A_492 = tpu.memref_slice %arg17[%dma_wait3A_481] : memref<4x!tpu.dma_semaphore, #tpu.memory_space<semaphore_mem>> -> memref<1x!tpu.dma_semaphore, #tpu.memory_space<semaphore_mem>>
        %dma_wait3A_493 = tpu.memref_squeeze %dma_wait3A_492 : memref<1x!tpu.dma_semaphore, #tpu.memory_space<semaphore_mem>> -> memref<!tpu.dma_semaphore, #tpu.memory_space<semaphore_mem>>
        tpu.wait_indirect_dma semaphore(%dma_wait3A_493 : memref<!tpu.dma_semaphore, #tpu.memory_space<semaphore_mem>>) src(%dma_wait3A_485 : memref<256x32xf32, #tpu.memory_space<vmem>>) dst(%dma_wait3A_491 : memref<12288x32xf32, #tpu.memory_space<vmem_shared>>)
      } else {
      }
      %add3A_444 = arith.constant 2 : i32
      %add3A_445 = arith.addi %add3A_433, %add3A_444 : i32
      %lt3A_446 = arith.constant 40 : i32
      %lt3A_447 = arith.cmpi slt, %add3A_445, %lt3A_446 : i32
      %convert_element_type3A_448 = arith.extui %lt3A_447 : i1 to i32
      %cond3A_449 = arith.constant 0 : i32
      %cond3A_450 = arith.cmpi ne, %convert_element_type3A_448, %cond3A_449 : i32
      scf.if %cond3A_450 {
        %add3A_479 = arith.constant 2 : i32
        %add3A_480 = arith.addi %add3A_433, %add3A_479 : i32
        %dma_start3A_481 = arith.constant 1 : i32
        %dma_start3A_482 = arith.constant 1 : i32
        %dma_start3A_483 = arith.constant 0 : i32
        %dma_start3A_484 = arith.constant 0 : i32
        %dma_start3A_485 = tpu.memref_slice %arg10[%dma_start3A_481, %dma_start3A_483, %dma_start3A_484] : memref<4x256x32xf32, #tpu.memory_space<vmem>> -> memref<1x256x32xf32, #tpu.memory_space<vmem>>
        %dma_start3A_486 = tpu.memref_squeeze %dma_start3A_485 : memref<1x256x32xf32, #tpu.memory_space<vmem>> -> memref<256x32xf32, #tpu.memory_space<vmem>>
        %dma_start3A_487 = arith.constant 0 : i32
        %dma_start3A_488 = tpu.memref_slice %arg8[%add3A_480, %dma_start3A_487] : memref<40x256xi32, #tpu.memory_space<vmem>> -> memref<1x256xi32, #tpu.memory_space<vmem>>
        %dma_start3A_489 = tpu.memref_squeeze %dma_start3A_488 : memref<1x256xi32, #tpu.memory_space<vmem>> -> memref<256xi32, #tpu.memory_space<vmem>>
        %dma_start3A_490 = arith.constant 0 : i32
        %dma_start3A_491 = arith.constant 0 : i32
        %dma_start3A_492 = tpu.memref_slice %arg13[%dma_start3A_490, %dma_start3A_491] : memref<12288x32xf32, #tpu.memory_space<vmem_shared>> -> memref<12288x32xf32, #tpu.memory_space<vmem_shared>>
        %dma_start3A_493 = tpu.memref_slice %arg16[%dma_start3A_482] : memref<4x!tpu.dma_semaphore, #tpu.memory_space<semaphore_mem>> -> memref<1x!tpu.dma_semaphore, #tpu.memory_space<semaphore_mem>>
        %dma_start3A_494 = tpu.memref_squeeze %dma_start3A_493 : memref<1x!tpu.dma_semaphore, #tpu.memory_space<semaphore_mem>> -> memref<!tpu.dma_semaphore, #tpu.memory_space<semaphore_mem>>
        tpu.enqueue_indirect_dma source(%dma_start3A_492 : memref<12288x32xf32, #tpu.memory_space<vmem_shared>>) target(%dma_start3A_486 : memref<256x32xf32, #tpu.memory_space<vmem>>) offsets(%dma_start3A_489 : memref<256xi32, #tpu.memory_space<vmem>>) semaphore(%dma_start3A_494 : memref<!tpu.dma_semaphore, #tpu.memory_space<semaphore_mem>>)
      } else {
      }
      %dma_wait3A_451 = arith.constant 3 : i32
      %dma_wait3A_452 = arith.constant 3 : i32
      %dma_wait3A_453 = arith.constant 0 : i32
      %dma_wait3A_454 = arith.constant 0 : i32
      %dma_wait3A_455 = tpu.memref_slice %arg10[%dma_wait3A_451, %dma_wait3A_453, %dma_wait3A_454] : memref<4x256x32xf32, #tpu.memory_space<vmem>> -> memref<1x256x32xf32, #tpu.memory_space<vmem>>
      %dma_wait3A_456 = tpu.memref_squeeze %dma_wait3A_455 : memref<1x256x32xf32, #tpu.memory_space<vmem>> -> memref<256x32xf32, #tpu.memory_space<vmem>>
      %dma_wait3A_457 = arith.constant 0 : i32
      %dma_wait3A_458 = tpu.memref_slice %arg8[%add3A_433, %dma_wait3A_457] : memref<40x256xi32, #tpu.memory_space<vmem>> -> memref<1x256xi32, #tpu.memory_space<vmem>>
      %dma_wait3A_459 = tpu.memref_squeeze %dma_wait3A_458 : memref<1x256xi32, #tpu.memory_space<vmem>> -> memref<256xi32, #tpu.memory_space<vmem>>
      %dma_wait3A_460 = arith.constant 0 : i32
      %dma_wait3A_461 = arith.constant 0 : i32
      %dma_wait3A_462 = tpu.memref_slice %arg13[%dma_wait3A_460, %dma_wait3A_461] : memref<12288x32xf32, #tpu.memory_space<vmem_shared>> -> memref<12288x32xf32, #tpu.memory_space<vmem_shared>>
      %dma_wait3A_463 = tpu.memref_slice %arg16[%dma_wait3A_452] : memref<4x!tpu.dma_semaphore, #tpu.memory_space<semaphore_mem>> -> memref<1x!tpu.dma_semaphore, #tpu.memory_space<semaphore_mem>>
      %dma_wait3A_464 = tpu.memref_squeeze %dma_wait3A_463 : memref<1x!tpu.dma_semaphore, #tpu.memory_space<semaphore_mem>> -> memref<!tpu.dma_semaphore, #tpu.memory_space<semaphore_mem>>
      tpu.wait_indirect_dma semaphore(%dma_wait3A_464 : memref<!tpu.dma_semaphore, #tpu.memory_space<semaphore_mem>>) src(%dma_wait3A_462 : memref<12288x32xf32, #tpu.memory_space<vmem_shared>>) dst(%dma_wait3A_456 : memref<256x32xf32, #tpu.memory_space<vmem>>)
      %dma_start3A_465 = arith.constant 3 : i32
      %dma_start3A_466 = arith.constant 3 : i32
      %dma_start3A_467 = arith.constant 0 : i32
      %dma_start3A_468 = arith.constant 0 : i32
      %dma_start3A_469 = tpu.memref_slice %arg10[%dma_start3A_465, %dma_start3A_467, %dma_start3A_468] : memref<4x256x32xf32, #tpu.memory_space<vmem>> -> memref<1x256x32xf32, #tpu.memory_space<vmem>>
      %dma_start3A_470 = tpu.memref_squeeze %dma_start3A_469 : memref<1x256x32xf32, #tpu.memory_space<vmem>> -> memref<256x32xf32, #tpu.memory_space<vmem>>
      %dma_start3A_471 = arith.constant 0 : i32
      %dma_start3A_472 = tpu.memref_slice %arg9[%add3A_433, %dma_start3A_471] : memref<40x256xi32, #tpu.memory_space<vmem>> -> memref<1x256xi32, #tpu.memory_space<vmem>>
      %dma_start3A_473 = tpu.memref_squeeze %dma_start3A_472 : memref<1x256xi32, #tpu.memory_space<vmem>> -> memref<256xi32, #tpu.memory_space<vmem>>
      %dma_start3A_474 = arith.constant 0 : i32
      %dma_start3A_475 = arith.constant 0 : i32
      %dma_start3A_476 = tpu.memref_slice %arg12[%dma_start3A_474, %dma_start3A_475] : memref<12288x32xf32, #tpu.memory_space<vmem_shared>> -> memref<12288x32xf32, #tpu.memory_space<vmem_shared>>
      %dma_start3A_477 = tpu.memref_slice %arg17[%dma_start3A_466] : memref<4x!tpu.dma_semaphore, #tpu.memory_space<semaphore_mem>> -> memref<1x!tpu.dma_semaphore, #tpu.memory_space<semaphore_mem>>
      %dma_start3A_478 = tpu.memref_squeeze %dma_start3A_477 : memref<1x!tpu.dma_semaphore, #tpu.memory_space<semaphore_mem>> -> memref<!tpu.dma_semaphore, #tpu.memory_space<semaphore_mem>>
      tpu.enqueue_indirect_dma source(%dma_start3A_470 : memref<256x32xf32, #tpu.memory_space<vmem>>) target(%dma_start3A_476 : memref<12288x32xf32, #tpu.memory_space<vmem_shared>>) offsets(%dma_start3A_473 : memref<256xi32, #tpu.memory_space<vmem>>) semaphore(%dma_start3A_478 : memref<!tpu.dma_semaphore, #tpu.memory_space<semaphore_mem>>) {add = true}
    }
    %scan3A_219 = arith.constant 10 : i32
    %dma_wait3A_220 = arith.constant 0 : i32
    %dma_wait3A_221 = arith.constant 0 : i32
    %dma_wait3A_222 = arith.constant 0 : i32
    %dma_wait3A_223 = arith.constant 0 : i32
    %dma_wait3A_224 = arith.constant 0 : i32
    %dma_wait3A_225 = tpu.memref_slice %arg10[%dma_wait3A_220, %dma_wait3A_223, %dma_wait3A_224] : memref<4x256x32xf32, #tpu.memory_space<vmem>> -> memref<1x256x32xf32, #tpu.memory_space<vmem>>
    %dma_wait3A_226 = tpu.memref_squeeze %dma_wait3A_225 : memref<1x256x32xf32, #tpu.memory_space<vmem>> -> memref<256x32xf32, #tpu.memory_space<vmem>>
    %dma_wait3A_227 = arith.constant 0 : i32
    %dma_wait3A_228 = tpu.memref_slice %arg9[%dma_wait3A_221, %dma_wait3A_227] : memref<40x256xi32, #tpu.memory_space<vmem>> -> memref<1x256xi32, #tpu.memory_space<vmem>>
    %dma_wait3A_229 = tpu.memref_squeeze %dma_wait3A_228 : memref<1x256xi32, #tpu.memory_space<vmem>> -> memref<256xi32, #tpu.memory_space<vmem>>
    %dma_wait3A_230 = arith.constant 0 : i32
    %dma_wait3A_231 = arith.constant 0 : i32
    %dma_wait3A_232 = tpu.memref_slice %arg12[%dma_wait3A_230, %dma_wait3A_231] : memref<12288x32xf32, #tpu.memory_space<vmem_shared>> -> memref<12288x32xf32, #tpu.memory_space<vmem_shared>>
    %dma_wait3A_233 = tpu.memref_slice %arg17[%dma_wait3A_222] : memref<4x!tpu.dma_semaphore, #tpu.memory_space<semaphore_mem>> -> memref<1x!tpu.dma_semaphore, #tpu.memory_space<semaphore_mem>>
    %dma_wait3A_234 = tpu.memref_squeeze %dma_wait3A_233 : memref<1x!tpu.dma_semaphore, #tpu.memory_space<semaphore_mem>> -> memref<!tpu.dma_semaphore, #tpu.memory_space<semaphore_mem>>
    tpu.wait_indirect_dma semaphore(%dma_wait3A_234 : memref<!tpu.dma_semaphore, #tpu.memory_space<semaphore_mem>>) src(%dma_wait3A_226 : memref<256x32xf32, #tpu.memory_space<vmem>>) dst(%dma_wait3A_232 : memref<12288x32xf32, #tpu.memory_space<vmem_shared>>)
    %dma_wait3A_235 = arith.constant 1 : i32
    %dma_wait3A_236 = arith.constant 1 : i32
    %dma_wait3A_237 = arith.constant 1 : i32
    %dma_wait3A_238 = arith.constant 0 : i32
    %dma_wait3A_239 = arith.constant 0 : i32
    %dma_wait3A_240 = tpu.memref_slice %arg10[%dma_wait3A_235, %dma_wait3A_238, %dma_wait3A_239] : memref<4x256x32xf32, #tpu.memory_space<vmem>> -> memref<1x256x32xf32, #tpu.memory_space<vmem>>
    %dma_wait3A_241 = tpu.memref_squeeze %dma_wait3A_240 : memref<1x256x32xf32, #tpu.memory_space<vmem>> -> memref<256x32xf32, #tpu.memory_space<vmem>>
    %dma_wait3A_242 = arith.constant 0 : i32
    %dma_wait3A_243 = tpu.memref_slice %arg9[%dma_wait3A_236, %dma_wait3A_242] : memref<40x256xi32, #tpu.memory_space<vmem>> -> memref<1x256xi32, #tpu.memory_space<vmem>>
    %dma_wait3A_244 = tpu.memref_squeeze %dma_wait3A_243 : memref<1x256xi32, #tpu.memory_space<vmem>> -> memref<256xi32, #tpu.memory_space<vmem>>
    %dma_wait3A_245 = arith.constant 0 : i32
    %dma_wait3A_246 = arith.constant 0 : i32
    %dma_wait3A_247 = tpu.memref_slice %arg12[%dma_wait3A_245, %dma_wait3A_246] : memref<12288x32xf32, #tpu.memory_space<vmem_shared>> -> memref<12288x32xf32, #tpu.memory_space<vmem_shared>>
    %dma_wait3A_248 = tpu.memref_slice %arg17[%dma_wait3A_237] : memref<4x!tpu.dma_semaphore, #tpu.memory_space<semaphore_mem>> -> memref<1x!tpu.dma_semaphore, #tpu.memory_space<semaphore_mem>>
    %dma_wait3A_249 = tpu.memref_squeeze %dma_wait3A_248 : memref<1x!tpu.dma_semaphore, #tpu.memory_space<semaphore_mem>> -> memref<!tpu.dma_semaphore, #tpu.memory_space<semaphore_mem>>
    tpu.wait_indirect_dma semaphore(%dma_wait3A_249 : memref<!tpu.dma_semaphore, #tpu.memory_space<semaphore_mem>>) src(%dma_wait3A_241 : memref<256x32xf32, #tpu.memory_space<vmem>>) dst(%dma_wait3A_247 : memref<12288x32xf32, #tpu.memory_space<vmem_shared>>)
    %dma_wait3A_250 = arith.constant 2 : i32
    %dma_wait3A_251 = arith.constant 2 : i32
    %dma_wait3A_252 = arith.constant 2 : i32
    %dma_wait3A_253 = arith.constant 0 : i32
    %dma_wait3A_254 = arith.constant 0 : i32
    %dma_wait3A_255 = tpu.memref_slice %arg10[%dma_wait3A_250, %dma_wait3A_253, %dma_wait3A_254] : memref<4x256x32xf32, #tpu.memory_space<vmem>> -> memref<1x256x32xf32, #tpu.memory_space<vmem>>
    %dma_wait3A_256 = tpu.memref_squeeze %dma_wait3A_255 : memref<1x256x32xf32, #tpu.memory_space<vmem>> -> memref<256x32xf32, #tpu.memory_space<vmem>>
    %dma_wait3A_257 = arith.constant 0 : i32
    %dma_wait3A_258 = tpu.memref_slice %arg9[%dma_wait3A_251, %dma_wait3A_257] : memref<40x256xi32, #tpu.memory_space<vmem>> -> memref<1x256xi32, #tpu.memory_space<vmem>>
    %dma_wait3A_259 = tpu.memref_squeeze %dma_wait3A_258 : memref<1x256xi32, #tpu.memory_space<vmem>> -> memref<256xi32, #tpu.memory_space<vmem>>
    %dma_wait3A_260 = arith.constant 0 : i32
    %dma_wait3A_261 = arith.constant 0 : i32
    %dma_wait3A_262 = tpu.memref_slice %arg12[%dma_wait3A_260, %dma_wait3A_261] : memref<12288x32xf32, #tpu.memory_space<vmem_shared>> -> memref<12288x32xf32, #tpu.memory_space<vmem_shared>>
    %dma_wait3A_263 = tpu.memref_slice %arg17[%dma_wait3A_252] : memref<4x!tpu.dma_semaphore, #tpu.memory_space<semaphore_mem>> -> memref<1x!tpu.dma_semaphore, #tpu.memory_space<semaphore_mem>>
    %dma_wait3A_264 = tpu.memref_squeeze %dma_wait3A_263 : memref<1x!tpu.dma_semaphore, #tpu.memory_space<semaphore_mem>> -> memref<!tpu.dma_semaphore, #tpu.memory_space<semaphore_mem>>
    tpu.wait_indirect_dma semaphore(%dma_wait3A_264 : memref<!tpu.dma_semaphore, #tpu.memory_space<semaphore_mem>>) src(%dma_wait3A_256 : memref<256x32xf32, #tpu.memory_space<vmem>>) dst(%dma_wait3A_262 : memref<12288x32xf32, #tpu.memory_space<vmem_shared>>)
    %dma_wait3A_265 = arith.constant 3 : i32
    %dma_wait3A_266 = arith.constant 3 : i32
    %dma_wait3A_267 = arith.constant 3 : i32
    %dma_wait3A_268 = arith.constant 0 : i32
    %dma_wait3A_269 = arith.constant 0 : i32
    %dma_wait3A_270 = tpu.memref_slice %arg10[%dma_wait3A_265, %dma_wait3A_268, %dma_wait3A_269] : memref<4x256x32xf32, #tpu.memory_space<vmem>> -> memref<1x256x32xf32, #tpu.memory_space<vmem>>
    %dma_wait3A_271 = tpu.memref_squeeze %dma_wait3A_270 : memref<1x256x32xf32, #tpu.memory_space<vmem>> -> memref<256x32xf32, #tpu.memory_space<vmem>>
    %dma_wait3A_272 = arith.constant 0 : i32
    %dma_wait3A_273 = tpu.memref_slice %arg9[%dma_wait3A_266, %dma_wait3A_272] : memref<40x256xi32, #tpu.memory_space<vmem>> -> memref<1x256xi32, #tpu.memory_space<vmem>>
    %dma_wait3A_274 = tpu.memref_squeeze %dma_wait3A_273 : memref<1x256xi32, #tpu.memory_space<vmem>> -> memref<256xi32, #tpu.memory_space<vmem>>
    %dma_wait3A_275 = arith.constant 0 : i32
    %dma_wait3A_276 = arith.constant 0 : i32
    %dma_wait3A_277 = tpu.memref_slice %arg12[%dma_wait3A_275, %dma_wait3A_276] : memref<12288x32xf32, #tpu.memory_space<vmem_shared>> -> memref<12288x32xf32, #tpu.memory_space<vmem_shared>>
    %dma_wait3A_278 = tpu.memref_slice %arg17[%dma_wait3A_267] : memref<4x!tpu.dma_semaphore, #tpu.memory_space<semaphore_mem>> -> memref<1x!tpu.dma_semaphore, #tpu.memory_space<semaphore_mem>>
    %dma_wait3A_279 = tpu.memref_squeeze %dma_wait3A_278 : memref<1x!tpu.dma_semaphore, #tpu.memory_space<semaphore_mem>> -> memref<!tpu.dma_semaphore, #tpu.memory_space<semaphore_mem>>
    tpu.wait_indirect_dma semaphore(%dma_wait3A_279 : memref<!tpu.dma_semaphore, #tpu.memory_space<semaphore_mem>>) src(%dma_wait3A_271 : memref<256x32xf32, #tpu.memory_space<vmem>>) dst(%dma_wait3A_277 : memref<12288x32xf32, #tpu.memory_space<vmem_shared>>)
    %barrier3A_280 = arith.constant 0 : index
    tpu.barrier barrier_id(%barrier3A_280)
    %dma_start3A_281 = arith.constant 0 : i32
    %dma_start3A_282 = tpu.memref_slice %arg7[%arg0, %mul3A_2, %dma_start3A_281] : memref<2x12288x32xf32, #tpu.memory_space<hbm>> -> memref<1x768x32xf32, #tpu.memory_space<hbm>>
    %dma_start3A_283 = tpu.memref_squeeze %dma_start3A_282 : memref<1x768x32xf32, #tpu.memory_space<hbm>> -> memref<768x32xf32, #tpu.memory_space<hbm>>
    %dma_start3A_284 = arith.constant 0 : i32
    %dma_start3A_285 = tpu.memref_slice %arg12[%mul3A_2, %dma_start3A_284] : memref<12288x32xf32, #tpu.memory_space<vmem_shared>> -> memref<768x32xf32, #tpu.memory_space<vmem_shared>>
    tpu.enqueue_dma source(%dma_start3A_285 : memref<768x32xf32, #tpu.memory_space<vmem_shared>>) target(%dma_start3A_283 : memref<768x32xf32, #tpu.memory_space<hbm>>) target_semaphore(%arg15 : memref<!tpu.dma_semaphore, #tpu.memory_space<semaphore_mem>>)
    %dma_wait3A_286 = arith.constant 0 : i32
    %dma_wait3A_287 = tpu.memref_slice %arg7[%arg0, %mul3A_2, %dma_wait3A_286] : memref<2x12288x32xf32, #tpu.memory_space<hbm>> -> memref<1x768x32xf32, #tpu.memory_space<hbm>>
    %dma_wait3A_288 = tpu.memref_squeeze %dma_wait3A_287 : memref<1x768x32xf32, #tpu.memory_space<hbm>> -> memref<768x32xf32, #tpu.memory_space<hbm>>
    %dma_wait3A_289 = arith.constant 0 : i32
    %dma_wait3A_290 = tpu.memref_slice %arg12[%mul3A_2, %dma_wait3A_289] : memref<12288x32xf32, #tpu.memory_space<vmem_shared>> -> memref<768x32xf32, #tpu.memory_space<vmem_shared>>
    tpu.wait_dma2 semaphore(%arg15 : memref<!tpu.dma_semaphore, #tpu.memory_space<semaphore_mem>>) src(%dma_wait3A_290 : memref<768x32xf32, #tpu.memory_space<vmem_shared>>) dst(%dma_wait3A_288 : memref<768x32xf32, #tpu.memory_space<hbm>>)
    return
  }
}

#map = affine_map<(d0, d1) -> (0, 0, 0)>
module attributes {stable_mosaic.version = 14 : i64} {
  func.func @deg_kernel(%arg0: i32, %arg1: i32, %arg2: memref<32x40x256xi32, #tpu.memory_space<hbm>>, %arg3: memref<2x12288x16xf32, #tpu.memory_space<hbm>>, %arg4: memref<40x256xi32, #tpu.memory_space<vmem>>, %arg5: memref<256x16xf32, #tpu.memory_space<vmem>>, %arg6: memref<256x16xf32, #tpu.memory_space<vmem>>, %arg7: memref<12288x16xf32, #tpu.memory_space<vmem_shared>>, %arg8: memref<!tpu.dma_semaphore, #tpu.memory_space<semaphore_mem>>, %arg9: memref<!tpu.dma_semaphore, #tpu.memory_space<semaphore_mem>>) attributes {dimension_semantics = [#tpu.dimension_semantics<core_parallel>, #tpu.dimension_semantics<subcore_parallel>], iteration_bounds = array<i64: 2, 16>, scalar_prefetch = 0 : i64, scratch_operands = 6 : i64, tpu.core_type = #tpu.core_type<sc_vector_subcore>, window_params = [{transform_indices = #map}, {transform_indices = #map}]} {
    %mul3A = arith.constant 2 : i32
    %mul3A_0 = arith.muli %arg1, %mul3A : i32
    %add3A = arith.addi %mul3A_0, %arg0 : i32
    %mul3A_1 = arith.constant 768 : i32
    %mul3A_2 = arith.muli %arg1, %mul3A_1 : i32
    %dma_start3A = arith.constant 0 : i32
    %dma_start3A_3 = arith.constant 0 : i32
    %dma_start3A_4 = tpu.memref_slice %arg2[%add3A, %dma_start3A, %dma_start3A_3] : memref<32x40x256xi32, #tpu.memory_space<hbm>> -> memref<1x40x256xi32, #tpu.memory_space<hbm>>
    %dma_start3A_5 = tpu.memref_squeeze %dma_start3A_4 : memref<1x40x256xi32, #tpu.memory_space<hbm>> -> memref<40x256xi32, #tpu.memory_space<hbm>>
    %dma_start3A_6 = arith.constant 0 : i32
    %dma_start3A_7 = arith.constant 0 : i32
    %dma_start3A_8 = tpu.memref_slice %arg2[%add3A, %dma_start3A_6, %dma_start3A_7] : memref<32x40x256xi32, #tpu.memory_space<hbm>> -> memref<1x40x256xi32, #tpu.memory_space<hbm>>
    %dma_start3A_9 = tpu.memref_squeeze %dma_start3A_8 : memref<1x40x256xi32, #tpu.memory_space<hbm>> -> memref<40x256xi32, #tpu.memory_space<hbm>>
    tpu.enqueue_dma source(%dma_start3A_9 : memref<40x256xi32, #tpu.memory_space<hbm>>) target(%arg4 : memref<40x256xi32, #tpu.memory_space<vmem>>) target_semaphore(%arg9 : memref<!tpu.dma_semaphore, #tpu.memory_space<semaphore_mem>>)
    %broadcast_in_dim3A = arith.constant 1.000000e+00 : f32
    %broadcast_in_dim3A_10 = vector.broadcast %broadcast_in_dim3A : f32 to vector<16xf32>
    %scan3A = arith.constant 0 : i32
    %scan3A_11 = arith.constant 256 : i32
    %scan3A_12 = arith.addi %scan3A, %scan3A_11 : i32
    %scan3A_13 = arith.constant 1 : i32
    scf.for %scan3A_62 = %scan3A to %scan3A_12 step %scan3A_13  : i32 {
      %mul3A_63 = arith.constant 1 : i32
      %mul3A_64 = arith.muli %scan3A_62, %mul3A_63 : i32
      %add3A_65 = arith.constant 0 : i32
      %add3A_66 = arith.addi %add3A_65, %mul3A_64 : i32
      %swap3A = arith.index_cast %add3A_66 : i32 to index
      %swap3A_67 = arith.constant 0 : index
      %swap3A_68 = tpu.vector_load %arg5[%swap3A, %swap3A_67] {strides = array<i32>} : memref<256x16xf32, #tpu.memory_space<vmem>>, vector<1x16xf32>,
      %swap3A_69 = vector.shape_cast %swap3A_68 : vector<1x16xf32> to vector<16xf32>
      %swap3A_70 = vector.shape_cast %broadcast_in_dim3A_10 : vector<16xf32> to vector<1x16xf32>
      tpu.vector_store %arg5[%swap3A, %swap3A_67], %swap3A_70 {strides = array<i32>} : memref<256x16xf32, #tpu.memory_space<vmem>>, vector<1x16xf32>,
    }
    %scan3A_14 = arith.constant 256 : i32
    %broadcast_in_dim3A_15 = arith.constant 0.000000e+00 : f32
    %broadcast_in_dim3A_16 = vector.broadcast %broadcast_in_dim3A_15 : f32 to vector<16xf32>
    %scan3A_17 = arith.constant 0 : i32
    %scan3A_18 = arith.constant 256 : i32
    %scan3A_19 = arith.addi %scan3A_17, %scan3A_18 : i32
    %scan3A_20 = arith.constant 1 : i32
    scf.for %scan3A_62 = %scan3A_17 to %scan3A_19 step %scan3A_20  : i32 {
      %mul3A_63 = arith.constant 1 : i32
      %mul3A_64 = arith.muli %scan3A_62, %mul3A_63 : i32
      %add3A_65 = arith.constant 0 : i32
      %add3A_66 = arith.addi %add3A_65, %mul3A_64 : i32
      %swap3A = arith.index_cast %add3A_66 : i32 to index
      %swap3A_67 = arith.constant 0 : index
      %swap3A_68 = tpu.vector_load %arg6[%swap3A, %swap3A_67] {strides = array<i32>} : memref<256x16xf32, #tpu.memory_space<vmem>>, vector<1x16xf32>,
      %swap3A_69 = vector.shape_cast %swap3A_68 : vector<1x16xf32> to vector<16xf32>
      %swap3A_70 = vector.shape_cast %broadcast_in_dim3A_16 : vector<16xf32> to vector<1x16xf32>
      tpu.vector_store %arg6[%swap3A, %swap3A_67], %swap3A_70 {strides = array<i32>} : memref<256x16xf32, #tpu.memory_space<vmem>>, vector<1x16xf32>,
    }
    %scan3A_21 = arith.constant 256 : i32
    %mul3A_22 = arith.constant 768 : i32
    %mul3A_23 = arith.muli %arg1, %mul3A_22 : i32
    %scan3A_24 = arith.constant 0 : i32
    %scan3A_25 = arith.constant 3 : i32
    %scan3A_26 = arith.addi %scan3A_24, %scan3A_25 : i32
    %scan3A_27 = arith.constant 1 : i32
    scf.for %scan3A_62 = %scan3A_24 to %scan3A_26 step %scan3A_27  : i32 {
      %mul3A_63 = arith.constant 256 : i32
      %mul3A_64 = arith.muli %scan3A_62, %mul3A_63 : i32
      %add3A_65 = arith.constant 0 : i32
      %add3A_66 = arith.addi %add3A_65, %mul3A_64 : i32
      %add3A_67 = arith.addi %mul3A_23, %add3A_66 : i32
      %dma_start3A_68 = arith.constant 0 : i32
      %dma_start3A_69 = tpu.memref_slice %arg7[%add3A_67, %dma_start3A_68] : memref<12288x16xf32, #tpu.memory_space<vmem_shared>> -> memref<256x16xf32, #tpu.memory_space<vmem_shared>>
      %dma_start3A_70 = arith.constant 0 : i32
      %dma_start3A_71 = tpu.memref_slice %arg7[%add3A_67, %dma_start3A_70] : memref<12288x16xf32, #tpu.memory_space<vmem_shared>> -> memref<256x16xf32, #tpu.memory_space<vmem_shared>>
      tpu.enqueue_dma source(%arg6 : memref<256x16xf32, #tpu.memory_space<vmem>>) target(%dma_start3A_71 : memref<256x16xf32, #tpu.memory_space<vmem_shared>>) target_semaphore(%arg8 : memref<!tpu.dma_semaphore, #tpu.memory_space<semaphore_mem>>)
    }
    %scan3A_28 = arith.constant 3 : i32
    %scan3A_29 = arith.constant 0 : i32
    %scan3A_30 = arith.constant 3 : i32
    %scan3A_31 = arith.addi %scan3A_29, %scan3A_30 : i32
    %scan3A_32 = arith.constant 1 : i32
    scf.for %scan3A_62 = %scan3A_29 to %scan3A_31 step %scan3A_32  : i32 {
      %mul3A_63 = arith.constant 256 : i32
      %mul3A_64 = arith.muli %scan3A_62, %mul3A_63 : i32
      %add3A_65 = arith.constant 0 : i32
      %add3A_66 = arith.addi %add3A_65, %mul3A_64 : i32
      %add3A_67 = arith.addi %mul3A_23, %add3A_66 : i32
      %dma_wait3A_68 = arith.constant 0 : i32
      %dma_wait3A_69 = tpu.memref_slice %arg7[%add3A_67, %dma_wait3A_68] : memref<12288x16xf32, #tpu.memory_space<vmem_shared>> -> memref<256x16xf32, #tpu.memory_space<vmem_shared>>
      %dma_wait3A_70 = arith.constant 0 : i32
      %dma_wait3A_71 = tpu.memref_slice %arg7[%add3A_67, %dma_wait3A_70] : memref<12288x16xf32, #tpu.memory_space<vmem_shared>> -> memref<256x16xf32, #tpu.memory_space<vmem_shared>>
      tpu.wait_dma2 semaphore(%arg8 : memref<!tpu.dma_semaphore, #tpu.memory_space<semaphore_mem>>) src(%arg6 : memref<256x16xf32, #tpu.memory_space<vmem>>) dst(%dma_wait3A_71 : memref<256x16xf32, #tpu.memory_space<vmem_shared>>)
    }
    %scan3A_33 = arith.constant 3 : i32
    %dma_wait3A = arith.constant 0 : i32
    %dma_wait3A_34 = arith.constant 0 : i32
    %dma_wait3A_35 = tpu.memref_slice %arg2[%add3A, %dma_wait3A, %dma_wait3A_34] : memref<32x40x256xi32, #tpu.memory_space<hbm>> -> memref<1x40x256xi32, #tpu.memory_space<hbm>>
    %dma_wait3A_36 = tpu.memref_squeeze %dma_wait3A_35 : memref<1x40x256xi32, #tpu.memory_space<hbm>> -> memref<40x256xi32, #tpu.memory_space<hbm>>
    %dma_wait3A_37 = arith.constant 0 : i32
    %dma_wait3A_38 = arith.constant 0 : i32
    %dma_wait3A_39 = tpu.memref_slice %arg2[%add3A, %dma_wait3A_37, %dma_wait3A_38] : memref<32x40x256xi32, #tpu.memory_space<hbm>> -> memref<1x40x256xi32, #tpu.memory_space<hbm>>
    %dma_wait3A_40 = tpu.memref_squeeze %dma_wait3A_39 : memref<1x40x256xi32, #tpu.memory_space<hbm>> -> memref<40x256xi32, #tpu.memory_space<hbm>>
    tpu.wait_dma2 semaphore(%arg9 : memref<!tpu.dma_semaphore, #tpu.memory_space<semaphore_mem>>) src(%dma_wait3A_40 : memref<40x256xi32, #tpu.memory_space<hbm>>) dst(%arg4 : memref<40x256xi32, #tpu.memory_space<vmem>>)
    %barrier3A = arith.constant 0 : index
    tpu.barrier barrier_id(%barrier3A)
    %scan3A_41 = arith.constant 0 : i32
    %scan3A_42 = arith.constant 40 : i32
    %scan3A_43 = arith.addi %scan3A_41, %scan3A_42 : i32
    %scan3A_44 = arith.constant 1 : i32
    scf.for %scan3A_62 = %scan3A_41 to %scan3A_43 step %scan3A_44  : i32 {
      %mul3A_63 = arith.constant 1 : i32
      %mul3A_64 = arith.muli %scan3A_62, %mul3A_63 : i32
      %add3A_65 = arith.constant 0 : i32
      %add3A_66 = arith.addi %add3A_65, %mul3A_64 : i32
      %dma_start3A_67 = arith.constant 0 : i32
      %dma_start3A_68 = tpu.memref_slice %arg4[%add3A_66, %dma_start3A_67] : memref<40x256xi32, #tpu.memory_space<vmem>> -> memref<1x256xi32, #tpu.memory_space<vmem>>
      %dma_start3A_69 = tpu.memref_squeeze %dma_start3A_68 : memref<1x256xi32, #tpu.memory_space<vmem>> -> memref<256xi32, #tpu.memory_space<vmem>>
      %dma_start3A_70 = arith.constant 0 : i32
      %dma_start3A_71 = arith.constant 0 : i32
      %dma_start3A_72 = tpu.memref_slice %arg7[%dma_start3A_70, %dma_start3A_71] : memref<12288x16xf32, #tpu.memory_space<vmem_shared>> -> memref<12288x16xf32, #tpu.memory_space<vmem_shared>>
      tpu.enqueue_indirect_dma source(%arg5 : memref<256x16xf32, #tpu.memory_space<vmem>>) target(%dma_start3A_72 : memref<12288x16xf32, #tpu.memory_space<vmem_shared>>) offsets(%dma_start3A_69 : memref<256xi32, #tpu.memory_space<vmem>>) semaphore(%arg9 : memref<!tpu.dma_semaphore, #tpu.memory_space<semaphore_mem>>) {add = true}
      %ge3A = arith.constant 8 : i32
      %ge3A_73 = arith.cmpi sge, %add3A_66, %ge3A : i32
      %convert_element_type3A = arith.extui %ge3A_73 : i1 to i32
      %cond3A = arith.constant 0 : i32
      %cond3A_74 = arith.cmpi ne, %convert_element_type3A, %cond3A : i32
      scf.if %cond3A_74 {
        %dma_wait3A_75 = arith.constant 0 : i32
        %dma_wait3A_76 = tpu.memref_slice %arg4[%add3A_66, %dma_wait3A_75] : memref<40x256xi32, #tpu.memory_space<vmem>> -> memref<1x256xi32, #tpu.memory_space<vmem>>
        %dma_wait3A_77 = tpu.memref_squeeze %dma_wait3A_76 : memref<1x256xi32, #tpu.memory_space<vmem>> -> memref<256xi32, #tpu.memory_space<vmem>>
        %dma_wait3A_78 = arith.constant 0 : i32
        %dma_wait3A_79 = arith.constant 0 : i32
        %dma_wait3A_80 = tpu.memref_slice %arg7[%dma_wait3A_78, %dma_wait3A_79] : memref<12288x16xf32, #tpu.memory_space<vmem_shared>> -> memref<12288x16xf32, #tpu.memory_space<vmem_shared>>
        tpu.wait_indirect_dma semaphore(%arg9 : memref<!tpu.dma_semaphore, #tpu.memory_space<semaphore_mem>>) src(%arg5 : memref<256x16xf32, #tpu.memory_space<vmem>>) dst(%dma_wait3A_80 : memref<12288x16xf32, #tpu.memory_space<vmem_shared>>)
      } else {
      }
    }
    %scan3A_45 = arith.constant 40 : i32
    %scan3A_46 = arith.constant 0 : i32
    %scan3A_47 = arith.constant 8 : i32
    %scan3A_48 = arith.addi %scan3A_46, %scan3A_47 : i32
    %scan3A_49 = arith.constant 1 : i32
    scf.for %scan3A_62 = %scan3A_46 to %scan3A_48 step %scan3A_49  : i32 {
      %mul3A_63 = arith.constant 1 : i32
      %mul3A_64 = arith.muli %scan3A_62, %mul3A_63 : i32
      %add3A_65 = arith.constant 0 : i32
      %add3A_66 = arith.addi %add3A_65, %mul3A_64 : i32
      %dma_wait3A_67 = arith.constant 0 : i32
      %dma_wait3A_68 = tpu.memref_slice %arg4[%add3A_66, %dma_wait3A_67] : memref<40x256xi32, #tpu.memory_space<vmem>> -> memref<1x256xi32, #tpu.memory_space<vmem>>
      %dma_wait3A_69 = tpu.memref_squeeze %dma_wait3A_68 : memref<1x256xi32, #tpu.memory_space<vmem>> -> memref<256xi32, #tpu.memory_space<vmem>>
      %dma_wait3A_70 = arith.constant 0 : i32
      %dma_wait3A_71 = arith.constant 0 : i32
      %dma_wait3A_72 = tpu.memref_slice %arg7[%dma_wait3A_70, %dma_wait3A_71] : memref<12288x16xf32, #tpu.memory_space<vmem_shared>> -> memref<12288x16xf32, #tpu.memory_space<vmem_shared>>
      tpu.wait_indirect_dma semaphore(%arg9 : memref<!tpu.dma_semaphore, #tpu.memory_space<semaphore_mem>>) src(%arg5 : memref<256x16xf32, #tpu.memory_space<vmem>>) dst(%dma_wait3A_72 : memref<12288x16xf32, #tpu.memory_space<vmem_shared>>)
    }
    %scan3A_50 = arith.constant 8 : i32
    %barrier3A_51 = arith.constant 0 : index
    tpu.barrier barrier_id(%barrier3A_51)
    %dma_start3A_52 = arith.constant 0 : i32
    %dma_start3A_53 = tpu.memref_slice %arg3[%arg0, %mul3A_2, %dma_start3A_52] : memref<2x12288x16xf32, #tpu.memory_space<hbm>> -> memref<1x768x16xf32, #tpu.memory_space<hbm>>
    %dma_start3A_54 = tpu.memref_squeeze %dma_start3A_53 : memref<1x768x16xf32, #tpu.memory_space<hbm>> -> memref<768x16xf32, #tpu.memory_space<hbm>>
    %dma_start3A_55 = arith.constant 0 : i32
    %dma_start3A_56 = tpu.memref_slice %arg7[%mul3A_2, %dma_start3A_55] : memref<12288x16xf32, #tpu.memory_space<vmem_shared>> -> memref<768x16xf32, #tpu.memory_space<vmem_shared>>
    tpu.enqueue_dma source(%dma_start3A_56 : memref<768x16xf32, #tpu.memory_space<vmem_shared>>) target(%dma_start3A_54 : memref<768x16xf32, #tpu.memory_space<hbm>>) target_semaphore(%arg8 : memref<!tpu.dma_semaphore, #tpu.memory_space<semaphore_mem>>)
    %dma_wait3A_57 = arith.constant 0 : i32
    %dma_wait3A_58 = tpu.memref_slice %arg3[%arg0, %mul3A_2, %dma_wait3A_57] : memref<2x12288x16xf32, #tpu.memory_space<hbm>> -> memref<1x768x16xf32, #tpu.memory_space<hbm>>
    %dma_wait3A_59 = tpu.memref_squeeze %dma_wait3A_58 : memref<1x768x16xf32, #tpu.memory_space<hbm>> -> memref<768x16xf32, #tpu.memory_space<hbm>>
    %dma_wait3A_60 = arith.constant 0 : i32
    %dma_wait3A_61 = tpu.memref_slice %arg7[%mul3A_2, %dma_wait3A_60] : memref<12288x16xf32, #tpu.memory_space<vmem_shared>> -> memref<768x16xf32, #tpu.memory_space<vmem_shared>>
    tpu.wait_dma2 semaphore(%arg8 : memref<!tpu.dma_semaphore, #tpu.memory_space<semaphore_mem>>) src(%dma_wait3A_61 : memref<768x16xf32, #tpu.memory_space<vmem_shared>>) dst(%dma_wait3A_59 : memref<768x16xf32, #tpu.memory_space<hbm>>)
    return
  }
}

module attributes {stable_mosaic.version = 14 : i64} {
  func.func @body(%arg0: i32, %arg1: memref<5000x128xf32, #tpu.memory_space<vmem>>, %arg2: memref<128x64xf32, #tpu.memory_space<vmem>>, %arg3: memref<5000x64xf32, #tpu.memory_space<vmem>>) attributes {dimension_semantics = [#tpu.dimension_semantics<arbitrary>], iteration_bounds = array<i64: 2>, scalar_prefetch = 0 : i64, scratch_operands = 0 : i64, tpu.core_type = #tpu.core_type<tc>, window_params = [{transform_indices = @transform_0, window_bounds = array<i64: 5000, 128>}, {pipeline_mode = #tpu.pipeline_mode<synchronous>, transform_indices = @transform_1, window_bounds = array<i64: 128, 64>}, {transform_indices = @transform_2, window_bounds = array<i64: 5000, 64>}]} {
    %get3A = arith.constant 0 : index
    %get3A_0 = arith.constant 0 : index
    %get3A_1 = vector.load %arg1[%get3A, %get3A_0] : memref<5000x128xf32, #tpu.memory_space<vmem>>, vector<5000x128xf32>
    %get3A_2 = arith.constant 0 : index
    %get3A_3 = arith.constant 0 : index
    %get3A_4 = vector.load %arg2[%get3A_2, %get3A_3] : memref<128x64xf32, #tpu.memory_space<vmem>>, vector<128x64xf32>
    %dot_general3A = arith.constant dense<0.000000e+00> : vector<5000x64xf32>
    %dot_general3A_5 = tpu.matmul %get3A_1, %get3A_4, %dot_general3A {dimension_numbers = #tpu.dot_dimension_numbers<[1], [0], [0], [1], [0, 0, 1, 1], [], []>, transpose_lhs_hint = false} : vector<5000x128xf32>, vector<128x64xf32>, vector<5000x64xf32> -> vector<5000x64xf32>
    %swap3A = arith.constant 0 : index
    %swap3A_6 = arith.constant 0 : index
    %swap3A_7 = vector.load %arg3[%swap3A, %swap3A_6] : memref<5000x64xf32, #tpu.memory_space<vmem>>, vector<5000x64xf32>
    tpu.vector_store %arg3[%swap3A, %swap3A_6], %dot_general3A_5 {strides = array<i32>} : memref<5000x64xf32, #tpu.memory_space<vmem>>, vector<5000x64xf32>,
    return
  }
  func.func @transform_0(%arg0: i32) -> (i32, i32) {
    %c0_i32 = arith.constant 0 : i32
    %c0_i32_0 = arith.constant 0 : i32
    return %arg0, %c0_i32 : i32, i32
  }
  func.func @transform_1(%arg0: i32) -> (i32, i32) {
    %c0_i32 = arith.constant 0 : i32
    %c0_i32_0 = arith.constant 0 : i32
    %c0_i32_1 = arith.constant 0 : i32
    return %c0_i32, %c0_i32_0 : i32, i32
  }
  func.func @transform_2(%arg0: i32) -> (i32, i32) {
    %c0_i32 = arith.constant 0 : i32
    %c0_i32_0 = arith.constant 0 : i32
    return %arg0, %c0_i32 : i32, i32
  }
}

module attributes {stable_mosaic.version = 14 : i64} {
  func.func @body(%arg0: i32, %arg1: memref<5000x64xf32, #tpu.memory_space<vmem>>, %arg2: memref<2x5000x16xf32, #tpu.memory_space<vmem>>, %arg3: memref<5000x32xf32, #tpu.memory_space<vmem>>, %arg4: memref<5000x32xf32, #tpu.memory_space<vmem>>, %arg5: memref<5000x32xf32, #tpu.memory_space<vmem>>) attributes {dimension_semantics = [#tpu.dimension_semantics<arbitrary>], iteration_bounds = array<i64: 2>, scalar_prefetch = 0 : i64, scratch_operands = 0 : i64, tpu.core_type = #tpu.core_type<tc>, window_params = [{transform_indices = @transform_0, window_bounds = array<i64: 5000, 64>}, {transform_indices = @transform_1, window_bounds = array<i64: 2, 5000, 16>}, {transform_indices = @transform_2, window_bounds = array<i64: 5000, 32>}, {transform_indices = @transform_3, window_bounds = array<i64: 5000, 32>}, {transform_indices = @transform_4, window_bounds = array<i64: 5000, 32>}]} {
    %get3A = arith.constant 0 : index
    %get3A_0 = arith.constant 0 : index
    %get3A_1 = vector.load %arg1[%get3A, %get3A_0] : memref<5000x64xf32, #tpu.memory_space<vmem>>, vector<5000x64xf32>
    %get3A_2 = arith.constant 0 : index
    %get3A_3 = arith.constant 0 : index
    %get3A_4 = arith.constant 0 : index
    %get3A_5 = vector.load %arg2[%get3A_2, %get3A_3, %get3A_4] : memref<2x5000x16xf32, #tpu.memory_space<vmem>>, vector<2x5000x16xf32>
    %reduce_sum3A = arith.constant dense<0.000000e+00> : vector<5000xf32>
    %reduce_sum3A_6 = vector.multi_reduction <add>, %get3A_5, %reduce_sum3A [0, 2] : vector<2x5000x16xf32> to vector<5000xf32>
    %mul3A = arith.constant 6.250000e-02 : f32
    %mul3A_7 = vector.broadcast %mul3A : f32 to vector<5000xf32>
    %mul3A_8 = arith.mulf %reduce_sum3A_6, %mul3A_7 : vector<5000xf32>
    %add3A = arith.constant 1.000000e+00 : f32
    %add3A_9 = vector.broadcast %add3A : f32 to vector<5000xf32>
    %add3A_10 = arith.addf %mul3A_8, %add3A_9 : vector<5000xf32>
    %rsqrt3A = math.rsqrt %add3A_10 : vector<5000xf32>
    %broadcast_in_dim3A = vector.shape_cast %rsqrt3A : vector<5000xf32> to vector<5000x1xf32>
    %broadcast_in_dim3A_11 = vector.shape_cast %broadcast_in_dim3A : vector<5000x1xf32> to vector<5000x1xf32>
    %broadcast_in_dim3A_12 = vector.broadcast %broadcast_in_dim3A_11 : vector<5000x1xf32> to vector<5000x32xf32>
    %slice3A = vector.extract_strided_slice %get3A_1 {offsets = [0, 0], sizes = [5000, 32], strides = [1, 1]} : vector<5000x64xf32> to vector<5000x32xf32>
    %mul3A_13 = arith.mulf %broadcast_in_dim3A_12, %slice3A : vector<5000x32xf32>
    %swap3A = arith.constant 0 : index
    %swap3A_14 = arith.constant 0 : index
    %swap3A_15 = vector.load %arg3[%swap3A, %swap3A_14] : memref<5000x32xf32, #tpu.memory_space<vmem>>, vector<5000x32xf32>
    tpu.vector_store %arg3[%swap3A, %swap3A_14], %mul3A_13 {strides = array<i32>} : memref<5000x32xf32, #tpu.memory_space<vmem>>, vector<5000x32xf32>,
    %slice3A_16 = vector.extract_strided_slice %get3A_1 {offsets = [0, 32], sizes = [5000, 32], strides = [1, 1]} : vector<5000x64xf32> to vector<5000x32xf32>
    %mul3A_17 = arith.mulf %broadcast_in_dim3A_12, %slice3A_16 : vector<5000x32xf32>
    %swap3A_18 = arith.constant 0 : index
    %swap3A_19 = arith.constant 0 : index
    %swap3A_20 = vector.load %arg4[%swap3A_18, %swap3A_19] : memref<5000x32xf32, #tpu.memory_space<vmem>>, vector<5000x32xf32>
    tpu.vector_store %arg4[%swap3A_18, %swap3A_19], %mul3A_17 {strides = array<i32>} : memref<5000x32xf32, #tpu.memory_space<vmem>>, vector<5000x32xf32>,
    %swap3A_21 = arith.constant 0 : index
    %swap3A_22 = arith.constant 0 : index
    %swap3A_23 = vector.load %arg5[%swap3A_21, %swap3A_22] : memref<5000x32xf32, #tpu.memory_space<vmem>>, vector<5000x32xf32>
    tpu.vector_store %arg5[%swap3A_21, %swap3A_22], %broadcast_in_dim3A_12 {strides = array<i32>} : memref<5000x32xf32, #tpu.memory_space<vmem>>, vector<5000x32xf32>,
    return
  }
  func.func @transform_0(%arg0: i32) -> (i32, i32) {
    %c0_i32 = arith.constant 0 : i32
    %c0_i32_0 = arith.constant 0 : i32
    return %arg0, %c0_i32 : i32, i32
  }
  func.func @transform_1(%arg0: i32) -> (i32, i32, i32) {
    %c0_i32 = arith.constant 0 : i32
    %c0_i32_0 = arith.constant 0 : i32
    %c0_i32_1 = arith.constant 0 : i32
    return %c0_i32, %arg0, %c0_i32_0 : i32, i32, i32
  }
  func.func @transform_2(%arg0: i32) -> (i32, i32) {
    %c0_i32 = arith.constant 0 : i32
    %c0_i32_0 = arith.constant 0 : i32
    return %arg0, %c0_i32 : i32, i32
  }
  func.func @transform_3(%arg0: i32) -> (i32, i32) {
    %c0_i32 = arith.constant 0 : i32
    %c0_i32_0 = arith.constant 0 : i32
    return %arg0, %c0_i32 : i32, i32
  }
  func.func @transform_4(%arg0: i32) -> (i32, i32) {
    %c0_i32 = arith.constant 0 : i32
    %c0_i32_0 = arith.constant 0 : i32
    return %arg0, %c0_i32 : i32, i32
  }
}

module attributes {stable_mosaic.version = 14 : i64} {
  func.func @body(%arg0: i32, %arg1: memref<2x5000x32xf32, #tpu.memory_space<vmem>>, %arg2: memref<2x5000x32xf32, #tpu.memory_space<vmem>>, %arg3: memref<5000x32xf32, #tpu.memory_space<vmem>>, %arg4: memref<5000x32xf32, #tpu.memory_space<vmem>>, %arg5: memref<5000x32xf32, #tpu.memory_space<vmem>>, %arg6: memref<1x64xf32, #tpu.memory_space<vmem>>, %arg7: memref<5000x64xf32, #tpu.memory_space<vmem>>) attributes {dimension_semantics = [#tpu.dimension_semantics<arbitrary>], iteration_bounds = array<i64: 2>, scalar_prefetch = 0 : i64, scratch_operands = 0 : i64, tpu.core_type = #tpu.core_type<tc>, window_params = [{transform_indices = @transform_0, window_bounds = array<i64: 2, 5000, 32>}, {transform_indices = @transform_1, window_bounds = array<i64: 2, 5000, 32>}, {transform_indices = @transform_2, window_bounds = array<i64: 5000, 32>}, {transform_indices = @transform_3, window_bounds = array<i64: 5000, 32>}, {transform_indices = @transform_4, window_bounds = array<i64: 5000, 32>}, {pipeline_mode = #tpu.pipeline_mode<synchronous>, transform_indices = @transform_5, window_bounds = array<i64: 1, 64>}, {transform_indices = @transform_6, window_bounds = array<i64: 5000, 64>}]} {
    %get3A = arith.constant 0 : index
    %get3A_0 = arith.constant 0 : index
    %get3A_1 = vector.load %arg5[%get3A, %get3A_0] : memref<5000x32xf32, #tpu.memory_space<vmem>>, vector<5000x32xf32>
    %get3A_2 = arith.constant 0 : index
    %get3A_3 = arith.constant 0 : index
    %get3A_4 = arith.constant 0 : index
    %get3A_5 = vector.load %arg1[%get3A_2, %get3A_3, %get3A_4] : memref<2x5000x32xf32, #tpu.memory_space<vmem>>, vector<1x5000x32xf32>
    %get3A_6 = vector.shape_cast %get3A_5 : vector<1x5000x32xf32> to vector<5000x32xf32>
    %get3A_7 = arith.constant 1 : index
    %get3A_8 = arith.constant 0 : index
    %get3A_9 = arith.constant 0 : index
    %get3A_10 = vector.load %arg1[%get3A_7, %get3A_8, %get3A_9] : memref<2x5000x32xf32, #tpu.memory_space<vmem>>, vector<1x5000x32xf32>
    %get3A_11 = vector.shape_cast %get3A_10 : vector<1x5000x32xf32> to vector<5000x32xf32>
    %add3A = arith.addf %get3A_6, %get3A_11 : vector<5000x32xf32>
    %get3A_12 = arith.constant 0 : index
    %get3A_13 = arith.constant 0 : index
    %get3A_14 = vector.load %arg3[%get3A_12, %get3A_13] : memref<5000x32xf32, #tpu.memory_space<vmem>>, vector<5000x32xf32>
    %add3A_15 = arith.addf %add3A, %get3A_14 : vector<5000x32xf32>
    %mul3A = arith.mulf %get3A_1, %add3A_15 : vector<5000x32xf32>
    %get3A_16 = arith.constant 0 : index
    %get3A_17 = arith.constant 0 : index
    %get3A_18 = vector.load %arg6[%get3A_16, %get3A_17] : memref<1x64xf32, #tpu.memory_space<vmem>>, vector<1x32xf32>
    %add3A_19 = vector.broadcast %get3A_18 : vector<1x32xf32> to vector<5000x32xf32>
    %add3A_20 = arith.addf %mul3A, %add3A_19 : vector<5000x32xf32>
    %swap3A = arith.constant 0 : index
    %swap3A_21 = arith.constant 0 : index
    %swap3A_22 = vector.load %arg7[%swap3A, %swap3A_21] : memref<5000x64xf32, #tpu.memory_space<vmem>>, vector<5000x32xf32>
    tpu.vector_store %arg7[%swap3A, %swap3A_21], %add3A_20 {strides = array<i32>} : memref<5000x64xf32, #tpu.memory_space<vmem>>, vector<5000x32xf32>,
    %get3A_23 = arith.constant 0 : index
    %get3A_24 = arith.constant 0 : index
    %get3A_25 = arith.constant 0 : index
    %get3A_26 = vector.load %arg2[%get3A_23, %get3A_24, %get3A_25] : memref<2x5000x32xf32, #tpu.memory_space<vmem>>, vector<1x5000x32xf32>
    %get3A_27 = vector.shape_cast %get3A_26 : vector<1x5000x32xf32> to vector<5000x32xf32>
    %get3A_28 = arith.constant 1 : index
    %get3A_29 = arith.constant 0 : index
    %get3A_30 = arith.constant 0 : index
    %get3A_31 = vector.load %arg2[%get3A_28, %get3A_29, %get3A_30] : memref<2x5000x32xf32, #tpu.memory_space<vmem>>, vector<1x5000x32xf32>
    %get3A_32 = vector.shape_cast %get3A_31 : vector<1x5000x32xf32> to vector<5000x32xf32>
    %add3A_33 = arith.addf %get3A_27, %get3A_32 : vector<5000x32xf32>
    %get3A_34 = arith.constant 0 : index
    %get3A_35 = arith.constant 0 : index
    %get3A_36 = vector.load %arg4[%get3A_34, %get3A_35] : memref<5000x32xf32, #tpu.memory_space<vmem>>, vector<5000x32xf32>
    %add3A_37 = arith.addf %add3A_33, %get3A_36 : vector<5000x32xf32>
    %mul3A_38 = arith.mulf %get3A_1, %add3A_37 : vector<5000x32xf32>
    %get3A_39 = arith.constant 0 : index
    %get3A_40 = arith.constant 32 : index
    %get3A_41 = vector.load %arg6[%get3A_39, %get3A_40] : memref<1x64xf32, #tpu.memory_space<vmem>>, vector<1x32xf32>
    %add3A_42 = vector.broadcast %get3A_41 : vector<1x32xf32> to vector<5000x32xf32>
    %add3A_43 = arith.addf %mul3A_38, %add3A_42 : vector<5000x32xf32>
    %swap3A_44 = arith.constant 0 : index
    %swap3A_45 = arith.constant 32 : index
    %swap3A_46 = vector.load %arg7[%swap3A_44, %swap3A_45] : memref<5000x64xf32, #tpu.memory_space<vmem>>, vector<5000x32xf32>
    tpu.vector_store %arg7[%swap3A_44, %swap3A_45], %add3A_43 {strides = array<i32>} : memref<5000x64xf32, #tpu.memory_space<vmem>>, vector<5000x32xf32>,
    return
  }
  func.func @transform_0(%arg0: i32) -> (i32, i32, i32) {
    %c0_i32 = arith.constant 0 : i32
    %c0_i32_0 = arith.constant 0 : i32
    %c0_i32_1 = arith.constant 0 : i32
    return %c0_i32, %arg0, %c0_i32_0 : i32, i32, i32
  }
  func.func @transform_1(%arg0: i32) -> (i32, i32, i32) {
    %c0_i32 = arith.constant 0 : i32
    %c0_i32_0 = arith.constant 0 : i32
    %c0_i32_1 = arith.constant 0 : i32
    return %c0_i32, %arg0, %c0_i32_0 : i32, i32, i32
  }
  func.func @transform_2(%arg0: i32) -> (i32, i32) {
    %c0_i32 = arith.constant 0 : i32
    %c0_i32_0 = arith.constant 0 : i32
    return %arg0, %c0_i32 : i32, i32
  }
  func.func @transform_3(%arg0: i32) -> (i32, i32) {
    %c0_i32 = arith.constant 0 : i32
    %c0_i32_0 = arith.constant 0 : i32
    return %arg0, %c0_i32 : i32, i32
  }
  func.func @transform_4(%arg0: i32) -> (i32, i32) {
    %c0_i32 = arith.constant 0 : i32
    %c0_i32_0 = arith.constant 0 : i32
    return %arg0, %c0_i32 : i32, i32
  }
  func.func @transform_5(%arg0: i32) -> (i32, i32) {
    %c0_i32 = arith.constant 0 : i32
    %c0_i32_0 = arith.constant 0 : i32
    %c0_i32_1 = arith.constant 0 : i32
    return %c0_i32, %c0_i32_0 : i32, i32
  }
  func.func @transform_6(%arg0: i32) -> (i32, i32) {
    %c0_i32 = arith.constant 0 : i32
    %c0_i32_0 = arith.constant 0 : i32
    return %arg0, %c0_i32 : i32, i32
  }
}

</mosaic_0001>

<sc_bundles>
// kernel: kernel.10.cloned.1.call-start
scs
__scs_entry_jumppad:
0x0: {  	(pc) =	sbr.rel $0x88, $3  }
0x1: {  	(tag) =	ssettag $0x0;
	lr =	simm.s32 $0x1  }
0x2: {  	[smem:$0x3F9D] =	sst lr;
	_ =	strace $0xD0000000  }
0x3: {  	_ = 	snop  }
0x4: {  	_ = 	snop  }
0x5: {  	_ = 	snop  }
0x6: {  	_ = 	snop  }
0x7: {  	_ = 	snop  }
__scs_overlays_trampoline_lowered:
0x8: {  	[smem:$0x3FAC] =	sst s0  }
0x9: {  	[smem:$0x3FAD] =	sst s1  }
0xa: {  	[smem:$0x3FAE] =	sst s2  }
0xb: {  	[smem:$0x3FAF] =	sst s3  }
0xc: {  	[smem:$0x3FB0] =	sst s4  }
0xd: {  	[smem:$0x3FB1] =	sst s5  }
0xe: {  	[smem:$0x3FB2] =	sst s6  }
0xf: {  	[smem:$0x3FB3] =	sst s7  }
0x10: {  	[smem:$0x3FB4] =	sst s8  }
0x11: {  	[smem:$0x3FB5] =	sst s9;
	s0 =	simm.s32 @!p0 $0x0  }
0x12: {  	s1 =	sld [smem:$0x3F9B];
	s0 =	simm.s32 @p0 $0x1  }
0x13: {  	[smem:$0x3FB6] =	sst s0;
	s0 =	simm.s32 @!p1 $0x0  }
0x14: {  	s2 =	sld [smem:$0x3F9A];
	s0 =	simm.s32 @p1 $0x1  }
0x15: {  	[smem:$0x3FB7] =	sst s0;
	s0 =	simm.s32 @!p2 $0x0  }
0x16: {  	s3 =	sld [smem:$0x3FDB];
	s0 =	simm.s32 @p2 $0x1  }
0x17: {  	s4 =	simm.s32 $0x1BF5;
	[smem:$0x3FB9] =	sst s0  }
0x18: {  	s0 =	sld [smem:$0x3F9C];
	_ =	swait.ge [sflag:s4], $0x0  }
0x19: {  	s7 =	sld [smem:$0x3F9D]  }
0x1a: {  	s8 =	sadd.s32 $0xFFFFE003, lr  }
0x1b: {  	s9 =	sadd.s32 $0xFFFFFEF7, lr;
	s5 =	simm.s32 $0xFFFFFFFF;
	p2 =	slt.u32 s8, $0xFFFFF086  }
0x1c: {  	p1 =	slt.u32 s9, $0xF7A;
	s5 =	simm.s32 @!p2 $0x0  }
0x1d: {  	s5 =	simm.s32 @p1 $0x1;
	p0 =	seq.s32 s7, s2  }
0x1e: {  	s7 =	smul.u32 @!p0 $0xF7A, s2;
	p2 =	seq.s32 @!p0 s5, $0x0  }
0x1f: {  	s9 =	smul.u32 $0xF7A, s1;
	s8 =	simm.s32 @!p0 $0x1BF5;
	p2 =	por !p2, p0  }
0x20: {  	[sflag:s8] =	ssyncset.s32 @!p0 $0xFFFFF086;
	s6 =	sadd.s32 @!p0 s3, s7;
	s7 =	simm.s32 @!p0 $0x108  }
0x21: {  	s3 =	sadd.s32 s3, s9;
	s6 =	sadd.s32 @!p0 $0x88, s6;
	s7 =	simm.s32 @p2 $0x1082  }
0x22: {  	[simem:s7], [sflag:s8] =	dma.local @!p0 [hbm:s6], $0xF7A  }
0x23: {  	s9 =	sor.u32 $0xD0000000, s2;
	s6 =	simm.s32 $0x108;
	_ =	swait.ge @!p0 [sflag:s8], $0x0  }
0x24: {  	s3 =	sadd.s32 $0x88, s3;
	s6 =	simm.s32 @!p1 $0x1082;
	[sflag:s4] =	ssyncset.s32 $0xFFFFF086  }
0x25: {  	[simem:s6], [sflag:s4] =	dma.local [hbm:s3], $0xF7A  }
0x26: {  	[smem:$0x3F9D] =	sst s1;
	(tag) =	ssettag s2;
	_ =	strace s9  }
0x27: {  	s1 =	sld [smem:$0x3FAD]  }
0x28: {  	s2 =	sld [smem:$0x3FAE]  }
0x29: {  	s4 =	sld [smem:$0x3FB0]  }
0x2a: {  	p0 =	seq.s32 s5, $0x0;
	s5 =	sld [smem:$0x3FB1]  }
0x2b: {  	s6 =	sld [smem:$0x3FB2]  }
0x2c: {  	s7 =	sld [smem:$0x3FB3]  }
0x2d: {  	s3 =	simm.s32 $0x108;
	s8 =	sld [smem:$0x3FB4]  }
0x2e: {  	s3 =	simm.s32 @!p0 $0x1082;
	s9 =	sld [smem:$0x3FB5]  }
0x2f: {  	lr =	sadd.s32 s0, s3;
	s0 =	sld [smem:$0x3FAC]  }
0x30: {  	s3 =	sld [smem:$0x3FAF]  }
0x31: {  	[smem:$0x3FB8] =	sst s10  }
0x32: {  	s10 =	sld [smem:$0x3FB6];
	_ =	sdelay $0x3  }
0x33: {  	p0 =	seq.s32 s10, $0x1;
	s10 =	sld [smem:$0x3FB8];
	_ =	sdelay $0x3  }
0x34: {  	[smem:$0x3FB8] =	sst s10  }
0x35: {  	s10 =	sld [smem:$0x3FB7];
	_ =	sdelay $0x3  }
0x36: {  	p1 =	seq.s32 s10, $0x1;
	s10 =	sld [smem:$0x3FB8];
	_ =	sdelay $0x3  }
0x37: {  	[smem:$0x3FB8] =	sst s10  }
0x38: {  	s10 =	sld [smem:$0x3FB9]  }
0x39: {  	_ = 	snop;
	(pc) =	sbr.ind lr, $3  }
0x3a: {  	_ = 	snop  }
0x3b: {  	_ = 	snop  }
0x3c: {  	p2 =	seq.s32 s10, $0x1;
	s10 =	sld [smem:$0x3FB8]  }
0x3d: {  	_ =	shalt  }
0x3e: {  	_ =	shalt  }
0x3f: {  	_ =	shalt  }
0x40: {  	_ =	shalt  }
0x41: {  	_ =	shalt  }
0x42: {  	_ =	shalt  }
0x43: {  	_ =	shalt  }
0x44: {  	_ =	shalt  }
0x45: {  	_ =	shalt  }
0x46: {  	_ =	shalt  }
0x47: {  	_ =	shalt  }
0x48: {  	_ =	shalt  }
0x49: {  	_ =	shalt  }
0x4a: {  	_ =	shalt  }
0x4b: {  	_ =	shalt  }
0x4c: {  	_ =	shalt  }
0x4d: {  	_ =	shalt  }
0x4e: {  	_ =	shalt  }
0x4f: {  	_ =	shalt  }
0x50: {  	_ =	shalt  }
0x51: {  	_ =	shalt  }
0x52: {  	_ =	shalt  }
0x53: {  	_ =	shalt  }
0x54: {  	_ =	shalt  }
0x55: {  	_ =	shalt  }
0x56: {  	_ =	shalt  }
0x57: {  	_ =	shalt  }
0x58: {  	_ =	shalt  }
0x59: {  	_ =	shalt  }
0x5a: {  	_ =	shalt  }
0x5b: {  	_ =	shalt  }
0x5c: {  	_ =	shalt  }
0x5d: {  	_ =	shalt  }
0x5e: {  	_ =	shalt  }
0x5f: {  	_ =	shalt  }
0x60: {  	_ =	shalt  }
0x61: {  	_ =	shalt  }
0x62: {  	_ =	shalt  }
0x63: {  	_ =	shalt  }
0x64: {  	_ =	shalt  }
0x65: {  	_ =	shalt  }
0x66: {  	_ =	shalt  }
0x67: {  	_ =	shalt  }
0x68: {  	_ =	shalt  }
0x69: {  	_ =	shalt  }
0x6a: {  	_ =	shalt  }
0x6b: {  	_ =	shalt  }
0x6c: {  	_ =	shalt  }
0x6d: {  	_ =	shalt  }
0x6e: {  	_ =	shalt  }
0x6f: {  	_ =	shalt  }
0x70: {  	_ =	shalt  }
0x71: {  	_ =	shalt  }
0x72: {  	_ =	shalt  }
0x73: {  	_ =	shalt  }
0x74: {  	_ =	shalt  }
0x75: {  	_ =	shalt  }
0x76: {  	_ =	shalt  }
0x77: {  	_ =	shalt  }
0x78: {  	_ =	shalt  }
0x79: {  	_ =	shalt  }
0x7a: {  	_ =	shalt  }
0x7b: {  	_ =	shalt  }
0x7c: {  	_ =	shalt  }
0x7d: {  	_ =	shalt  }
0x7e: {  	_ =	shalt  }
0x7f: {  	_ =	shalt  }
0x80: {  	_ =	shalt  }
0x81: {  	_ =	shalt  }
0x82: {  	_ =	shalt  }
0x83: {  	_ =	shalt  }
0x84: {  	_ =	shalt  }
0x85: {  	_ =	shalt  }
0x86: {  	_ =	shalt  }
0x87: {  	_ =	shalt  }
.Lfunc_end0:
.L_simem_size_0:
called_computation.1_lowered:
.L_overlay_start_0:
0x88: {  	s2 =	sld [smem:$0x3FD9]  }
0x89: {  	s3 =	sld [smem:$0x3FFE];
	_ =	sdelay $0x1  }
0x8a: {  	s1 =	srdreg.scid  }
0x8b: {  	s0 =	sand.u32 $0x1, s1  }
0x8c: {  	s17 =	sshll.u32 s0, $0xA;
	s2 =	sadd.s32 s3, s2  }
0x8d: {  	s2 =	sadd.s32 s2, s17  }
0x8e: {  	[smem:$0x3FC4] =	sst s2  }
0x8f: {  	_ = 	snop  }
0x90: {  	s2 =	sld [smem:$0x3FD0];
	(tm) =	ssettm $0x1  }
0x91: {  	s18 =	sld [smem:$0x3FFB];
	_ =	sdelay $0x3  }
0x92: {  	_ =	strace s18  }
0x93: {  	s3 =	sld [smem:$0x3FFC];
	_ =	sdelay $0x3  }
0x94: {  	_ =	strace s3  }
0x95: {  	s3 =	sld [smem:$0x3FFD];
	_ =	sdelay $0x3  }
0x96: {  	_ =	strace s3  }
0x97: {  	_ =	strace $0x8FFFFFFF  }
0x98: {  	s19 =	sld [smem:$0x3FDB];
	_ =	sdelay $0x1  }
0x99: {  	s4 =	simm.s32 $_scs_section_size  }
0x9a: {  	s5 =	simm.s32 $_size__tile_overlayer_lowered;
	s6 =	simm.s32 $_tile_overlayer_lowered  }
0x9b: {  	s22 =	simm.s32 $0x1BFF;
	s21 =	sshll.u32 s6, $0x1;
	s3 =	sadd.s32 s4, s19  }
0x9c: {  	s7 =	simm.s32 $0x0;
	s20 =	sshll.u32 s5, $0x1;
	s5 =	sadd.s32 s21, s3  }
0x9d: {  	[timem:s7], [sflag:s22] =	dma.local [hbm:s5], s20  }
0x9e: {  	_ =	swait.ge [sflag:s22], s20  }
0x9f: {  	s4 =	ssub.s32 $0x0, s20;
	[sflag:s22] =	ssyncset.done $0x0  }
0xa0: {  	[sflag:s22] =	ssyncadd.s32 s4;
	_ =	sdelay $0x1  }
0xa1: {  	s23 =	simm.s32 $0x1B8B  }
0xa2: {  	_ =	swait.ge [sflag:s23], $0x1  }
0xa3: {  	[sflag:s23] =	ssyncset.done $0x0  }
0xa4: {  	s25 =	simm.s32 $0x1B8E;
	s24 =	sld [smem:$0x3FFE];
	[sflag:s23] =	ssyncadd.s32 $0xFFFFFFFF  }
0xa5: {  	s26 =	simm.s32 $execute0_lowered;
	[smem:$0x3FD2] =	sst s25  }
0xa6: {  	s5 =	sshll.u32 s26, $0x1;
	_ =	strace $0x80000049;
	[dreg:$0x1] =	wrdreg $0xFFFFFFFF  }
0xa7: {  	s28 =	simm.s32 $_size_execute0_lowered;
	s3 =	sadd.s32 s3, s5;
	[dreg:$0x0] =	wrdreg $0x0  }
0xa8: {  	s5 =	sshll.u32 s28, $0x1;
	[dreg:$0x2] =	wrdreg s3  }
0xa9: {  	[dreg:$0x3] =	wrdreg s5  }
0xaa: {  	[dreg:$0x4] =	wrdreg $0xC0  }
0xab: {  	_ =	task [dreg:s7], $0x5FFFF  }
0xac: {  	[dreg:$0x1] =	wrdreg $0xFFFFFFFF  }
0xad: {  	[dreg:$0x0] =	wrdreg $0x60  }
0xae: {  	[dreg:$0x2] =	wrdreg s2  }
0xaf: {  	[dreg:$0x3] =	wrdreg s24  }
0xb0: {  	[dreg:$0x4] =	wrdreg $0x150000  }
0xb1: {  	[dreg:$0x5] =	wrdreg $0xF0000  }
0xb2: {  	[dreg:$0x6] =	wrdreg $0x9  }
0xb3: {  	_ =	task.clear_ibuf [dreg:s7], $0x7FFFF;
	_ =	strace $0x90000049  }
0xb4: {  	s29 =	simm.s32 $0x9;
	_ =	strace $0x8000004B  }
0xb5: {  	_ =	swait.ge [sflag:s29], $0x1  }
0xb6: {  	[sflag:s29] =	ssyncadd.s32 $0xFFFFFFFF  }
0xb7: {  	_ =	strace $0x9000004B  }
0xb8: {  	_ =	sfence  }
0xb9: {  	s30 =	sld [smem:$0x0];
	_ =	sdelay $0x2  }
0xba: {  	s31 =	sshll.u32 s1, $0xD;
	s1 =	sshrl.u32 s1, $0x2  }
0xbb: {  	s3 =	sand.u32 $0x4000, s31;
	s1 =	sadd.s32 s1, s30  }
0xbc: {  	s0 =	sor.u32 s3, s0;
	s1 =	sshll.u32 s1, $0x11  }
0xbd: {  	s0 =	sor.u32 s1, s0  }
0xbe: {  	s0 =	sadd.s32 $0x8F2B, s0  }
0xbf: {  	[sflag:s0] =	ssyncadd.remote.s32 $0x1  }
0xc0: {  	_ =	sfence.sel $0xFFFF  }
0xc1: {  	[dreg:$0x0] =	wrdreg $0xFFFFFFFF;
	(pc) =	sbr.abs _section_cstart, $3  }
0xc2: {  	[dreg:$0x1] =	wrdreg $0xFFFFFFFF  }
0xc3: {  	_ =	task.clear_ibuf [dreg:s7], $0x2FFFF;
	_ =	strace $0x9FFFFFFF  }
0xc4: {  	(tm) =	ssettm $0x7FFFFFFF  }
0xc5: {  	_ =	shalt  }
tec
execute0_lowered:
.L_overlay_start_1:
0x0: {  	(tag) =	ssettag $0x1  }
0x1: {  	s0 =	rddreg [dreg:$0x0]  }
0x2: {  	s1 =	rddreg [dreg:$0x1]  }
0x3: {  	s2 =	rddreg [dreg:$0x2]  }
0x4: {  	s3 =	rddreg [dreg:$0x3]  }
0x5: {  	s10 =	stileid.u32;
	s4 =	srdreg.scid;
	s8 =	simm.s32 $0x0  }
0x6: {  	s28 =	simm.s32 $0x9000;
	s29 =	simm.s32 $0x3;
	s31 =	simm.s32 $0xB000  }
0x7: {  	s13 =	simm.s32 $0x6;
	s15 =	simm.s32 $0x9;
	s12 =	simm.s32 $0x4F00  }
0x8: {  	s14 =	simm.s32 $0x0;
	s5 =	smul.u32 $0x6000, s10;
	s4 =	sand.u32 $0x1, s4  }
0x9: {  	s6 =	sshll.u32 s10, $0x1;
	[smem:$0x7FF] =	sst s8;
	s9 =	smul.u32 $0x18000, s10  }
0xa: {  	s10 =	sshll.u32 s10, $0x6;
	s8 =	simm.s32 $0x200;
	s6 =	sor.u32 s4, s6  }
0xb: {  	s7 =	smul.u32 $0x60000, s4;
	_ =	strace $0x8000004A;
	s4 =	ssub.s32 $0x2, s4  }
0xc: {  	[dreg:$0x7] =	wrdreg s10;
	s18 =	sshrl.u32 s5, $0x3;
	s6 =	smul.u32 $0x500, s6  }
0xd: {  	s19 =	sshrl.u32 s4, $0x1;
	s21 =	sadd.s32 s5, s2;
	s22 =	sshrl.u32 s9, $0x2  }
0xe: {  	s9 =	sor.u32 $0x1C01, s10;
	s25 =	sadd.s32 s5, s3;
	s11 =	sadd.s32 s18, s1  }
0xf: {  	s7 =	sadd.s32 s5, s7;
	s4 =	ssub.s32 s4, s19;
	s0 =	sadd.s32 s0, s18  }
0x10: {  	s10 =	sadd.s32 s22, s3;
	[dreg:$0xb] =	wrdreg s25;
	s18 =	simm.s32 $0x2800  }
0x11: {  	s19 =	sshrl.u32 s21, $0x3;
	s21 =	simm.s32 $0x1;
	s22 =	simm.s32 $0x2  }
0x12: {  	s25 =	simm.s32 $0x7000;
	s6 =	sadd.s32 s6, s1;
	s7 =	sshrl.u32 s7, $0x3  }
0x13: {  	[dreg:$0x8] =	wrdreg s0;
	s23 =	sadd.s32 $0x15E00, s11;
	s30 =	smax.u32 s4, $0x1  }
0x14: {  	s16 =	sadd.s32 $0x2000, s10;
	s17 =	sadd.s32 $0x4000, s10;
	s0 =	simm.s32 $0x4  }
0x15: {  	s4 =	simm.s32 $0x7;
	s11 =	simm.s32 $0x8;
	[dreg:$0x9] =	wrdreg s23  }
0x16: {  	s1 =	sadd.s32 s7, s1;
	s20 =	sadd.s32 $0x1E00, s6;
	[dreg:$0xd] =	wrdreg s30  }
0x17: {  	s6 =	sadd.s32 $0xBE00, s6;
	s23 =	simm.s32 $0x100;
	[dreg:$0x5] =	wrdreg s20  }
0x18: {  	[dreg:$0x6] =	wrdreg s6;
	s24 =	sadd.s32 $0x39E00, s1;
	s26 =	sadd.s32 $0x21E00, s1  }
0x19: {  	s20 =	simm.s32 $0xD000;
	s6 =	simm.s32 $0x5;
	[dreg:$0xa] =	wrdreg s24  }
0x1a: {  	v0 =	vimm.f32 $0.0e+00;
	[dreg:$0xc] =	wrdreg s26;
	s24 =	simm.s32 $0x5000;
	s26 =	simm.s32 $0xA  }
.LBB2_1:
0x1b: {  	s1 =	simm.s32 $0x0;
	s5 =	rddreg [dreg:$0x5]  }
0x1c: {  	[tilespmem:s1], [sflag:$0x2] =	stream.linear.gather [hbm4b:s5+s1], $0x2800, $0x38;
	[tilespmem:$0x1B000] =	vst v63  }
0x1d: {  	s30 =	rddreg [dreg:$0x6]  }
0x1e: {  	[tilespmem:s18], [sflag:$0x2] =	stream.linear.gather [hbm4b:s30+s1], $0x2800, $0x38;
	[tilespmem:$0x1B000] =	vst v63  }
0x1f: {  	s5 =	simm.s32 $0x0;
	s1 =	simm.s32 $0x80  }
.LBB2_2:
0x20: {  	p0 =	sne.s32 s1, $0x7F80;
	[tilespmem:s5+$0xD000] =	vst v0;
	s7 =	smov.u32 s1;
	s1 =	sadd.s32 $0x80, s1  }
.Ltmp0:
0x21: {  	[tilespmem:s5+$0xD010] =	vst v0;
	(pc) =	sbr.rel @p0 .LBB2_2-.Ltmp0, $2  }
0x22: {  	_ =	sdelay $0x2  }
0x23: {  	s5 =	sshra.s32 s7, $0x2  }
0x24: {  	[tilespmem:s5+$0xD000] =	vst v0  }
0x25: {  	[tilespmem:s5+$0xD010] =	vst v0;
	s1 =	rddreg [dreg:$0x8]  }
0x26: {  	[spmem:s19], [sflag:s9] =	dma.local [hbm:s1], $0xC00  }
0x27: {  	[spmem:s10] =	stream.linear.scatter [tilespmem:s20], [sflag:$0x1], $0x2000, $0x38;
	[tilespmem:$0x1B000] =	vst v63  }
0x28: {  	_ = 	snop  }
0x29: {  	[spmem:s16] =	stream.linear.scatter [tilespmem:s20], [sflag:$0x1], $0x2000, $0x38;
	[tilespmem:$0x1B000] =	vst v63  }
0x2a: {  	_ = 	snop  }
0x2b: {  	[spmem:s17] =	stream.linear.scatter [tilespmem:s20], [sflag:$0x1], $0x2000, $0x38;
	[tilespmem:$0x1B000] =	vst v63  }
0x2c: {  	_ =	swait.ge [sflag:s21], $0x2000  }
0x2d: {  	[sflag:s21] =	ssyncset.done $0x0  }
0x2e: {  	[sflag:s21] =	ssyncadd.s32 $0xFFFFE000  }
0x2f: {  	_ =	swait.ge [sflag:s21], $0x2000  }
0x30: {  	[sflag:s21] =	ssyncset.done $0x0  }
0x31: {  	[sflag:s21] =	ssyncadd.s32 $0xFFFFE000  }
0x32: {  	_ =	swait.ge [sflag:s21], $0x2000  }
0x33: {  	[sflag:s21] =	ssyncset.done $0x0  }
0x34: {  	[sflag:s21] =	ssyncadd.s32 $0xFFFFE000  }
0x35: {  	_ =	swait.ge [sflag:s22], $0x2800  }
0x36: {  	[sflag:s22] =	ssyncset.done $0x0  }
0x37: {  	[sflag:s22] =	ssyncadd.s32 $0xFFFFD800  }
0x38: {  	_ =	swait.ge [sflag:s22], $0x2800  }
0x39: {  	[sflag:s22] =	ssyncset.done $0x0  }
0x3a: {  	[sflag:s22] =	ssyncadd.s32 $0xFFFFD800  }
0x3b: {  	_ =	swait.ge [sflag:s21], $0xC00  }
0x3c: {  	[sflag:s21] =	ssyncset.done $0x0  }
0x3d: {  	[sflag:s21] =	ssyncadd.s32 $0xFFFFF400  }
0x3e: {  	s7 =	simm.s32 $0x0;
	[bflag:$0x0] =	sbarrier.arrive $0xFFFF  }
0x3f: {  	[tilespmem:s24], [sflag:$0x3] =	stream.indirect.gather [spmem:s2], $0x20, s7, s23, $0xb8;
	[tilespmem:$0x1B000] =	vst v63  }
0x40: {  	_ = 	snop  }
0x41: {  	[tilespmem:s25], [sflag:$0x4] =	stream.indirect.gather [spmem:s2], $0x20, s23, s23, $0xb8;
	[tilespmem:$0x1B000] =	vst v63  }
0x42: {  	_ = 	snop  }
0x43: {  	[tilespmem:s28], [sflag:$0x5] =	stream.indirect.gather [spmem:s2], $0x20, s8, s23, $0xb8;
	[tilespmem:$0x1B000] =	vst v63  }
0x44: {  	_ =	swait.ge [sflag:s29], $0x2000  }
0x45: {  	[sflag:s29] =	ssyncset.done $0x0  }
0x46: {  	[sflag:s29] =	ssyncadd.s32 $0xFFFFE000  }
0x47: {  	[spmem:s3] =	stream.indirect.scatter.add.f32 [tilespmem:s24], [sflag:$0x7], $0x20, s18, s23, $0xb8;
	[tilespmem:$0x1B000] =	vst v63  }
0x48: {  	s30 =	simm.s32 $0x300  }
0x49: {  	[tilespmem:s31], [sflag:$0x6] =	stream.indirect.gather [spmem:s2], $0x20, s30, s23, $0xb8;
	[tilespmem:$0x1B000] =	vst v63  }
0x4a: {  	_ =	swait.ge [sflag:s0], $0x2000  }
0x4b: {  	[sflag:s0] =	ssyncset.done $0x0  }
0x4c: {  	s5 =	simm.s32 $0x2900;
	[sflag:s0] =	ssyncadd.s32 $0xFFFFE000  }
0x4d: {  	[spmem:s3] =	stream.indirect.scatter.add.f32 [tilespmem:s25], [sflag:$0x8], $0x20, s5, s23, $0xb8;
	[tilespmem:$0x1B000] =	vst v63  }
0x4e: {  	_ =	swait.ge [sflag:s4], $0x2000  }
0x4f: {  	[sflag:s4] =	ssyncset.done $0x0  }
0x50: {  	s7 =	simm.s32 $0x400;
	[sflag:s4] =	ssyncadd.s32 $0xFFFFE000  }
0x51: {  	[tilespmem:s24], [sflag:$0x3] =	stream.indirect.gather [spmem:s2], $0x20, s7, s23, $0xb8;
	[tilespmem:$0x1B000] =	vst v63  }
0x52: {  	_ =	swait.ge [sflag:s6], $0x2000  }
0x53: {  	[sflag:s6] =	ssyncset.done $0x0  }
0x54: {  	s30 =	simm.s32 $0x2A00;
	[sflag:s6] =	ssyncadd.s32 $0xFFFFE000  }
0x55: {  	[spmem:s3] =	stream.indirect.scatter.add.f32 [tilespmem:s28], [sflag:$0x9], $0x20, s30, s23, $0xb8;
	[tilespmem:$0x1B000] =	vst v63  }
0x56: {  	_ =	swait.ge [sflag:s11], $0x2000  }
0x57: {  	[sflag:s11] =	ssyncset.done $0x0  }
0x58: {  	s5 =	simm.s32 $0x500;
	[sflag:s11] =	ssyncadd.s32 $0xFFFFE000  }
0x59: {  	[tilespmem:s25], [sflag:$0x4] =	stream.indirect.gather [spmem:s2], $0x20, s5, s23, $0xb8;
	[tilespmem:$0x1B000] =	vst v63  }
0x5a: {  	_ =	swait.ge [sflag:s13], $0x2000  }
0x5b: {  	[sflag:s13] =	ssyncset.done $0x0  }
0x5c: {  	s7 =	simm.s32 $0x2B00;
	[sflag:s13] =	ssyncadd.s32 $0xFFFFE000  }
0x5d: {  	[spmem:s3] =	stream.indirect.scatter.add.f32 [tilespmem:s31], [sflag:$0xA], $0x20, s7, s23, $0xb8;
	[tilespmem:$0x1B000] =	vst v63  }
0x5e: {  	_ =	swait.ge [sflag:s15], $0x2000  }
0x5f: {  	[sflag:s15] =	ssyncset.done $0x0  }
0x60: {  	s30 =	simm.s32 $0x600;
	[sflag:s15] =	ssyncadd.s32 $0xFFFFE000  }
0x61: {  	[tilespmem:s28], [sflag:$0x5] =	stream.indirect.gather [spmem:s2], $0x20, s30, s23, $0xb8;
	[tilespmem:$0x1B000] =	vst v63  }
0x62: {  	_ =	swait.ge [sflag:s29], $0x2000  }
0x63: {  	[sflag:s29] =	ssyncset.done $0x0  }
0x64: {  	s5 =	simm.s32 $0x2C00;
	[sflag:s29] =	ssyncadd.s32 $0xFFFFE000  }
0x65: {  	[spmem:s3] =	stream.indirect.scatter.add.f32 [tilespmem:s24], [sflag:$0x7], $0x20, s5, s23, $0xb8;
	[tilespmem:$0x1B000] =	vst v63  }
0x66: {  	_ =	swait.ge [sflag:s26], $0x2000  }
0x67: {  	[sflag:s26] =	ssyncset.done $0x0  }
0x68: {  	s7 =	simm.s32 $0x700;
	[sflag:s26] =	ssyncadd.s32 $0xFFFFE000  }
0x69: {  	[tilespmem:s31], [sflag:$0x6] =	stream.indirect.gather [spmem:s2], $0x20, s7, s23, $0xb8;
	[tilespmem:$0x1B000] =	vst v63  }
0x6a: {  	_ =	swait.ge [sflag:s0], $0x2000  }
0x6b: {  	[sflag:s0] =	ssyncset.done $0x0  }
0x6c: {  	s30 =	simm.s32 $0x2D00;
	[sflag:s0] =	ssyncadd.s32 $0xFFFFE000  }
0x6d: {  	[spmem:s3] =	stream.indirect.scatter.add.f32 [tilespmem:s25], [sflag:$0x8], $0x20, s30, s23, $0xb8;
	[tilespmem:$0x1B000] =	vst v63  }
0x6e: {  	_ =	swait.ge [sflag:s4], $0x2000  }
0x6f: {  	[sflag:s4] =	ssyncset.done $0x0  }
0x70: {  	s5 =	simm.s32 $0x800;
	[sflag:s4] =	ssyncadd.s32 $0xFFFFE000  }
0x71: {  	[tilespmem:s24], [sflag:$0x3] =	stream.indirect.gather [spmem:s2], $0x20, s5, s23, $0xb8;
	[tilespmem:$0x1B000] =	vst v63  }
0x72: {  	_ =	swait.ge [sflag:s6], $0x2000  }
0x73: {  	[sflag:s6] =	ssyncset.done $0x0  }
0x74: {  	s7 =	simm.s32 $0x2E00;
	[sflag:s6] =	ssyncadd.s32 $0xFFFFE000  }
0x75: {  	[spmem:s3] =	stream.indirect.scatter.add.f32 [tilespmem:s28], [sflag:$0x9], $0x20, s7, s23, $0xb8;
	[tilespmem:$0x1B000] =	vst v63  }
0x76: {  	_ =	swait.ge [sflag:s11], $0x2000  }
0x77: {  	[sflag:s11] =	ssyncset.done $0x0  }
0x78: {  	s30 =	simm.s32 $0x900;
	[sflag:s11] =	ssyncadd.s32 $0xFFFFE000  }
0x79: {  	[tilespmem:s25], [sflag:$0x4] =	stream.indirect.gather [spmem:s2], $0x20, s30, s23, $0xb8;
	[tilespmem:$0x1B000] =	vst v63  }
0x7a: {  	_ =	swait.ge [sflag:s13], $0x2000  }
0x7b: {  	[sflag:s13] =	ssyncset.done $0x0  }
0x7c: {  	s1 =	simm.s32 $0x2F00;
	s7 =	simm.s32 $0x1000;
	[sflag:s13] =	ssyncadd.s32 $0xFFFFE000  }
.LBB2_4:
0x7d: {  	[spmem:s3] =	stream.indirect.scatter.add.f32 [tilespmem:s31], [sflag:$0xA], $0x20, s1, s23, $0xb8;
	[tilespmem:$0x1B000] =	vst v63  }
0x7e: {  	s1 =	smov.u32 s7  }
0x7f: {  	p0 =	sne.s32 s7, $0x7000;
	s7 =	sadd.s32 $0x1000, s7;
	_ =	swait.ge [sflag:s15], $0x2000  }
0x80: {  	s1 =	sshra.s32 s1, $0x2;
	[sflag:s15] =	ssyncset.done $0x0  }
0x81: {  	s5 =	sadd.s32 $0x600, s1;
	[sflag:s15] =	ssyncadd.s32 $0xFFFFE000  }
0x82: {  	[tilespmem:s28], [sflag:$0x5] =	stream.indirect.gather [spmem:s2], $0x20, s5, s23, $0xb8;
	[tilespmem:$0x1B000] =	vst v63  }
0x83: {  	_ =	swait.ge [sflag:s29], $0x2000  }
0x84: {  	[sflag:s29] =	ssyncset.done $0x0  }
0x85: {  	s5 =	sadd.s32 $0x2C00, s1;
	[sflag:s29] =	ssyncadd.s32 $0xFFFFE000  }
0x86: {  	[spmem:s3] =	stream.indirect.scatter.add.f32 [tilespmem:s24], [sflag:$0x7], $0x20, s5, s23, $0xb8;
	[tilespmem:$0x1B000] =	vst v63  }
0x87: {  	_ =	swait.ge [sflag:s26], $0x2000  }
0x88: {  	[sflag:s26] =	ssyncset.done $0x0  }
0x89: {  	s5 =	sadd.s32 $0x700, s1;
	[sflag:s26] =	ssyncadd.s32 $0xFFFFE000  }
0x8a: {  	[tilespmem:s31], [sflag:$0x6] =	stream.indirect.gather [spmem:s2], $0x20, s5, s23, $0xb8;
	[tilespmem:$0x1B000] =	vst v63  }
0x8b: {  	_ =	swait.ge [sflag:s0], $0x2000  }
0x8c: {  	[sflag:s0] =	ssyncset.done $0x0  }
0x8d: {  	s5 =	sadd.s32 $0x2D00, s1;
	[sflag:s0] =	ssyncadd.s32 $0xFFFFE000  }
0x8e: {  	[spmem:s3] =	stream.indirect.scatter.add.f32 [tilespmem:s25], [sflag:$0x8], $0x20, s5, s23, $0xb8;
	[tilespmem:$0x1B000] =	vst v63  }
0x8f: {  	_ =	swait.ge [sflag:s4], $0x2000  }
0x90: {  	[sflag:s4] =	ssyncset.done $0x0  }
0x91: {  	s5 =	sadd.s32 $0x800, s1;
	[sflag:s4] =	ssyncadd.s32 $0xFFFFE000  }
0x92: {  	[tilespmem:s24], [sflag:$0x3] =	stream.indirect.gather [spmem:s2], $0x20, s5, s23, $0xb8;
	[tilespmem:$0x1B000] =	vst v63  }
0x93: {  	_ =	swait.ge [sflag:s6], $0x2000  }
0x94: {  	[sflag:s6] =	ssyncset.done $0x0  }
0x95: {  	s5 =	sadd.s32 $0x2E00, s1;
	[sflag:s6] =	ssyncadd.s32 $0xFFFFE000  }
0x96: {  	[spmem:s3] =	stream.indirect.scatter.add.f32 [tilespmem:s28], [sflag:$0x9], $0x20, s5, s23, $0xb8;
	[tilespmem:$0x1B000] =	vst v63  }
0x97: {  	_ =	swait.ge [sflag:s11], $0x2000  }
0x98: {  	[sflag:s11] =	ssyncset.done $0x0  }
.Ltmp1:
0x99: {  	s5 =	sadd.s32 $0x900, s1;
	[sflag:s11] =	ssyncadd.s32 $0xFFFFE000;
	(pc) =	sbr.rel @p0 .LBB2_4-.Ltmp1, $4  }
0x9a: {  	[tilespmem:s25], [sflag:$0x4] =	stream.indirect.gather [spmem:s2], $0x20, s5, s23, $0xb8;
	[tilespmem:$0x1B000] =	vst v63  }
0x9b: {  	_ =	swait.ge [sflag:s13], $0x2000  }
0x9c: {  	[sflag:s13] =	ssyncset.done $0x0  }
0x9d: {  	s1 =	sadd.s32 $0x2F00, s1;
	[sflag:s13] =	ssyncadd.s32 $0xFFFFE000  }
0x9e: {  	[spmem:s3] =	stream.indirect.scatter.add.f32 [tilespmem:s31], [sflag:$0xA], $0x20, s1, s23, $0xb8;
	[tilespmem:$0x1B000] =	vst v63  }
0x9f: {  	_ =	swait.ge [sflag:s15], $0x2000  }
0xa0: {  	[sflag:s15] =	ssyncset.done $0x0  }
0xa1: {  	s5 =	simm.s32 $0x2600;
	[sflag:s15] =	ssyncadd.s32 $0xFFFFE000  }
0xa2: {  	[tilespmem:s28], [sflag:$0x5] =	stream.indirect.gather [spmem:s2], $0x20, s5, s23, $0xb8;
	[tilespmem:$0x1B000] =	vst v63  }
0xa3: {  	_ =	swait.ge [sflag:s29], $0x2000  }
0xa4: {  	[sflag:s29] =	ssyncset.done $0x0  }
0xa5: {  	s7 =	simm.s32 $0x4C00;
	[sflag:s29] =	ssyncadd.s32 $0xFFFFE000  }
0xa6: {  	[spmem:s3] =	stream.indirect.scatter.add.f32 [tilespmem:s24], [sflag:$0x7], $0x20, s7, s23, $0xb8;
	[tilespmem:$0x1B000] =	vst v63  }
0xa7: {  	_ =	swait.ge [sflag:s26], $0x2000  }
0xa8: {  	[sflag:s26] =	ssyncset.done $0x0  }
0xa9: {  	s5 =	simm.s32 $0x2700;
	[sflag:s26] =	ssyncadd.s32 $0xFFFFE000  }
0xaa: {  	[tilespmem:s31], [sflag:$0x6] =	stream.indirect.gather [spmem:s2], $0x20, s5, s23, $0xb8;
	[tilespmem:$0x1B000] =	vst v63  }
0xab: {  	_ =	swait.ge [sflag:s0], $0x2000  }
0xac: {  	[sflag:s0] =	ssyncset.done $0x0  }
0xad: {  	s7 =	simm.s32 $0x4D00;
	[sflag:s0] =	ssyncadd.s32 $0xFFFFE000  }
0xae: {  	[spmem:s3] =	stream.indirect.scatter.add.f32 [tilespmem:s25], [sflag:$0x8], $0x20, s7, s23, $0xb8;
	[tilespmem:$0x1B000] =	vst v63  }
0xaf: {  	_ =	swait.ge [sflag:s6], $0x2000  }
0xb0: {  	[sflag:s6] =	ssyncset.done $0x0  }
0xb1: {  	s5 =	simm.s32 $0x4E00;
	[sflag:s6] =	ssyncadd.s32 $0xFFFFE000  }
0xb2: {  	[spmem:s3] =	stream.indirect.scatter.add.f32 [tilespmem:s28], [sflag:$0x9], $0x20, s5, s23, $0xb8;
	[tilespmem:$0x1B000] =	vst v63  }
0xb3: {  	_ =	swait.ge [sflag:s13], $0x2000  }
0xb4: {  	[sflag:s13] =	ssyncset.done $0x0  }
0xb5: {  	[sflag:s13] =	ssyncadd.s32 $0xFFFFE000  }
0xb6: {  	[spmem:s3] =	stream.indirect.scatter.add.f32 [tilespmem:s31], [sflag:$0xA], $0x20, s12, s23, $0xb8;
	[tilespmem:$0x1B000] =	vst v63  }
0xb7: {  	_ =	swait.ge [sflag:s4], $0x2000  }
0xb8: {  	[sflag:s4] =	ssyncset.done $0x0  }
0xb9: {  	[sflag:s4] =	ssyncadd.s32 $0xFFFFE000  }
0xba: {  	_ =	swait.ge [sflag:s11], $0x2000  }
0xbb: {  	[sflag:s11] =	ssyncset.done $0x0  }
0xbc: {  	[sflag:s11] =	ssyncadd.s32 $0xFFFFE000  }
0xbd: {  	_ =	swait.ge [sflag:s15], $0x2000  }
0xbe: {  	[sflag:s15] =	ssyncset.done $0x0  }
0xbf: {  	[sflag:s15] =	ssyncadd.s32 $0xFFFFE000  }
0xc0: {  	_ =	swait.ge [sflag:s26], $0x2000  }
0xc1: {  	[sflag:s26] =	ssyncset.done $0x0  }
0xc2: {  	[sflag:s26] =	ssyncadd.s32 $0xFFFFE000  }
0xc3: {  	[bflag:$0x0] =	sbarrier.arrive $0xFFFF  }
0xc4: {  	s7 =	rddreg [dreg:$0x9]  }
0xc5: {  	[spmem:s19], [sflag:s9] =	dma.local [hbm:s7], $0xC00  }
0xc6: {  	s1 =	rddreg [dreg:$0x7]  }
0xc7: {  	s5 =	rddreg [dreg:$0xb]  }
0xc8: {  	s7 =	sor.u32 $0x1C02, s1;
	s30 =	sshrl.u32 s5, $0x3;
	s5 =	rddreg [dreg:$0xa]  }
0xc9: {  	[hbm:s5], [sflag:s7] =	dma.local [spmem:s30], $0xC00  }
0xca: {  	_ =	swait.ge [sflag:s22], $0xC00  }
0xcb: {  	[sflag:s22] =	ssyncset.done $0x0  }
0xcc: {  	[sflag:s22] =	ssyncadd.s32 $0xFFFFF400  }
0xcd: {  	[spmem:s10] =	stream.linear.scatter [tilespmem:s20], [sflag:$0x1], $0x2000, $0x38;
	[tilespmem:$0x1B000] =	vst v63  }
0xce: {  	_ = 	snop  }
0xcf: {  	[spmem:s16] =	stream.linear.scatter [tilespmem:s20], [sflag:$0x1], $0x2000, $0x38;
	[tilespmem:$0x1B000] =	vst v63  }
0xd0: {  	_ = 	snop  }
0xd1: {  	[spmem:s17] =	stream.linear.scatter [tilespmem:s20], [sflag:$0x1], $0x2000, $0x38;
	[tilespmem:$0x1B000] =	vst v63  }
0xd2: {  	_ =	swait.ge [sflag:s21], $0x2000  }
0xd3: {  	[sflag:s21] =	ssyncset.done $0x0  }
0xd4: {  	[sflag:s21] =	ssyncadd.s32 $0xFFFFE000  }
0xd5: {  	_ =	swait.ge [sflag:s21], $0x2000  }
0xd6: {  	[sflag:s21] =	ssyncset.done $0x0  }
0xd7: {  	[sflag:s21] =	ssyncadd.s32 $0xFFFFE000  }
0xd8: {  	_ =	swait.ge [sflag:s21], $0x2000  }
0xd9: {  	[sflag:s21] =	ssyncset.done $0x0  }
0xda: {  	[sflag:s21] =	ssyncadd.s32 $0xFFFFE000  }
0xdb: {  	_ =	swait.ge [sflag:s21], $0xC00  }
0xdc: {  	[sflag:s21] =	ssyncset.done $0x0  }
0xdd: {  	[sflag:s21] =	ssyncadd.s32 $0xFFFFF400  }
0xde: {  	s5 =	simm.s32 $0x0;
	[bflag:$0x0] =	sbarrier.arrive $0xFFFF  }
0xdf: {  	[tilespmem:s24], [sflag:$0x3] =	stream.indirect.gather [spmem:s2], $0x20, s5, s23, $0xb8;
	[tilespmem:$0x1B000] =	vst v63  }
0xe0: {  	_ = 	snop  }
0xe1: {  	[tilespmem:s25], [sflag:$0x4] =	stream.indirect.gather [spmem:s2], $0x20, s23, s23, $0xb8;
	[tilespmem:$0x1B000] =	vst v63  }
0xe2: {  	_ = 	snop  }
0xe3: {  	[tilespmem:s28], [sflag:$0x5] =	stream.indirect.gather [spmem:s2], $0x20, s8, s23, $0xb8;
	[tilespmem:$0x1B000] =	vst v63  }
0xe4: {  	_ =	swait.ge [sflag:s29], $0x2000  }
0xe5: {  	[sflag:s29] =	ssyncset.done $0x0  }
0xe6: {  	[sflag:s29] =	ssyncadd.s32 $0xFFFFE000  }
0xe7: {  	[spmem:s3] =	stream.indirect.scatter.add.f32 [tilespmem:s24], [sflag:$0x7], $0x20, s18, s23, $0xb8;
	[tilespmem:$0x1B000] =	vst v63  }
0xe8: {  	s8 =	simm.s32 $0x300  }
0xe9: {  	[tilespmem:s31], [sflag:$0x6] =	stream.indirect.gather [spmem:s2], $0x20, s8, s23, $0xb8;
	[tilespmem:$0x1B000] =	vst v63  }
0xea: {  	_ =	swait.ge [sflag:s0], $0x2000  }
0xeb: {  	[sflag:s0] =	ssyncset.done $0x0  }
0xec: {  	s5 =	simm.s32 $0x2900;
	[sflag:s0] =	ssyncadd.s32 $0xFFFFE000  }
0xed: {  	[spmem:s3] =	stream.indirect.scatter.add.f32 [tilespmem:s25], [sflag:$0x8], $0x20, s5, s23, $0xb8;
	[tilespmem:$0x1B000] =	vst v63  }
0xee: {  	_ =	swait.ge [sflag:s4], $0x2000  }
0xef: {  	[sflag:s4] =	ssyncset.done $0x0  }
0xf0: {  	s8 =	simm.s32 $0x400;
	[sflag:s4] =	ssyncadd.s32 $0xFFFFE000  }
0xf1: {  	[tilespmem:s24], [sflag:$0x3] =	stream.indirect.gather [spmem:s2], $0x20, s8, s23, $0xb8;
	[tilespmem:$0x1B000] =	vst v63  }
0xf2: {  	_ =	swait.ge [sflag:s6], $0x2000  }
0xf3: {  	[sflag:s6] =	ssyncset.done $0x0  }
0xf4: {  	s5 =	simm.s32 $0x2A00;
	[sflag:s6] =	ssyncadd.s32 $0xFFFFE000  }
0xf5: {  	[spmem:s3] =	stream.indirect.scatter.add.f32 [tilespmem:s28], [sflag:$0x9], $0x20, s5, s23, $0xb8;
	[tilespmem:$0x1B000] =	vst v63  }
0xf6: {  	_ =	swait.ge [sflag:s11], $0x2000  }
0xf7: {  	[sflag:s11] =	ssyncset.done $0x0  }
0xf8: {  	s8 =	simm.s32 $0x500;
	[sflag:s11] =	ssyncadd.s32 $0xFFFFE000  }
0xf9: {  	[tilespmem:s25], [sflag:$0x4] =	stream.indirect.gather [spmem:s2], $0x20, s8, s23, $0xb8;
	[tilespmem:$0x1B000] =	vst v63  }
0xfa: {  	_ =	swait.ge [sflag:s13], $0x2000  }
0xfb: {  	[sflag:s13] =	ssyncset.done $0x0  }
0xfc: {  	s5 =	simm.s32 $0x2B00;
	[sflag:s13] =	ssyncadd.s32 $0xFFFFE000  }
0xfd: {  	[spmem:s3] =	stream.indirect.scatter.add.f32 [tilespmem:s31], [sflag:$0xA], $0x20, s5, s23, $0xb8;
	[tilespmem:$0x1B000] =	vst v63  }
0xfe: {  	_ =	swait.ge [sflag:s15], $0x2000  }
0xff: {  	[sflag:s15] =	ssyncset.done $0x0  }
0x100: {  	s8 =	simm.s32 $0x600;
	[sflag:s15] =	ssyncadd.s32 $0xFFFFE000  }
0x101: {  	[tilespmem:s28], [sflag:$0x5] =	stream.indirect.gather [spmem:s2], $0x20, s8, s23, $0xb8;
	[tilespmem:$0x1B000] =	vst v63  }
0x102: {  	_ =	swait.ge [sflag:s29], $0x2000  }
0x103: {  	[sflag:s29] =	ssyncset.done $0x0  }
0x104: {  	s5 =	simm.s32 $0x2C00;
	[sflag:s29] =	ssyncadd.s32 $0xFFFFE000  }
0x105: {  	[spmem:s3] =	stream.indirect.scatter.add.f32 [tilespmem:s24], [sflag:$0x7], $0x20, s5, s23, $0xb8;
	[tilespmem:$0x1B000] =	vst v63  }
0x106: {  	_ =	swait.ge [sflag:s26], $0x2000  }
0x107: {  	[sflag:s26] =	ssyncset.done $0x0  }
0x108: {  	s8 =	simm.s32 $0x700;
	[sflag:s26] =	ssyncadd.s32 $0xFFFFE000  }
0x109: {  	[tilespmem:s31], [sflag:$0x6] =	stream.indirect.gather [spmem:s2], $0x20, s8, s23, $0xb8;
	[tilespmem:$0x1B000] =	vst v63  }
0x10a: {  	_ =	swait.ge [sflag:s0], $0x2000  }
0x10b: {  	[sflag:s0] =	ssyncset.done $0x0  }
0x10c: {  	s5 =	simm.s32 $0x2D00;
	[sflag:s0] =	ssyncadd.s32 $0xFFFFE000  }
0x10d: {  	[spmem:s3] =	stream.indirect.scatter.add.f32 [tilespmem:s25], [sflag:$0x8], $0x20, s5, s23, $0xb8;
	[tilespmem:$0x1B000] =	vst v63  }
0x10e: {  	_ =	swait.ge [sflag:s4], $0x2000  }
0x10f: {  	[sflag:s4] =	ssyncset.done $0x0  }
0x110: {  	s8 =	simm.s32 $0x800;
	[sflag:s4] =	ssyncadd.s32 $0xFFFFE000  }
0x111: {  	[tilespmem:s24], [sflag:$0x3] =	stream.indirect.gather [spmem:s2], $0x20, s8, s23, $0xb8;
	[tilespmem:$0x1B000] =	vst v63  }
0x112: {  	_ =	swait.ge [sflag:s6], $0x2000  }
0x113: {  	[sflag:s6] =	ssyncset.done $0x0  }
0x114: {  	s5 =	simm.s32 $0x2E00;
	[sflag:s6] =	ssyncadd.s32 $0xFFFFE000  }
0x115: {  	[spmem:s3] =	stream.indirect.scatter.add.f32 [tilespmem:s28], [sflag:$0x9], $0x20, s5, s23, $0xb8;
	[tilespmem:$0x1B000] =	vst v63  }
0x116: {  	_ =	swait.ge [sflag:s11], $0x2000  }
0x117: {  	[sflag:s11] =	ssyncset.done $0x0  }
0x118: {  	s8 =	simm.s32 $0x900;
	[sflag:s11] =	ssyncadd.s32 $0xFFFFE000  }
0x119: {  	[tilespmem:s25], [sflag:$0x4] =	stream.indirect.gather [spmem:s2], $0x20, s8, s23, $0xb8;
	[tilespmem:$0x1B000] =	vst v63  }
0x11a: {  	_ =	swait.ge [sflag:s13], $0x2000  }
0x11b: {  	[sflag:s13] =	ssyncset.done $0x0  }
0x11c: {  	s1 =	simm.s32 $0x1000;
	s5 =	simm.s32 $0x2F00;
	[sflag:s13] =	ssyncadd.s32 $0xFFFFE000  }
.LBB2_6:
0x11d: {  	[spmem:s3] =	stream.indirect.scatter.add.f32 [tilespmem:s31], [sflag:$0xA], $0x20, s5, s23, $0xb8;
	[tilespmem:$0x1B000] =	vst v63  }
0x11e: {  	s5 =	smov.u32 s1  }
0x11f: {  	p0 =	sne.s32 s1, $0x7000;
	s1 =	sadd.s32 $0x1000, s1;
	_ =	swait.ge [sflag:s15], $0x2000  }
0x120: {  	s5 =	sshra.s32 s5, $0x2;
	[sflag:s15] =	ssyncset.done $0x0  }
0x121: {  	s8 =	sadd.s32 $0x600, s5;
	[sflag:s15] =	ssyncadd.s32 $0xFFFFE000  }
0x122: {  	[tilespmem:s28], [sflag:$0x5] =	stream.indirect.gather [spmem:s2], $0x20, s8, s23, $0xb8;
	[tilespmem:$0x1B000] =	vst v63  }
0x123: {  	_ =	swait.ge [sflag:s29], $0x2000  }
0x124: {  	[sflag:s29] =	ssyncset.done $0x0  }
0x125: {  	s8 =	sadd.s32 $0x2C00, s5;
	[sflag:s29] =	ssyncadd.s32 $0xFFFFE000  }
0x126: {  	[spmem:s3] =	stream.indirect.scatter.add.f32 [tilespmem:s24], [sflag:$0x7], $0x20, s8, s23, $0xb8;
	[tilespmem:$0x1B000] =	vst v63  }
0x127: {  	_ =	swait.ge [sflag:s26], $0x2000  }
0x128: {  	[sflag:s26] =	ssyncset.done $0x0  }
0x129: {  	s8 =	sadd.s32 $0x700, s5;
	[sflag:s26] =	ssyncadd.s32 $0xFFFFE000  }
0x12a: {  	[tilespmem:s31], [sflag:$0x6] =	stream.indirect.gather [spmem:s2], $0x20, s8, s23, $0xb8;
	[tilespmem:$0x1B000] =	vst v63  }
0x12b: {  	_ =	swait.ge [sflag:s0], $0x2000  }
0x12c: {  	[sflag:s0] =	ssyncset.done $0x0  }
0x12d: {  	s8 =	sadd.s32 $0x2D00, s5;
	[sflag:s0] =	ssyncadd.s32 $0xFFFFE000  }
0x12e: {  	[spmem:s3] =	stream.indirect.scatter.add.f32 [tilespmem:s25], [sflag:$0x8], $0x20, s8, s23, $0xb8;
	[tilespmem:$0x1B000] =	vst v63  }
0x12f: {  	_ =	swait.ge [sflag:s4], $0x2000  }
0x130: {  	[sflag:s4] =	ssyncset.done $0x0  }
0x131: {  	s8 =	sadd.s32 $0x800, s5;
	[sflag:s4] =	ssyncadd.s32 $0xFFFFE000  }
0x132: {  	[tilespmem:s24], [sflag:$0x3] =	stream.indirect.gather [spmem:s2], $0x20, s8, s23, $0xb8;
	[tilespmem:$0x1B000] =	vst v63  }
0x133: {  	_ =	swait.ge [sflag:s6], $0x2000  }
0x134: {  	[sflag:s6] =	ssyncset.done $0x0  }
0x135: {  	s8 =	sadd.s32 $0x2E00, s5;
	[sflag:s6] =	ssyncadd.s32 $0xFFFFE000  }
0x136: {  	[spmem:s3] =	stream.indirect.scatter.add.f32 [tilespmem:s28], [sflag:$0x9], $0x20, s8, s23, $0xb8;
	[tilespmem:$0x1B000] =	vst v63  }
0x137: {  	_ =	swait.ge [sflag:s11], $0x2000  }
0x138: {  	[sflag:s11] =	ssyncset.done $0x0  }
.Ltmp2:
0x139: {  	s8 =	sadd.s32 $0x900, s5;
	[sflag:s11] =	ssyncadd.s32 $0xFFFFE000;
	(pc) =	sbr.rel @p0 .LBB2_6-.Ltmp2, $4  }
0x13a: {  	[tilespmem:s25], [sflag:$0x4] =	stream.indirect.gather [spmem:s2], $0x20, s8, s23, $0xb8;
	[tilespmem:$0x1B000] =	vst v63  }
0x13b: {  	_ =	swait.ge [sflag:s13], $0x2000  }
0x13c: {  	[sflag:s13] =	ssyncset.done $0x0  }
0x13d: {  	s5 =	sadd.s32 $0x2F00, s5;
	[sflag:s13] =	ssyncadd.s32 $0xFFFFE000  }
0x13e: {  	[spmem:s3] =	stream.indirect.scatter.add.f32 [tilespmem:s31], [sflag:$0xA], $0x20, s5, s23, $0xb8;
	[tilespmem:$0x1B000] =	vst v63  }
0x13f: {  	_ =	swait.ge [sflag:s15], $0x2000  }
0x140: {  	[sflag:s15] =	ssyncset.done $0x0  }
0x141: {  	s1 =	simm.s32 $0x2600;
	[sflag:s15] =	ssyncadd.s32 $0xFFFFE000  }
0x142: {  	[tilespmem:s28], [sflag:$0x5] =	stream.indirect.gather [spmem:s2], $0x20, s1, s23, $0xb8;
	[tilespmem:$0x1B000] =	vst v63  }
0x143: {  	_ =	swait.ge [sflag:s29], $0x2000  }
0x144: {  	[sflag:s29] =	ssyncset.done $0x0  }
0x145: {  	s8 =	simm.s32 $0x4C00;
	[sflag:s29] =	ssyncadd.s32 $0xFFFFE000  }
0x146: {  	[spmem:s3] =	stream.indirect.scatter.add.f32 [tilespmem:s24], [sflag:$0x7], $0x20, s8, s23, $0xb8;
	[tilespmem:$0x1B000] =	vst v63  }
0x147: {  	_ =	swait.ge [sflag:s26], $0x2000  }
0x148: {  	[sflag:s26] =	ssyncset.done $0x0  }
0x149: {  	s5 =	simm.s32 $0x2700;
	[sflag:s26] =	ssyncadd.s32 $0xFFFFE000  }
0x14a: {  	[tilespmem:s31], [sflag:$0x6] =	stream.indirect.gather [spmem:s2], $0x20, s5, s23, $0xb8;
	[tilespmem:$0x1B000] =	vst v63  }
0x14b: {  	_ =	swait.ge [sflag:s0], $0x2000  }
0x14c: {  	[sflag:s0] =	ssyncset.done $0x0  }
0x14d: {  	s8 =	simm.s32 $0x4D00;
	[sflag:s0] =	ssyncadd.s32 $0xFFFFE000  }
0x14e: {  	[spmem:s3] =	stream.indirect.scatter.add.f32 [tilespmem:s25], [sflag:$0x8], $0x20, s8, s23, $0xb8;
	[tilespmem:$0x1B000] =	vst v63  }
0x14f: {  	_ =	swait.ge [sflag:s6], $0x2000  }
0x150: {  	[sflag:s6] =	ssyncset.done $0x0  }
0x151: {  	s5 =	simm.s32 $0x4E00;
	[sflag:s6] =	ssyncadd.s32 $0xFFFFE000  }
0x152: {  	[spmem:s3] =	stream.indirect.scatter.add.f32 [tilespmem:s28], [sflag:$0x9], $0x20, s5, s23, $0xb8;
	[tilespmem:$0x1B000] =	vst v63  }
0x153: {  	_ =	swait.ge [sflag:s13], $0x2000  }
0x154: {  	[sflag:s13] =	ssyncset.done $0x0  }
0x155: {  	[sflag:s13] =	ssyncadd.s32 $0xFFFFE000  }
0x156: {  	[spmem:s3] =	stream.indirect.scatter.add.f32 [tilespmem:s31], [sflag:$0xA], $0x20, s12, s23, $0xb8;
	[tilespmem:$0x1B000] =	vst v63  }
0x157: {  	_ =	swait.ge [sflag:s4], $0x2000  }
0x158: {  	[sflag:s4] =	ssyncset.done $0x0  }
0x159: {  	[sflag:s4] =	ssyncadd.s32 $0xFFFFE000  }
0x15a: {  	_ =	swait.ge [sflag:s11], $0x2000  }
0x15b: {  	[sflag:s11] =	ssyncset.done $0x0  }
0x15c: {  	[sflag:s11] =	ssyncadd.s32 $0xFFFFE000  }
0x15d: {  	_ =	swait.ge [sflag:s15], $0x2000  }
0x15e: {  	[sflag:s15] =	ssyncset.done $0x0  }
0x15f: {  	[sflag:s15] =	ssyncadd.s32 $0xFFFFE000  }
0x160: {  	_ =	swait.ge [sflag:s26], $0x2000  }
0x161: {  	[sflag:s26] =	ssyncset.done $0x0  }
0x162: {  	[sflag:s26] =	ssyncadd.s32 $0xFFFFE000  }
0x163: {  	[bflag:$0x0] =	sbarrier.arrive $0xFFFF  }
0x164: {  	s8 =	rddreg [dreg:$0xc]  }
0x165: {  	[hbm:s8], [sflag:s7] =	dma.local [spmem:s30], $0xC00  }
0x166: {  	_ =	swait.ge [sflag:s22], $0xC00  }
0x167: {  	s14 =	sadd.s32 $0x1, s14;
	s30 =	rddreg [dreg:$0xd]  }
0x168: {  	p0 =	sne.s32 s14, s30  }
.Ltmp3:
0x169: {  	_ = 	snop;
	(pc) =	sbr.rel @p0 .LBB2_1-.Ltmp3, $3  }
0x16a: {  	_ =	sdelay $0x1  }
0x16b: {  	[sflag:s22] =	ssyncset.done $0x0  }
0x16c: {  	s8 =	simm.s32 $0x200;
	[sflag:s22] =	ssyncadd.s32 $0xFFFFF400  }
0x16d: {  	_ =	sfence.sel $0x180000  }
0x16e: {  	[bflag:$0x0] =	sbarrier.arrive $0xFFFF  }
0x16f: {  	_ =	strace $0x9000004A  }
0x170: {  	s0 =	stileid.u32;
	[bflag:$0x2] =	sbarrier.arrive $0xFFFF  }
0x171: {  	p0 =	sne.s32 s0, $0x0;
	s0 =	rddreg [dreg:$0x4]  }
0x172: {  	s0 =	sadd.s32 @!p0 $0x100000, s0  }
0x173: {  	[sflag:s0] =	ssyncadd.tile.s32 @!p0 $0x1;
	_ =	shalt  }
.Lfunc_end2:
_tile_overlayer_lowered:
.L_overlay_start_2:
0x174: {  	(tag) =	ssettag $0x2  }
0x175: {  	s0 =	rddreg [dreg:$0x0];
	s2 =	stileid.u32  }
0x176: {  	s1 =	rddreg [dreg:$0x1];
	p0 =	sne.s32 s2, $0x0  }
0x177: {  	s3 =	rddreg [dreg:$0x2];
	[bflag:$0x3] =	sbarrier.arrive $0xFFFF;
	s2 =	simm.s32 @!p0 $0x1C0B  }
0x178: {  	[timem:s3], [sflag:s2] =	dma.local @!p0 [hbm:s0], s1  }
0x179: {  	s0 =	simm.s32 @!p0 $0xB  }
0x17a: {  	_ =	swait.ge @!p0 [sflag:s0], s1  }
0x17b: {  	s1 =	ssub.s32 @!p0 $0x0, s1;
	[sflag:s0] =	ssyncset.done @!p0 $0x0  }
0x17c: {  	[sflag:s0] =	ssyncadd.s32 @!p0 s1  }
0x17d: {  	[bflag:$0x3] =	sbarrier.arrive $0xFFFF  }
0x17e: {  	_ =	shalt  }

// kernel: kernel.7.cloned.1.call-start
scs
__scs_entry_jumppad:
0x0: {  	(pc) =	sbr.rel $0x88, $3  }
0x1: {  	(tag) =	ssettag $0x0;
	lr =	simm.s32 $0x1  }
0x2: {  	[smem:$0x3F9D] =	sst lr;
	_ =	strace $0xD0000000  }
0x3: {  	_ = 	snop  }
0x4: {  	_ = 	snop  }
0x5: {  	_ = 	snop  }
0x6: {  	_ = 	snop  }
0x7: {  	_ = 	snop  }
__scs_overlays_trampoline_lowered:
0x8: {  	[smem:$0x3FAC] =	sst s0  }
0x9: {  	[smem:$0x3FAD] =	sst s1  }
0xa: {  	[smem:$0x3FAE] =	sst s2  }
0xb: {  	[smem:$0x3FAF] =	sst s3  }
0xc: {  	[smem:$0x3FB0] =	sst s4  }
0xd: {  	[smem:$0x3FB1] =	sst s5  }
0xe: {  	[smem:$0x3FB2] =	sst s6  }
0xf: {  	[smem:$0x3FB3] =	sst s7  }
0x10: {  	[smem:$0x3FB4] =	sst s8  }
0x11: {  	[smem:$0x3FB5] =	sst s9;
	s0 =	simm.s32 @!p0 $0x0  }
0x12: {  	s1 =	sld [smem:$0x3F9B];
	s0 =	simm.s32 @p0 $0x1  }
0x13: {  	[smem:$0x3FB6] =	sst s0;
	s0 =	simm.s32 @!p1 $0x0  }
0x14: {  	s2 =	sld [smem:$0x3F9A];
	s0 =	simm.s32 @p1 $0x1  }
0x15: {  	[smem:$0x3FB7] =	sst s0;
	s0 =	simm.s32 @!p2 $0x0  }
0x16: {  	s3 =	sld [smem:$0x3FDB];
	s0 =	simm.s32 @p2 $0x1  }
0x17: {  	s4 =	simm.s32 $0x1BF5;
	[smem:$0x3FB9] =	sst s0  }
0x18: {  	s0 =	sld [smem:$0x3F9C];
	_ =	swait.ge [sflag:s4], $0x0  }
0x19: {  	s7 =	sld [smem:$0x3F9D]  }
0x1a: {  	s8 =	sadd.s32 $0xFFFFE003, lr  }
0x1b: {  	s9 =	sadd.s32 $0xFFFFFEF7, lr;
	s5 =	simm.s32 $0xFFFFFFFF;
	p2 =	slt.u32 s8, $0xFFFFF086  }
0x1c: {  	p1 =	slt.u32 s9, $0xF7A;
	s5 =	simm.s32 @!p2 $0x0  }
0x1d: {  	s5 =	simm.s32 @p1 $0x1;
	p0 =	seq.s32 s7, s2  }
0x1e: {  	s7 =	smul.u32 @!p0 $0xF7A, s2;
	p2 =	seq.s32 @!p0 s5, $0x0  }
0x1f: {  	s9 =	smul.u32 $0xF7A, s1;
	s8 =	simm.s32 @!p0 $0x1BF5;
	p2 =	por !p2, p0  }
0x20: {  	[sflag:s8] =	ssyncset.s32 @!p0 $0xFFFFF086;
	s6 =	sadd.s32 @!p0 s3, s7;
	s7 =	simm.s32 @!p0 $0x108  }
0x21: {  	s3 =	sadd.s32 s3, s9;
	s6 =	sadd.s32 @!p0 $0x88, s6;
	s7 =	simm.s32 @p2 $0x1082  }
0x22: {  	[simem:s7], [sflag:s8] =	dma.local @!p0 [hbm:s6], $0xF7A  }
0x23: {  	s9 =	sor.u32 $0xD0000000, s2;
	s6 =	simm.s32 $0x108;
	_ =	swait.ge @!p0 [sflag:s8], $0x0  }
0x24: {  	s3 =	sadd.s32 $0x88, s3;
	s6 =	simm.s32 @!p1 $0x1082;
	[sflag:s4] =	ssyncset.s32 $0xFFFFF086  }
0x25: {  	[simem:s6], [sflag:s4] =	dma.local [hbm:s3], $0xF7A  }
0x26: {  	[smem:$0x3F9D] =	sst s1;
	(tag) =	ssettag s2;
	_ =	strace s9  }
0x27: {  	s1 =	sld [smem:$0x3FAD]  }
0x28: {  	s2 =	sld [smem:$0x3FAE]  }
0x29: {  	s4 =	sld [smem:$0x3FB0]  }
0x2a: {  	p0 =	seq.s32 s5, $0x0;
	s5 =	sld [smem:$0x3FB1]  }
0x2b: {  	s6 =	sld [smem:$0x3FB2]  }
0x2c: {  	s7 =	sld [smem:$0x3FB3]  }
0x2d: {  	s3 =	simm.s32 $0x108;
	s8 =	sld [smem:$0x3FB4]  }
0x2e: {  	s3 =	simm.s32 @!p0 $0x1082;
	s9 =	sld [smem:$0x3FB5]  }
0x2f: {  	lr =	sadd.s32 s0, s3;
	s0 =	sld [smem:$0x3FAC]  }
0x30: {  	s3 =	sld [smem:$0x3FAF]  }
0x31: {  	[smem:$0x3FB8] =	sst s10  }
0x32: {  	s10 =	sld [smem:$0x3FB6];
	_ =	sdelay $0x3  }
0x33: {  	p0 =	seq.s32 s10, $0x1;
	s10 =	sld [smem:$0x3FB8];
	_ =	sdelay $0x3  }
0x34: {  	[smem:$0x3FB8] =	sst s10  }
0x35: {  	s10 =	sld [smem:$0x3FB7];
	_ =	sdelay $0x3  }
0x36: {  	p1 =	seq.s32 s10, $0x1;
	s10 =	sld [smem:$0x3FB8];
	_ =	sdelay $0x3  }
0x37: {  	[smem:$0x3FB8] =	sst s10  }
0x38: {  	s10 =	sld [smem:$0x3FB9]  }
0x39: {  	_ = 	snop;
	(pc) =	sbr.ind lr, $3  }
0x3a: {  	_ = 	snop  }
0x3b: {  	_ = 	snop  }
0x3c: {  	p2 =	seq.s32 s10, $0x1;
	s10 =	sld [smem:$0x3FB8]  }
0x3d: {  	_ =	shalt  }
0x3e: {  	_ =	shalt  }
0x3f: {  	_ =	shalt  }
0x40: {  	_ =	shalt  }
0x41: {  	_ =	shalt  }
0x42: {  	_ =	shalt  }
0x43: {  	_ =	shalt  }
0x44: {  	_ =	shalt  }
0x45: {  	_ =	shalt  }
0x46: {  	_ =	shalt  }
0x47: {  	_ =	shalt  }
0x48: {  	_ =	shalt  }
0x49: {  	_ =	shalt  }
0x4a: {  	_ =	shalt  }
0x4b: {  	_ =	shalt  }
0x4c: {  	_ =	shalt  }
0x4d: {  	_ =	shalt  }
0x4e: {  	_ =	shalt  }
0x4f: {  	_ =	shalt  }
0x50: {  	_ =	shalt  }
0x51: {  	_ =	shalt  }
0x52: {  	_ =	shalt  }
0x53: {  	_ =	shalt  }
0x54: {  	_ =	shalt  }
0x55: {  	_ =	shalt  }
0x56: {  	_ =	shalt  }
0x57: {  	_ =	shalt  }
0x58: {  	_ =	shalt  }
0x59: {  	_ =	shalt  }
0x5a: {  	_ =	shalt  }
0x5b: {  	_ =	shalt  }
0x5c: {  	_ =	shalt  }
0x5d: {  	_ =	shalt  }
0x5e: {  	_ =	shalt  }
0x5f: {  	_ =	shalt  }
0x60: {  	_ =	shalt  }
0x61: {  	_ =	shalt  }
0x62: {  	_ =	shalt  }
0x63: {  	_ =	shalt  }
0x64: {  	_ =	shalt  }
0x65: {  	_ =	shalt  }
0x66: {  	_ =	shalt  }
0x67: {  	_ =	shalt  }
0x68: {  	_ =	shalt  }
0x69: {  	_ =	shalt  }
0x6a: {  	_ =	shalt  }
0x6b: {  	_ =	shalt  }
0x6c: {  	_ =	shalt  }
0x6d: {  	_ =	shalt  }
0x6e: {  	_ =	shalt  }
0x6f: {  	_ =	shalt  }
0x70: {  	_ =	shalt  }
0x71: {  	_ =	shalt  }
0x72: {  	_ =	shalt  }
0x73: {  	_ =	shalt  }
0x74: {  	_ =	shalt  }
0x75: {  	_ =	shalt  }
0x76: {  	_ =	shalt  }
0x77: {  	_ =	shalt  }
0x78: {  	_ =	shalt  }
0x79: {  	_ =	shalt  }
0x7a: {  	_ =	shalt  }
0x7b: {  	_ =	shalt  }
0x7c: {  	_ =	shalt  }
0x7d: {  	_ =	shalt  }
0x7e: {  	_ =	shalt  }
0x7f: {  	_ =	shalt  }
0x80: {  	_ =	shalt  }
0x81: {  	_ =	shalt  }
0x82: {  	_ =	shalt  }
0x83: {  	_ =	shalt  }
0x84: {  	_ =	shalt  }
0x85: {  	_ =	shalt  }
0x86: {  	_ =	shalt  }
0x87: {  	_ =	shalt  }
.Lfunc_end0:
.L_simem_size_0:
called_computation_lowered:
.L_overlay_start_0:
0x88: {  	s2 =	sld [smem:$0x3FD9]  }
0x89: {  	s3 =	sld [smem:$0x3FFE];
	_ =	sdelay $0x1  }
0x8a: {  	s1 =	srdreg.scid  }
0x8b: {  	s0 =	sand.u32 $0x1, s1  }
0x8c: {  	s17 =	sshll.u32 s0, $0xA;
	s2 =	sadd.s32 s3, s2  }
0x8d: {  	s2 =	sadd.s32 s2, s17  }
0x8e: {  	[smem:$0x3FC4] =	sst s2  }
0x8f: {  	_ = 	snop  }
0x90: {  	s2 =	sld [smem:$0x3FD0];
	(tm) =	ssettm $0x1  }
0x91: {  	s18 =	sld [smem:$0x3FFB];
	_ =	sdelay $0x3  }
0x92: {  	_ =	strace s18  }
0x93: {  	s3 =	sld [smem:$0x3FFC];
	_ =	sdelay $0x3  }
0x94: {  	_ =	strace s3  }
0x95: {  	s3 =	sld [smem:$0x3FFD];
	_ =	sdelay $0x3  }
0x96: {  	_ =	strace s3  }
0x97: {  	_ =	strace $0x8FFFFFFF  }
0x98: {  	s19 =	sld [smem:$0x3FDB];
	_ =	sdelay $0x1  }
0x99: {  	s4 =	simm.s32 $_scs_section_size  }
0x9a: {  	s5 =	simm.s32 $_size__tile_overlayer_lowered;
	s6 =	simm.s32 $_tile_overlayer_lowered  }
0x9b: {  	s22 =	simm.s32 $0x1BFF;
	s21 =	sshll.u32 s6, $0x1;
	s3 =	sadd.s32 s4, s19  }
0x9c: {  	s7 =	simm.s32 $0x0;
	s20 =	sshll.u32 s5, $0x1;
	s5 =	sadd.s32 s21, s3  }
0x9d: {  	[timem:s7], [sflag:s22] =	dma.local [hbm:s5], s20  }
0x9e: {  	_ =	swait.ge [sflag:s22], s20  }
0x9f: {  	s4 =	ssub.s32 $0x0, s20;
	[sflag:s22] =	ssyncset.done $0x0  }
0xa0: {  	[sflag:s22] =	ssyncadd.s32 s4;
	_ =	sdelay $0x1  }
0xa1: {  	s23 =	simm.s32 $0x1B8B  }
0xa2: {  	_ =	swait.ge [sflag:s23], $0x1  }
0xa3: {  	[sflag:s23] =	ssyncset.done $0x0  }
0xa4: {  	s25 =	simm.s32 $0x1B8E;
	s24 =	sld [smem:$0x3FFE];
	[sflag:s23] =	ssyncadd.s32 $0xFFFFFFFF  }
0xa5: {  	s26 =	simm.s32 $execute0_lowered;
	[smem:$0x3FD2] =	sst s25  }
0xa6: {  	s5 =	sshll.u32 s26, $0x1;
	_ =	strace $0x80000046;
	[dreg:$0x1] =	wrdreg $0xFFFFFFFF  }
0xa7: {  	s28 =	simm.s32 $_size_execute0_lowered;
	s3 =	sadd.s32 s3, s5;
	[dreg:$0x0] =	wrdreg $0x0  }
0xa8: {  	s5 =	sshll.u32 s28, $0x1;
	[dreg:$0x2] =	wrdreg s3  }
0xa9: {  	[dreg:$0x3] =	wrdreg s5  }
0xaa: {  	[dreg:$0x4] =	wrdreg $0xC0  }
0xab: {  	_ =	task [dreg:s7], $0x5FFFF  }
0xac: {  	[dreg:$0x1] =	wrdreg $0xFFFFFFFF  }
0xad: {  	[dreg:$0x0] =	wrdreg $0x60  }
0xae: {  	[dreg:$0x2] =	wrdreg s24  }
0xaf: {  	[dreg:$0x3] =	wrdreg s2  }
0xb0: {  	[dreg:$0x4] =	wrdreg $0x48000  }
0xb1: {  	[dreg:$0x5] =	wrdreg $0x9  }
0xb2: {  	_ =	task.clear_ibuf [dreg:s7], $0x6FFFF;
	_ =	strace $0x90000046  }
0xb3: {  	s29 =	simm.s32 $0x9;
	_ =	strace $0x80000048  }
0xb4: {  	_ =	swait.ge [sflag:s29], $0x1  }
0xb5: {  	[sflag:s29] =	ssyncadd.s32 $0xFFFFFFFF  }
0xb6: {  	_ =	strace $0x90000048  }
0xb7: {  	_ =	sfence  }
0xb8: {  	s30 =	sld [smem:$0x0];
	_ =	sdelay $0x2  }
0xb9: {  	s31 =	sshll.u32 s1, $0xD;
	s1 =	sshrl.u32 s1, $0x2  }
0xba: {  	s3 =	sand.u32 $0x4000, s31;
	s1 =	sadd.s32 s1, s30  }
0xbb: {  	s0 =	sor.u32 s3, s0;
	s1 =	sshll.u32 s1, $0x11  }
0xbc: {  	s0 =	sor.u32 s1, s0  }
0xbd: {  	s0 =	sadd.s32 $0x8F2B, s0  }
0xbe: {  	[sflag:s0] =	ssyncadd.remote.s32 $0x1  }
0xbf: {  	_ =	sfence.sel $0xFFFF  }
0xc0: {  	[dreg:$0x0] =	wrdreg $0xFFFFFFFF;
	(pc) =	sbr.abs _section_cstart, $3  }
0xc1: {  	[dreg:$0x1] =	wrdreg $0xFFFFFFFF  }
0xc2: {  	_ =	task.clear_ibuf [dreg:s7], $0x2FFFF;
	_ =	strace $0x9FFFFFFF  }
0xc3: {  	(tm) =	ssettm $0x7FFFFFFF  }
tec
execute0_lowered:
.L_overlay_start_1:
0x0: {  	(tag) =	ssettag $0x1  }
0x1: {  	s4 =	rddreg [dreg:$0x0]  }
0x2: {  	s1 =	srdreg.scid;
	s6 =	rddreg [dreg:$0x1]  }
0x3: {  	s0 =	stileid.u32;
	s2 =	rddreg [dreg:$0x2];
	s3 =	simm.s32 $0x0  }
0x4: {  	s12 =	simm.s32 $0x2;
	s13 =	simm.s32 $0x100;
	s14 =	simm.s32 $0x2800  }
0x5: {  	s17 =	simm.s32 $0x0;
	s5 =	sand.u32 $0x1, s1;
	s9 =	smul.u32 $0x3000, s0  }
0x6: {  	s26 =	sshll.u32 s0, $0x1;
	[smem:$0x7FF] =	sst s3;
	s11 =	smul.u32 $0xC000, s0  }
0x7: {  	s15 =	sshll.u32 s0, $0x6;
	s1 =	sor.u32 s5, s26;
	s8 =	smul.u32 $0x30000, s5  }
0x8: {  	s5 =	ssub.s32 $0x2, s5;
	s15 =	sor.u32 $0x1C01, s15;
	s7 =	smul.u32 $0x500, s1  }
0x9: {  	s1 =	rddreg [dreg:$0x3];
	_ =	strace $0x80000047;
	s10 =	sshrl.u32 s5, $0x1  }
0xa: {  	s30 =	sshrl.u32 s11, $0x2;
	s16 =	sadd.s32 s9, s2;
	s11 =	simm.s32 $0x1  }
0xb: {  	s28 =	ssub.s32 s5, s10;
	s29 =	sadd.s32 s9, s8;
	s5 =	sadd.s32 s30, s2  }
0xc: {  	s10 =	simm.s32 $0x3800;
	s16 =	sshrl.u32 s16, $0x3;
	s4 =	sadd.s32 s7, s4  }
0xd: {  	s31 =	sshrl.u32 s29, $0x3;
	s7 =	smax.u32 s28, $0x1;
	s8 =	sadd.s32 $0x1000, s5  }
0xe: {  	v0 =	vimm.f32 $1.000000000e+00;
	v1 =	vimm.f32 $0.0e+00;
	s9 =	sadd.s32 $0x2000, s5;
	s4 =	sadd.s32 $0xBE00, s4;
	s6 =	sadd.s32 s6, s31  }
.LBB2_1:
0xf: {  	[tilespmem:s3], [sflag:$0x2] =	stream.linear.gather [hbm4b:s4+s3], $0x2800, $0x38;
	[tilespmem:$0x7800] =	vst v63  }
0x10: {  	s18 =	simm.s32 $0x0  }
.LBB2_2:
0x11: {  	p0 =	sne.s32 s18, $0x3FC0  }
.Ltmp0:
0x12: {  	_ = 	snop;
	(pc) =	sbr.rel @p0 .LBB2_2-.Ltmp0, $3  }
0x13: {  	_ =	sdelay $0x1  }
0x14: {  	s19 =	sshra.s32 s18, $0x2  }
0x15: {  	s18 =	sadd.s32 $0x40, s18;
	[tilespmem:s19+$0x2800] =	vst v0  }
0x16: {  	s18 =	simm.s32 $0x40;
	s19 =	simm.s32 $0x0  }
.LBB2_4:
0x17: {  	p0 =	sne.s32 s18, $0x3FC0;
	[tilespmem:s19+$0x3800] =	vst v1;
	s19 =	smov.u32 s18;
	s18 =	sadd.s32 $0x40, s18  }
.Ltmp1:
0x18: {  	(pc) =	sbr.rel @p0 .LBB2_4-.Ltmp1, $2  }
0x19: {  	_ =	sdelay $0x2  }
0x1a: {  	s19 =	sshra.s32 s19, $0x2  }
0x1b: {  	[tilespmem:s19+$0x3800] =	vst v1  }
0x1c: {  	[spmem:s5] =	stream.linear.scatter [tilespmem:s10], [sflag:$0x1], $0x1000, $0x38;
	[tilespmem:$0x7800] =	vst v63  }
0x1d: {  	_ = 	snop  }
0x1e: {  	[spmem:s8] =	stream.linear.scatter [tilespmem:s10], [sflag:$0x1], $0x1000, $0x38;
	[tilespmem:$0x7800] =	vst v63  }
0x1f: {  	_ = 	snop  }
0x20: {  	[spmem:s9] =	stream.linear.scatter [tilespmem:s10], [sflag:$0x1], $0x1000, $0x38;
	[tilespmem:$0x7800] =	vst v63  }
0x21: {  	_ =	swait.ge [sflag:s11], $0x1000  }
0x22: {  	[sflag:s11] =	ssyncset.done $0x0  }
0x23: {  	[sflag:s11] =	ssyncadd.s32 $0xFFFFF000  }
0x24: {  	_ =	swait.ge [sflag:s11], $0x1000  }
0x25: {  	[sflag:s11] =	ssyncset.done $0x0  }
0x26: {  	[sflag:s11] =	ssyncadd.s32 $0xFFFFF000  }
0x27: {  	_ =	swait.ge [sflag:s11], $0x1000  }
0x28: {  	[sflag:s11] =	ssyncset.done $0x0  }
0x29: {  	[sflag:s11] =	ssyncadd.s32 $0xFFFFF000  }
0x2a: {  	_ =	swait.ge [sflag:s12], $0x2800  }
0x2b: {  	[sflag:s12] =	ssyncset.done $0x0  }
0x2c: {  	p0 =	por $0x1, $0x1;
	[sflag:s12] =	ssyncadd.s32 $0xFFFFD800  }
0x2d: {  	s18 =	simm.s32 $0x0;
	s20 =	simm.s32 @!p0 $0x2;
	[bflag:$0x0] =	sbarrier.arrive $0xFFFF  }
0x2e: {  	[spmem:s2] =	stream.indirect.scatter.add.f32 [tilespmem:s14], [sflag:$0x2], $0x10, s18, s13, $0xb8;
	[tilespmem:$0x7800] =	vst v63  }
0x2f: {  	_ =	swait.ge @!p0 [sflag:s20], $0x1000  }
0x30: {  	s19 =	simm.s32 $0x1;
	[sflag:s20] =	ssyncset.done @!p0 $0x0  }
.LBB2_6:
0x31: {  	[sflag:s20] =	ssyncadd.s32 @!p0 $0xFFFFF000  }
0x32: {  	s18 =	sadd.s32 $0x100, s18;
	s20 =	smov.u32 s19;
	s19 =	sadd.s32 $0x1, s19  }
0x33: {  	p1 =	sne.s32 s19, $0x28  }
0x34: {  	[spmem:s2] =	stream.indirect.scatter.add.f32 [tilespmem:s14], [sflag:$0x2], $0x10, s18, s13, $0xb8;
	[tilespmem:$0x7800] =	vst v63  }
.Ltmp2:
0x35: {  	_ = 	snop;
	(pc) =	sbr.rel @p1 .LBB2_6-.Ltmp2, $4  }
0x36: {  	p0 =	slt.u32 s20, $0x8  }
0x37: {  	s20 =	simm.s32 @!p0 $0x2  }
0x38: {  	_ =	swait.ge @!p0 [sflag:s20], $0x1000  }
0x39: {  	[sflag:s20] =	ssyncset.done @!p0 $0x0  }
0x3a: {  	[sflag:s20] =	ssyncadd.s32 @!p0 $0xFFFFF000  }
0x3b: {  	_ =	swait.ge [sflag:s12], $0x1000  }
0x3c: {  	[sflag:s12] =	ssyncset.done $0x0  }
0x3d: {  	[sflag:s12] =	ssyncadd.s32 $0xFFFFF000  }
0x3e: {  	_ =	swait.ge [sflag:s12], $0x1000  }
0x3f: {  	[sflag:s12] =	ssyncset.done $0x0  }
0x40: {  	[sflag:s12] =	ssyncadd.s32 $0xFFFFF000  }
0x41: {  	_ =	swait.ge [sflag:s12], $0x1000  }
0x42: {  	[sflag:s12] =	ssyncset.done $0x0  }
0x43: {  	[sflag:s12] =	ssyncadd.s32 $0xFFFFF000  }
0x44: {  	_ =	swait.ge [sflag:s12], $0x1000  }
0x45: {  	[sflag:s12] =	ssyncset.done $0x0  }
0x46: {  	[sflag:s12] =	ssyncadd.s32 $0xFFFFF000  }
0x47: {  	_ =	swait.ge [sflag:s12], $0x1000  }
0x48: {  	[sflag:s12] =	ssyncset.done $0x0  }
0x49: {  	[sflag:s12] =	ssyncadd.s32 $0xFFFFF000  }
0x4a: {  	_ =	swait.ge [sflag:s12], $0x1000  }
0x4b: {  	[sflag:s12] =	ssyncset.done $0x0  }
0x4c: {  	[sflag:s12] =	ssyncadd.s32 $0xFFFFF000  }
0x4d: {  	_ =	swait.ge [sflag:s12], $0x1000  }
0x4e: {  	[sflag:s12] =	ssyncset.done $0x0  }
0x4f: {  	[sflag:s12] =	ssyncadd.s32 $0xFFFFF000  }
0x50: {  	_ =	swait.ge [sflag:s12], $0x1000  }
0x51: {  	s17 =	sadd.s32 $0x1, s17;
	[sflag:s12] =	ssyncset.done $0x0  }
0x52: {  	p0 =	sne.s32 s17, s7;
	[sflag:s12] =	ssyncadd.s32 $0xFFFFF000  }
.Ltmp3:
0x53: {  	[bflag:$0x0] =	sbarrier.arrive $0xFFFF;
	(pc) =	sbr.rel @p0 .LBB2_1-.Ltmp3, $4  }
0x54: {  	[hbm:s6], [sflag:s15] =	dma.local [spmem:s16], $0x600  }
0x55: {  	_ =	swait.ge [sflag:s11], $0x600  }
0x56: {  	[sflag:s11] =	ssyncset.done $0x0  }
0x57: {  	[sflag:s11] =	ssyncadd.s32 $0xFFFFFA00  }
0x58: {  	_ =	sfence.sel $0x180000  }
0x59: {  	[bflag:$0x0] =	sbarrier.arrive $0xFFFF  }
0x5a: {  	p0 =	sne.s32 s0, $0x0;
	_ =	strace $0x90000047  }
0x5b: {  	s0 =	sadd.s32 @!p0 $0x100000, s1;
	[bflag:$0x2] =	sbarrier.arrive $0xFFFF  }
0x5c: {  	[sflag:s0] =	ssyncadd.tile.s32 @!p0 $0x1;
	_ =	shalt  }
.Lfunc_end2:
_tile_overlayer_lowered:
.L_overlay_start_2:
0x5d: {  	(tag) =	ssettag $0x2  }
0x5e: {  	s0 =	rddreg [dreg:$0x0];
	s2 =	stileid.u32  }
0x5f: {  	s1 =	rddreg [dreg:$0x1];
	p0 =	sne.s32 s2, $0x0  }
0x60: {  	s3 =	rddreg [dreg:$0x2];
	[bflag:$0x3] =	sbarrier.arrive $0xFFFF;
	s2 =	simm.s32 @!p0 $0x1C03  }
0x61: {  	[timem:s3], [sflag:s2] =	dma.local @!p0 [hbm:s0], s1  }
0x62: {  	s0 =	simm.s32 @!p0 $0x3  }
0x63: {  	_ =	swait.ge @!p0 [sflag:s0], s1  }
0x64: {  	s1 =	ssub.s32 @!p0 $0x0, s1;
	[sflag:s0] =	ssyncset.done @!p0 $0x0  }
0x65: {  	[sflag:s0] =	ssyncadd.s32 @!p0 s1  }
0x66: {  	[bflag:$0x3] =	sbarrier.arrive $0xFFFF  }
0x67: {  	_ =	shalt  }

</sc_bundles>
